<compile_context>
chip_gen: v7x
topology: tpu7x:2x2x1
jax: 0.10.2.dev20260603
libtpu: 0.0.44.dev20260713+nightly
codegen_flags: <defaults>
</compile_context>

<pallas_src>
import functools

import jax
import jax.numpy as jnp
from jax import lax
from jax.experimental import pallas as pl
from jax.experimental.pallas import tpu as pltpu
from jax.experimental.pallas import tpu_sc as plsc

N = 10000
NP = 10240
E = 160000
EPAD = 163840
B = 128
ERWS = EPAD // B
NF = 9
VOCAB = 128
VROWS = NF * VOCAB
F = N * NF
FPAD = 98304
FRWS = FPAD // B
D = 256
HD = 128
STRIPE = NP // 16
GRID = 16

@functools.cache
def _get_mesh():
    return plsc.VectorSubcoreMesh(core_axis_name="c", subcore_axis_name="s")


@functools.cache
def _make_agg(trows, irws, hd=HD):
    rpt = irws // 16
    nch = rpt // 16

    @functools.partial(
        pl.kernel,
        out_type=jax.ShapeDtypeStruct((2 * NP, hd), jnp.float32),
        mesh=_get_mesh(),
        scratch_types=[
            pltpu.VMEM_SHARED((NP, hd), jnp.float32),
            pltpu.VMEM((16, B), jnp.int32),
            pltpu.VMEM((16, B), jnp.int32),
            pltpu.VMEM((B, hd), jnp.float32),
            pltpu.VMEM((B, hd), jnp.float32),
            pltpu.SemaphoreType.DMA,
            pltpu.SemaphoreType.DMA,
        ],
    )
    def k(table, g01, si, zf, z_o, acc, vgi, vsi, vra, vrb, sem_a, sem_b):
        c = lax.axis_index("c")
        s = lax.axis_index("s")
        st = pl.ds(s * STRIPE, STRIPE)
        pltpu.sync_copy(zf, acc.at[st])
        plsc.subcore_barrier()

        def chunk(kk, carry):
            row0 = s * rpt + kk * 16
            pltpu.sync_copy(g01.at[pl.ds(c * irws + row0, 16)], vgi)
            pltpu.sync_copy(si.at[pl.ds(row0, 16)], vsi)
            pltpu.async_copy(table.at[vgi.at[0]], vra, sem_a)

            def pair(i, carry2):
                b0 = 2 * i
                pltpu.async_copy(table.at[vgi.at[b0 + 1]], vrb, sem_b)
                pltpu.make_async_copy(table.at[vgi.at[b0]], vra, sem_a).wait()
                pltpu.sync_copy(vra, acc.at[vsi.at[b0]], add=True)

                @pl.when(i < 8 - 1)
                def _():
                    pltpu.async_copy(table.at[vgi.at[b0 + 2]], vra, sem_a)

                pltpu.make_async_copy(table.at[vgi.at[b0 + 1]], vrb,
                                      sem_b).wait()
                pltpu.sync_copy(vrb, acc.at[vsi.at[b0 + 1]], add=True)
                return carry2

            lax.fori_loop(0, 8, pair, 0)
            return carry

        lax.fori_loop(0, nch, chunk, 0)
        plsc.subcore_barrier()
        pltpu.sync_copy(acc.at[st], z_o.at[pl.ds(c * NP + s * STRIPE, STRIPE)])

    return k


def _sc_emb(*args):
    return _make_agg(2 * VROWS, FRWS)(*args)


def _sc_edge(*args):
    return _make_agg(2 * NP, ERWS)(*args)


@functools.cache
def _make_deg():
    rpt = ERWS // 16

    @functools.partial(
        pl.kernel,
        out_type=jax.ShapeDtypeStruct((2 * NP, HD), jnp.float32),
        mesh=_get_mesh(),
        scratch_types=[
            pltpu.VMEM_SHARED((NP, HD), jnp.float32),
            pltpu.VMEM((ERWS // 16, B), jnp.int32),
            pltpu.VMEM((B, HD), jnp.float32),
            pltpu.SemaphoreType.DMA,
        ],
    )
    def k(ones_hbm, si, zf, z_o, acc, vsi, vones, dsem):
        c = lax.axis_index("c")
        s = lax.axis_index("s")
        st = pl.ds(s * STRIPE, STRIPE)
        pltpu.sync_copy(zf, acc.at[st])
        pltpu.sync_copy(ones_hbm, vones)
        pltpu.sync_copy(si.at[pl.ds(c * ERWS + s * rpt, rpt)], vsi)
        plsc.subcore_barrier()

        def group(g, carry):
            i0 = 8 * g
            for b in range(8):
                pltpu.async_copy(vones, acc.at[vsi.at[i0 + b]], dsem,
                                 add=True)
            for b in range(8):
                pltpu.make_async_copy(vones, acc.at[vsi.at[i0 + b]],
                                      dsem).wait()
            return carry

        lax.fori_loop(0, rpt // 8, group, 0)
        plsc.subcore_barrier()
        pltpu.sync_copy(acc.at[st], z_o.at[pl.ds(c * NP + s * STRIPE, STRIPE)])

    return k


def _sc_deg(*args):
    return _make_deg()(*args)


def _norm(deg_blk):
    d = deg_blk[0][:, 0:1]
    return jnp.where(d > 0.0, lax.rsqrt(d), 0.0)


def _tc_scale_body(xlo, xhi, degs, y_ref):
    ns = _norm(degs)
    y_ref[:, 0, :] = xlo[0] * ns
    y_ref[:, 1, :] = xhi[0] * ns


def _tc_scale(xemb2, deg2):
    return pl.pallas_call(
        _tc_scale_body,
        grid=(GRID,),
        in_specs=[
            pl.BlockSpec((1, STRIPE, HD), lambda i: (0, i, 0)),
            pl.BlockSpec((1, STRIPE, HD), lambda i: (1, i, 0)),
            pl.BlockSpec((1, STRIPE, HD), lambda i: (0, i, 0)),
        ],
        out_specs=pl.BlockSpec((STRIPE, 2, HD), lambda i: (i, 0, 0)),
        out_shape=jax.ShapeDtypeStruct((NP, 2, HD), jnp.float32),
    )(xemb2, xemb2, deg2)


def _tc_layer_body(zlo, zhi, degs, degd, w, b, y_ref):
    nd = _norm(degd)
    ns = _norm(degs)
    zz = jnp.concatenate([zlo[0], zhi[0]], axis=1) * nd
    x = jnp.maximum(jnp.dot(zz, w[...],
                            preferred_element_type=jnp.float32) + b[...], 0.0)
    x = x * ns
    y_ref[:, 0, :] = x[:, :HD]
    y_ref[:, 1, :] = x[:, HD:]


def _tc_layer(z2, deg2, w, b):
    return pl.pallas_call(
        _tc_layer_body,
        grid=(GRID,),
        in_specs=[
            pl.BlockSpec((1, STRIPE, HD), lambda i: (0, i, 0)),
            pl.BlockSpec((1, STRIPE, HD), lambda i: (1, i, 0)),
            pl.BlockSpec((1, STRIPE, HD), lambda i: (0, i, 0)),
            pl.BlockSpec((1, STRIPE, HD), lambda i: (1, i, 0)),
            pl.BlockSpec((D, D), lambda i: (0, 0)),
            pl.BlockSpec((1, D), lambda i: (0, 0)),
        ],
        out_specs=pl.BlockSpec((STRIPE, 2, HD), lambda i: (i, 0, 0)),
        out_shape=jax.ShapeDtypeStruct((NP, 2, HD), jnp.float32),
    )(z2, z2, deg2, deg2, w, b)


def _tc_final_body(zlo, zhi, degd, w, b, wr, br, out_ref, acc):
    i = pl.program_id(0)

    @pl.when(i == 0)
    def _():
        acc[...] = jnp.zeros_like(acc)

    nd = _norm(degd)
    zz = jnp.concatenate([zlo[0], zhi[0]], axis=1) * nd
    x = jnp.maximum(jnp.dot(zz, w[...],
                            preferred_element_type=jnp.float32) + b[...], 0.0)
    rows = lax.broadcasted_iota(jnp.int32, (STRIPE, D), 0) + i * STRIPE
    x = jnp.where(rows < N, x, 0.0)
    acc[...] += jnp.sum(x, axis=0, keepdims=True)

    @pl.when(i == GRID - 1)
    def _():
        out_ref[...] = jnp.dot(acc[...] * (1.0 / N), wr[...],
                               preferred_element_type=jnp.float32) + br[...]


def _tc_final(z2, deg2, w, b, wr, br):
    return pl.pallas_call(
        _tc_final_body,
        grid=(GRID,),
        in_specs=[
            pl.BlockSpec((1, STRIPE, HD), lambda i: (0, i, 0)),
            pl.BlockSpec((1, STRIPE, HD), lambda i: (1, i, 0)),
            pl.BlockSpec((1, STRIPE, HD), lambda i: (1, i, 0)),
            pl.BlockSpec((D, D), lambda i: (0, 0)),
            pl.BlockSpec((1, D), lambda i: (0, 0)),
            pl.BlockSpec((D, 1), lambda i: (0, 0)),
            pl.BlockSpec((1, 1), lambda i: (0, 0)),
        ],
        out_specs=pl.BlockSpec((1, 1), lambda i: (0, 0)),
        out_shape=jax.ShapeDtypeStruct((1, 1), jnp.float32),
        scratch_shapes=[pltpu.VMEM((1, D), jnp.float32)],
    )(z2, z2, deg2, w, b, wr, br)


def kernel(h, edge_index, atom_emb, W1, b1, W2, b2, Wr, br):
    i32 = jnp.int32
    f32 = jnp.float32
    src = edge_index[0]
    dst = edge_index[1]

    pe = EPAD - E
    gpad = jnp.arange(pe, dtype=i32) % N
    spad = N + jnp.arange(pe, dtype=i32) % (NP - N)
    src_p = jnp.concatenate([src, gpad])
    g01 = jnp.concatenate([(2 * src_p).reshape(ERWS, B),
                           (2 * src_p + 1).reshape(ERWS, B)])
    sdst = jnp.concatenate([dst, spad]).reshape(ERWS, B)
    ssrcd = jnp.concatenate([src, spad]).reshape(ERWS, B)

    pf = FPAD - F
    flat = (h.astype(i32) + (jnp.arange(NF, dtype=i32) * VOCAB)[None, :])
    gh0 = jnp.concatenate([flat.reshape(-1),
                           jnp.arange(pf, dtype=i32) % VROWS]).reshape(FRWS, B)
    gh01 = jnp.concatenate([gh0, gh0 + VROWS])
    snode = jnp.concatenate([
        jnp.repeat(jnp.arange(N, dtype=i32), NF),
        N + jnp.arange(pf, dtype=i32) % (NP - N)]).reshape(FRWS, B)

    emb2 = atom_emb.reshape(VROWS, D)
    emb_cm = jnp.concatenate([emb2[:, :HD], emb2[:, HD:]], axis=0)
    zf = jnp.zeros((STRIPE, HD), f32)
    ones_b = jnp.ones((B, HD), f32)
    sdual = jnp.concatenate([ssrcd, sdst])

    deg2 = _sc_deg(ones_b, sdual, zf).reshape(2, NP, HD)
    xemb = _sc_emb(emb_cm, gh01, snode, zf)
    y0 = _tc_scale(xemb.reshape(2, NP, HD), deg2)
    z1 = _sc_edge(y0.reshape(2 * NP, HD), g01, sdst, zf)
    y1 = _tc_layer(z1.reshape(2, NP, HD), deg2, W1, b1.reshape(1, D))
    z2 = _sc_edge(y1.reshape(2 * NP, HD), g01, sdst, zf)
    return _tc_final(z2.reshape(2, NP, HD), deg2, W2, b2.reshape(1, D),
                     Wr, br.reshape(1, 1))

# --- scband reference (transcript-rebuilt; emitter-appended) ---
"""Pipeline reference for scband-regressor-34333968564723 (READ-ONLY COPY).

The authoritative reference and input builder live on the scoring server;
editing this copy changes nothing except your own understanding.
"""

import jax, jax.numpy as jnp
import numpy as np

N = 10000
E = 160000
IN_DIM = 256
HID = 256
NF = 9
VOCAB = 128


def setup_inputs(seed: int = 0) -> dict:
    key = jax.random.key(seed)
    ks = jax.random.split(key, 10)
    h = jax.random.randint(ks[0], (N, NF), 0, 119, dtype=jnp.int32)
    edge_index = jax.random.randint(ks[1], (2, E), 0, N, dtype=jnp.int32)
    atom_emb = jax.random.normal(ks[2], (NF, VOCAB, IN_DIM), dtype=jnp.float32) * 0.02
    W1 = jax.random.normal(ks[3], (IN_DIM, HID), dtype=jnp.float32) * (1.0 / np.sqrt(IN_DIM))
    b1 = jnp.zeros((HID,), dtype=jnp.float32)
    W2 = jax.random.normal(ks[4], (HID, HID), dtype=jnp.float32) * (1.0 / np.sqrt(HID))
    b2 = jnp.zeros((HID,), dtype=jnp.float32)
    Wr = jax.random.normal(ks[5], (HID, 1), dtype=jnp.float32) * (1.0 / np.sqrt(HID))
    br = jnp.zeros((1,), dtype=jnp.float32)
    return {"h": h, "edge_index": edge_index, "atom_emb": atom_emb,
            "W1": W1, "b1": b1, "W2": W2, "b2": b2, "Wr": Wr, "br": br}


def _graph_conv(x, src, dst, W, b, n):
    # DGL GraphConv with norm='both': D_dst^{-1/2} A D_src^{-1/2} (x W) + b
    deg_out = jnp.bincount(src, length=n).astype(x.dtype)
    deg_in = jnp.bincount(dst, length=n).astype(x.dtype)
    norm_src = jnp.where(deg_out > 0, deg_out ** -0.5, 0.0)
    norm_dst = jnp.where(deg_in > 0, deg_in ** -0.5, 0.0)
    feat = x @ W
    msg = feat[src] * norm_src[src][:, None]
    agg = jnp.zeros((n, W.shape[1]), dtype=feat.dtype).at[dst].add(msg)
    return agg * norm_dst[:, None] + b


def reference(h, edge_index, atom_emb, W1, b1, W2, b2, Wr, br):
    nf = atom_emb.shape[0]
    # AtomEncoder: sum of per-column embedding lookups
    x = jnp.sum(atom_emb[jnp.arange(nf)[None, :], h], axis=1)
    src = edge_index[0]
    dst = edge_index[1]
    n = x.shape[0]
    x = jax.nn.relu(_graph_conv(x, src, dst, W1, b1, n))
    x = jax.nn.relu(_graph_conv(x, src, dst, W2, b2, n))
    # dgl.mean_nodes over a single graph
    hg = jnp.mean(x, axis=0, keepdims=True)
    return hg @ Wr + br

if __name__ == "__main__":
    import jax
    _d = setup_inputs()
    print(jax.jit(kernel)(*tuple(_d.values())))

</pallas_src>

<mosaic_0001>
#map = affine_map<(d0, d1) -> (0, 0)>
module attributes {stable_mosaic.version = 14 : i64} {
  func.func @k(%arg0: i32, %arg1: i32, %arg2: memref<2304x128xf32, #tpu.memory_space<hbm>>, %arg3: memref<1536x128xi32, #tpu.memory_space<hbm>>, %arg4: memref<768x128xi32, #tpu.memory_space<hbm>>, %arg5: memref<640x128xf32, #tpu.memory_space<hbm>>, %arg6: memref<20480x128xf32, #tpu.memory_space<hbm>>, %arg7: memref<10240x128xf32, #tpu.memory_space<vmem_shared>>, %arg8: memref<16x128xi32, #tpu.memory_space<vmem>>, %arg9: memref<16x128xi32, #tpu.memory_space<vmem>>, %arg10: memref<128x128xf32, #tpu.memory_space<vmem>>, %arg11: memref<128x128xf32, #tpu.memory_space<vmem>>, %arg12: memref<!tpu.dma_semaphore, #tpu.memory_space<semaphore_mem>>, %arg13: memref<!tpu.dma_semaphore, #tpu.memory_space<semaphore_mem>>) attributes {dimension_semantics = [#tpu.dimension_semantics<core_parallel>, #tpu.dimension_semantics<subcore_parallel>], iteration_bounds = array<i64: 2, 16>, scalar_prefetch = 0 : i64, scratch_operands = 7 : i64, tpu.core_type = #tpu.core_type<sc_vector_subcore>, window_params = [{transform_indices = #map}, {transform_indices = #map}, {transform_indices = #map}, {transform_indices = #map}, {transform_indices = #map}]} {
    %mul3A = arith.constant 640 : i32
    %mul3A_0 = arith.muli %arg1, %mul3A : i32
    "tpu.region"() ({
      %run_scoped3A = tpu.sem_alloc : memref<!tpu.dma_semaphore, #tpu.memory_space<semaphore_mem>>
      %dma_start3A = arith.constant 0 : i32
      %dma_start3A_11 = tpu.memref_slice %arg7[%mul3A_0, %dma_start3A] : memref<10240x128xf32, #tpu.memory_space<vmem_shared>> -> memref<640x128xf32, #tpu.memory_space<vmem_shared>>
      tpu.enqueue_dma source(%arg5 : memref<640x128xf32, #tpu.memory_space<hbm>>) target(%dma_start3A_11 : memref<640x128xf32, #tpu.memory_space<vmem_shared>>) target_semaphore(%run_scoped3A : memref<!tpu.dma_semaphore, #tpu.memory_space<semaphore_mem>>)
      %dma_wait3A = arith.constant 0 : i32
      %dma_wait3A_12 = tpu.memref_slice %arg7[%mul3A_0, %dma_wait3A] : memref<10240x128xf32, #tpu.memory_space<vmem_shared>> -> memref<640x128xf32, #tpu.memory_space<vmem_shared>>
      tpu.wait_dma2 semaphore(%run_scoped3A : memref<!tpu.dma_semaphore, #tpu.memory_space<semaphore_mem>>) src(%arg5 : memref<640x128xf32, #tpu.memory_space<hbm>>) dst(%dma_wait3A_12 : memref<640x128xf32, #tpu.memory_space<vmem_shared>>)
      tpu.yield
    }) : () -> ()
    %barrier3A = arith.constant 0 : index
    tpu.barrier barrier_id(%barrier3A)
    %scan3A = arith.constant 0 : i32
    %scan3A_1 = arith.constant 0 : i32
    %scan3A_2 = arith.constant 3 : i32
    %scan3A_3 = arith.addi %scan3A_1, %scan3A_2 : i32
    %scan3A_4 = arith.constant 1 : i32
    scf.for %scan3A_11 = %scan3A_1 to %scan3A_3 step %scan3A_4  : i32 {
      %mul3A_12 = arith.constant 48 : i32
      %mul3A_13 = arith.muli %arg1, %mul3A_12 : i32
      %mul3A_14 = arith.constant 16 : i32
      %mul3A_15 = arith.muli %scan3A_11, %mul3A_14 : i32
      %add3A_16 = arith.addi %mul3A_13, %mul3A_15 : i32
      %mul3A_17 = arith.constant 768 : i32
      %mul3A_18 = arith.muli %arg0, %mul3A_17 : i32
      %add3A_19 = arith.addi %mul3A_18, %add3A_16 : i32
      "tpu.region"() ({
        %run_scoped3A = tpu.sem_alloc : memref<!tpu.dma_semaphore, #tpu.memory_space<semaphore_mem>>
        %dma_start3A_32 = arith.constant 0 : i32
        %dma_start3A_33 = tpu.memref_slice %arg3[%add3A_19, %dma_start3A_32] : memref<1536x128xi32, #tpu.memory_space<hbm>> -> memref<16x128xi32, #tpu.memory_space<hbm>>
        %dma_start3A_34 = arith.constant 0 : i32
        %dma_start3A_35 = tpu.memref_slice %arg3[%add3A_19, %dma_start3A_34] : memref<1536x128xi32, #tpu.memory_space<hbm>> -> memref<16x128xi32, #tpu.memory_space<hbm>>
        tpu.enqueue_dma source(%dma_start3A_35 : memref<16x128xi32, #tpu.memory_space<hbm>>) target(%arg8 : memref<16x128xi32, #tpu.memory_space<vmem>>) target_semaphore(%run_scoped3A : memref<!tpu.dma_semaphore, #tpu.memory_space<semaphore_mem>>)
        %dma_wait3A = arith.constant 0 : i32
        %dma_wait3A_36 = tpu.memref_slice %arg3[%add3A_19, %dma_wait3A] : memref<1536x128xi32, #tpu.memory_space<hbm>> -> memref<16x128xi32, #tpu.memory_space<hbm>>
        %dma_wait3A_37 = arith.constant 0 : i32
        %dma_wait3A_38 = tpu.memref_slice %arg3[%add3A_19, %dma_wait3A_37] : memref<1536x128xi32, #tpu.memory_space<hbm>> -> memref<16x128xi32, #tpu.memory_space<hbm>>
        tpu.wait_dma2 semaphore(%run_scoped3A : memref<!tpu.dma_semaphore, #tpu.memory_space<semaphore_mem>>) src(%dma_wait3A_38 : memref<16x128xi32, #tpu.memory_space<hbm>>) dst(%arg8 : memref<16x128xi32, #tpu.memory_space<vmem>>)
        tpu.yield
      }) : () -> ()
      "tpu.region"() ({
        %run_scoped3A = tpu.sem_alloc : memref<!tpu.dma_semaphore, #tpu.memory_space<semaphore_mem>>
        %dma_start3A_32 = arith.constant 0 : i32
        %dma_start3A_33 = tpu.memref_slice %arg4[%add3A_16, %dma_start3A_32] : memref<768x128xi32, #tpu.memory_space<hbm>> -> memref<16x128xi32, #tpu.memory_space<hbm>>
        %dma_start3A_34 = arith.constant 0 : i32
        %dma_start3A_35 = tpu.memref_slice %arg4[%add3A_16, %dma_start3A_34] : memref<768x128xi32, #tpu.memory_space<hbm>> -> memref<16x128xi32, #tpu.memory_space<hbm>>
        tpu.enqueue_dma source(%dma_start3A_35 : memref<16x128xi32, #tpu.memory_space<hbm>>) target(%arg9 : memref<16x128xi32, #tpu.memory_space<vmem>>) target_semaphore(%run_scoped3A : memref<!tpu.dma_semaphore, #tpu.memory_space<semaphore_mem>>)
        %dma_wait3A = arith.constant 0 : i32
        %dma_wait3A_36 = tpu.memref_slice %arg4[%add3A_16, %dma_wait3A] : memref<768x128xi32, #tpu.memory_space<hbm>> -> memref<16x128xi32, #tpu.memory_space<hbm>>
        %dma_wait3A_37 = arith.constant 0 : i32
        %dma_wait3A_38 = tpu.memref_slice %arg4[%add3A_16, %dma_wait3A_37] : memref<768x128xi32, #tpu.memory_space<hbm>> -> memref<16x128xi32, #tpu.memory_space<hbm>>
        tpu.wait_dma2 semaphore(%run_scoped3A : memref<!tpu.dma_semaphore, #tpu.memory_space<semaphore_mem>>) src(%dma_wait3A_38 : memref<16x128xi32, #tpu.memory_space<hbm>>) dst(%arg9 : memref<16x128xi32, #tpu.memory_space<vmem>>)
        tpu.yield
      }) : () -> ()
      %dma_start3A = arith.constant 0 : i32
      %dma_start3A_20 = arith.constant 0 : i32
      %dma_start3A_21 = tpu.memref_slice %arg8[%dma_start3A, %dma_start3A_20] : memref<16x128xi32, #tpu.memory_space<vmem>> -> memref<1x128xi32, #tpu.memory_space<vmem>>
      %dma_start3A_22 = tpu.memref_squeeze %dma_start3A_21 : memref<1x128xi32, #tpu.memory_space<vmem>> -> memref<128xi32, #tpu.memory_space<vmem>>
      %dma_start3A_23 = arith.constant 0 : i32
      %dma_start3A_24 = arith.constant 0 : i32
      %dma_start3A_25 = tpu.memref_slice %arg2[%dma_start3A_23, %dma_start3A_24] : memref<2304x128xf32, #tpu.memory_space<hbm>> -> memref<2304x128xf32, #tpu.memory_space<hbm>>
      tpu.enqueue_indirect_dma source(%dma_start3A_25 : memref<2304x128xf32, #tpu.memory_space<hbm>>) target(%arg10 : memref<128x128xf32, #tpu.memory_space<vmem>>) offsets(%dma_start3A_22 : memref<128xi32, #tpu.memory_space<vmem>>) semaphore(%arg12 : memref<!tpu.dma_semaphore, #tpu.memory_space<semaphore_mem>>)
      %scan3A_26 = arith.constant 0 : i32
      %scan3A_27 = arith.constant 0 : i32
      %scan3A_28 = arith.constant 8 : i32
      %scan3A_29 = arith.addi %scan3A_27, %scan3A_28 : i32
      %scan3A_30 = arith.constant 1 : i32
      scf.for %scan3A_32 = %scan3A_27 to %scan3A_29 step %scan3A_30  : i32 {
        %mul3A_33 = arith.constant 2 : i32
        %mul3A_34 = arith.muli %mul3A_33, %scan3A_32 : i32
        %add3A_35 = arith.constant 1 : i32
        %add3A_36 = arith.addi %mul3A_34, %add3A_35 : i32
        %dma_start3A_37 = arith.constant 0 : i32
        %dma_start3A_38 = tpu.memref_slice %arg8[%add3A_36, %dma_start3A_37] : memref<16x128xi32, #tpu.memory_space<vmem>> -> memref<1x128xi32, #tpu.memory_space<vmem>>
        %dma_start3A_39 = tpu.memref_squeeze %dma_start3A_38 : memref<1x128xi32, #tpu.memory_space<vmem>> -> memref<128xi32, #tpu.memory_space<vmem>>
        %dma_start3A_40 = arith.constant 0 : i32
        %dma_start3A_41 = arith.constant 0 : i32
        %dma_start3A_42 = tpu.memref_slice %arg2[%dma_start3A_40, %dma_start3A_41] : memref<2304x128xf32, #tpu.memory_space<hbm>> -> memref<2304x128xf32, #tpu.memory_space<hbm>>
        tpu.enqueue_indirect_dma source(%dma_start3A_42 : memref<2304x128xf32, #tpu.memory_space<hbm>>) target(%arg11 : memref<128x128xf32, #tpu.memory_space<vmem>>) offsets(%dma_start3A_39 : memref<128xi32, #tpu.memory_space<vmem>>) semaphore(%arg13 : memref<!tpu.dma_semaphore, #tpu.memory_space<semaphore_mem>>)
        %dma_wait3A = arith.constant 0 : i32
        %dma_wait3A_43 = tpu.memref_slice %arg8[%mul3A_34, %dma_wait3A] : memref<16x128xi32, #tpu.memory_space<vmem>> -> memref<1x128xi32, #tpu.memory_space<vmem>>
        %dma_wait3A_44 = tpu.memref_squeeze %dma_wait3A_43 : memref<1x128xi32, #tpu.memory_space<vmem>> -> memref<128xi32, #tpu.memory_space<vmem>>
        %dma_wait3A_45 = arith.constant 0 : i32
        %dma_wait3A_46 = arith.constant 0 : i32
        %dma_wait3A_47 = tpu.memref_slice %arg2[%dma_wait3A_45, %dma_wait3A_46] : memref<2304x128xf32, #tpu.memory_space<hbm>> -> memref<2304x128xf32, #tpu.memory_space<hbm>>
        tpu.wait_indirect_dma semaphore(%arg12 : memref<!tpu.dma_semaphore, #tpu.memory_space<semaphore_mem>>) src(%dma_wait3A_47 : memref<2304x128xf32, #tpu.memory_space<hbm>>) dst(%arg10 : memref<128x128xf32, #tpu.memory_space<vmem>>)
        "tpu.region"() ({
          %run_scoped3A = tpu.sem_alloc : memref<!tpu.dma_semaphore, #tpu.memory_space<semaphore_mem>>
          %dma_start3A_60 = arith.constant 0 : i32
          %dma_start3A_61 = tpu.memref_slice %arg9[%mul3A_34, %dma_start3A_60] : memref<16x128xi32, #tpu.memory_space<vmem>> -> memref<1x128xi32, #tpu.memory_space<vmem>>
          %dma_start3A_62 = tpu.memref_squeeze %dma_start3A_61 : memref<1x128xi32, #tpu.memory_space<vmem>> -> memref<128xi32, #tpu.memory_space<vmem>>
          %dma_start3A_63 = arith.constant 0 : i32
          %dma_start3A_64 = arith.constant 0 : i32
          %dma_start3A_65 = tpu.memref_slice %arg7[%dma_start3A_63, %dma_start3A_64] : memref<10240x128xf32, #tpu.memory_space<vmem_shared>> -> memref<10240x128xf32, #tpu.memory_space<vmem_shared>>
          tpu.enqueue_indirect_dma source(%arg10 : memref<128x128xf32, #tpu.memory_space<vmem>>) target(%dma_start3A_65 : memref<10240x128xf32, #tpu.memory_space<vmem_shared>>) offsets(%dma_start3A_62 : memref<128xi32, #tpu.memory_space<vmem>>) semaphore(%run_scoped3A : memref<!tpu.dma_semaphore, #tpu.memory_space<semaphore_mem>>) {add = true}
          %dma_wait3A_66 = arith.constant 0 : i32
          %dma_wait3A_67 = tpu.memref_slice %arg9[%mul3A_34, %dma_wait3A_66] : memref<16x128xi32, #tpu.memory_space<vmem>> -> memref<1x128xi32, #tpu.memory_space<vmem>>
          %dma_wait3A_68 = tpu.memref_squeeze %dma_wait3A_67 : memref<1x128xi32, #tpu.memory_space<vmem>> -> memref<128xi32, #tpu.memory_space<vmem>>
          %dma_wait3A_69 = arith.constant 0 : i32
          %dma_wait3A_70 = arith.constant 0 : i32
          %dma_wait3A_71 = tpu.memref_slice %arg7[%dma_wait3A_69, %dma_wait3A_70] : memref<10240x128xf32, #tpu.memory_space<vmem_shared>> -> memref<10240x128xf32, #tpu.memory_space<vmem_shared>>
          tpu.wait_indirect_dma semaphore(%run_scoped3A : memref<!tpu.dma_semaphore, #tpu.memory_space<semaphore_mem>>) src(%arg10 : memref<128x128xf32, #tpu.memory_space<vmem>>) dst(%dma_wait3A_71 : memref<10240x128xf32, #tpu.memory_space<vmem_shared>>)
          tpu.yield
        }) : () -> ()
        %lt3A = arith.constant 7 : i32
        %lt3A_48 = arith.cmpi slt, %scan3A_32, %lt3A : i32
        %convert_element_type3A = arith.extui %lt3A_48 : i1 to i32
        %cond3A = arith.constant 0 : i32
        %cond3A_49 = arith.cmpi ne, %convert_element_type3A, %cond3A : i32
        scf.if %cond3A_49 {
          %add3A_60 = arith.constant 2 : i32
          %add3A_61 = arith.addi %mul3A_34, %add3A_60 : i32
          %dma_start3A_62 = arith.constant 0 : i32
          %dma_start3A_63 = tpu.memref_slice %arg8[%add3A_61, %dma_start3A_62] : memref<16x128xi32, #tpu.memory_space<vmem>> -> memref<1x128xi32, #tpu.memory_space<vmem>>
          %dma_start3A_64 = tpu.memref_squeeze %dma_start3A_63 : memref<1x128xi32, #tpu.memory_space<vmem>> -> memref<128xi32, #tpu.memory_space<vmem>>
          %dma_start3A_65 = arith.constant 0 : i32
          %dma_start3A_66 = arith.constant 0 : i32
          %dma_start3A_67 = tpu.memref_slice %arg2[%dma_start3A_65, %dma_start3A_66] : memref<2304x128xf32, #tpu.memory_space<hbm>> -> memref<2304x128xf32, #tpu.memory_space<hbm>>
          tpu.enqueue_indirect_dma source(%dma_start3A_67 : memref<2304x128xf32, #tpu.memory_space<hbm>>) target(%arg10 : memref<128x128xf32, #tpu.memory_space<vmem>>) offsets(%dma_start3A_64 : memref<128xi32, #tpu.memory_space<vmem>>) semaphore(%arg12 : memref<!tpu.dma_semaphore, #tpu.memory_space<semaphore_mem>>)
        } else {
        }
        %add3A_50 = arith.constant 1 : i32
        %add3A_51 = arith.addi %mul3A_34, %add3A_50 : i32
        %dma_wait3A_52 = arith.constant 0 : i32
        %dma_wait3A_53 = tpu.memref_slice %arg8[%add3A_51, %dma_wait3A_52] : memref<16x128xi32, #tpu.memory_space<vmem>> -> memref<1x128xi32, #tpu.memory_space<vmem>>
        %dma_wait3A_54 = tpu.memref_squeeze %dma_wait3A_53 : memref<1x128xi32, #tpu.memory_space<vmem>> -> memref<128xi32, #tpu.memory_space<vmem>>
        %dma_wait3A_55 = arith.constant 0 : i32
        %dma_wait3A_56 = arith.constant 0 : i32
        %dma_wait3A_57 = tpu.memref_slice %arg2[%dma_wait3A_55, %dma_wait3A_56] : memref<2304x128xf32, #tpu.memory_space<hbm>> -> memref<2304x128xf32, #tpu.memory_space<hbm>>
        tpu.wait_indirect_dma semaphore(%arg13 : memref<!tpu.dma_semaphore, #tpu.memory_space<semaphore_mem>>) src(%dma_wait3A_57 : memref<2304x128xf32, #tpu.memory_space<hbm>>) dst(%arg11 : memref<128x128xf32, #tpu.memory_space<vmem>>)
        %add3A_58 = arith.constant 1 : i32
        %add3A_59 = arith.addi %mul3A_34, %add3A_58 : i32
        "tpu.region"() ({
          %run_scoped3A = tpu.sem_alloc : memref<!tpu.dma_semaphore, #tpu.memory_space<semaphore_mem>>
          %dma_start3A_60 = arith.constant 0 : i32
          %dma_start3A_61 = tpu.memref_slice %arg9[%add3A_59, %dma_start3A_60] : memref<16x128xi32, #tpu.memory_space<vmem>> -> memref<1x128xi32, #tpu.memory_space<vmem>>
          %dma_start3A_62 = tpu.memref_squeeze %dma_start3A_61 : memref<1x128xi32, #tpu.memory_space<vmem>> -> memref<128xi32, #tpu.memory_space<vmem>>
          %dma_start3A_63 = arith.constant 0 : i32
          %dma_start3A_64 = arith.constant 0 : i32
          %dma_start3A_65 = tpu.memref_slice %arg7[%dma_start3A_63, %dma_start3A_64] : memref<10240x128xf32, #tpu.memory_space<vmem_shared>> -> memref<10240x128xf32, #tpu.memory_space<vmem_shared>>
          tpu.enqueue_indirect_dma source(%arg11 : memref<128x128xf32, #tpu.memory_space<vmem>>) target(%dma_start3A_65 : memref<10240x128xf32, #tpu.memory_space<vmem_shared>>) offsets(%dma_start3A_62 : memref<128xi32, #tpu.memory_space<vmem>>) semaphore(%run_scoped3A : memref<!tpu.dma_semaphore, #tpu.memory_space<semaphore_mem>>) {add = true}
          %dma_wait3A_66 = arith.constant 0 : i32
          %dma_wait3A_67 = tpu.memref_slice %arg9[%add3A_59, %dma_wait3A_66] : memref<16x128xi32, #tpu.memory_space<vmem>> -> memref<1x128xi32, #tpu.memory_space<vmem>>
          %dma_wait3A_68 = tpu.memref_squeeze %dma_wait3A_67 : memref<1x128xi32, #tpu.memory_space<vmem>> -> memref<128xi32, #tpu.memory_space<vmem>>
          %dma_wait3A_69 = arith.constant 0 : i32
          %dma_wait3A_70 = arith.constant 0 : i32
          %dma_wait3A_71 = tpu.memref_slice %arg7[%dma_wait3A_69, %dma_wait3A_70] : memref<10240x128xf32, #tpu.memory_space<vmem_shared>> -> memref<10240x128xf32, #tpu.memory_space<vmem_shared>>
          tpu.wait_indirect_dma semaphore(%run_scoped3A : memref<!tpu.dma_semaphore, #tpu.memory_space<semaphore_mem>>) src(%arg11 : memref<128x128xf32, #tpu.memory_space<vmem>>) dst(%dma_wait3A_71 : memref<10240x128xf32, #tpu.memory_space<vmem_shared>>)
          tpu.yield
        }) : () -> ()
      }
      %scan3A_31 = arith.constant 8 : i32
    }
    %scan3A_5 = arith.constant 3 : i32
    %barrier3A_6 = arith.constant 0 : index
    tpu.barrier barrier_id(%barrier3A_6)
    %mul3A_7 = arith.constant 10240 : i32
    %mul3A_8 = arith.muli %arg0, %mul3A_7 : i32
    %mul3A_9 = arith.constant 640 : i32
    %mul3A_10 = arith.muli %arg1, %mul3A_9 : i32
    %add3A = arith.addi %mul3A_8, %mul3A_10 : i32
    "tpu.region"() ({
      %run_scoped3A = tpu.sem_alloc : memref<!tpu.dma_semaphore, #tpu.memory_space<semaphore_mem>>
      %dma_start3A = arith.constant 0 : i32
      %dma_start3A_11 = tpu.memref_slice %arg6[%add3A, %dma_start3A] : memref<20480x128xf32, #tpu.memory_space<hbm>> -> memref<640x128xf32, #tpu.memory_space<hbm>>
      %dma_start3A_12 = arith.constant 0 : i32
      %dma_start3A_13 = tpu.memref_slice %arg7[%mul3A_0, %dma_start3A_12] : memref<10240x128xf32, #tpu.memory_space<vmem_shared>> -> memref<640x128xf32, #tpu.memory_space<vmem_shared>>
      tpu.enqueue_dma source(%dma_start3A_13 : memref<640x128xf32, #tpu.memory_space<vmem_shared>>) target(%dma_start3A_11 : memref<640x128xf32, #tpu.memory_space<hbm>>) target_semaphore(%run_scoped3A : memref<!tpu.dma_semaphore, #tpu.memory_space<semaphore_mem>>)
      %dma_wait3A = arith.constant 0 : i32
      %dma_wait3A_14 = tpu.memref_slice %arg6[%add3A, %dma_wait3A] : memref<20480x128xf32, #tpu.memory_space<hbm>> -> memref<640x128xf32, #tpu.memory_space<hbm>>
      %dma_wait3A_15 = arith.constant 0 : i32
      %dma_wait3A_16 = tpu.memref_slice %arg7[%mul3A_0, %dma_wait3A_15] : memref<10240x128xf32, #tpu.memory_space<vmem_shared>> -> memref<640x128xf32, #tpu.memory_space<vmem_shared>>
      tpu.wait_dma2 semaphore(%run_scoped3A : memref<!tpu.dma_semaphore, #tpu.memory_space<semaphore_mem>>) src(%dma_wait3A_16 : memref<640x128xf32, #tpu.memory_space<vmem_shared>>) dst(%dma_wait3A_14 : memref<640x128xf32, #tpu.memory_space<hbm>>)
      tpu.yield
    }) : () -> ()
    return
  }
}

#map = affine_map<(d0, d1) -> (0, 0)>
module attributes {stable_mosaic.version = 14 : i64} {
  func.func @k(%arg0: i32, %arg1: i32, %arg2: memref<128x128xf32, #tpu.memory_space<hbm>>, %arg3: memref<2560x128xi32, #tpu.memory_space<hbm>>, %arg4: memref<640x128xf32, #tpu.memory_space<hbm>>, %arg5: memref<20480x128xf32, #tpu.memory_space<hbm>>, %arg6: memref<10240x128xf32, #tpu.memory_space<vmem_shared>>, %arg7: memref<80x128xi32, #tpu.memory_space<vmem>>, %arg8: memref<128x128xf32, #tpu.memory_space<vmem>>, %arg9: memref<!tpu.dma_semaphore, #tpu.memory_space<semaphore_mem>>) attributes {dimension_semantics = [#tpu.dimension_semantics<core_parallel>, #tpu.dimension_semantics<subcore_parallel>], iteration_bounds = array<i64: 2, 16>, scalar_prefetch = 0 : i64, scratch_operands = 4 : i64, tpu.core_type = #tpu.core_type<sc_vector_subcore>, window_params = [{transform_indices = #map}, {transform_indices = #map}, {transform_indices = #map}, {transform_indices = #map}]} {
    %mul3A = arith.constant 640 : i32
    %mul3A_0 = arith.muli %arg1, %mul3A : i32
    "tpu.region"() ({
      %run_scoped3A = tpu.sem_alloc : memref<!tpu.dma_semaphore, #tpu.memory_space<semaphore_mem>>
      %dma_start3A = arith.constant 0 : i32
      %dma_start3A_16 = tpu.memref_slice %arg6[%mul3A_0, %dma_start3A] : memref<10240x128xf32, #tpu.memory_space<vmem_shared>> -> memref<640x128xf32, #tpu.memory_space<vmem_shared>>
      tpu.enqueue_dma source(%arg4 : memref<640x128xf32, #tpu.memory_space<hbm>>) target(%dma_start3A_16 : memref<640x128xf32, #tpu.memory_space<vmem_shared>>) target_semaphore(%run_scoped3A : memref<!tpu.dma_semaphore, #tpu.memory_space<semaphore_mem>>)
      %dma_wait3A = arith.constant 0 : i32
      %dma_wait3A_17 = tpu.memref_slice %arg6[%mul3A_0, %dma_wait3A] : memref<10240x128xf32, #tpu.memory_space<vmem_shared>> -> memref<640x128xf32, #tpu.memory_space<vmem_shared>>
      tpu.wait_dma2 semaphore(%run_scoped3A : memref<!tpu.dma_semaphore, #tpu.memory_space<semaphore_mem>>) src(%arg4 : memref<640x128xf32, #tpu.memory_space<hbm>>) dst(%dma_wait3A_17 : memref<640x128xf32, #tpu.memory_space<vmem_shared>>)
      tpu.yield
    }) : () -> ()
    "tpu.region"() ({
      %run_scoped3A = tpu.sem_alloc : memref<!tpu.dma_semaphore, #tpu.memory_space<semaphore_mem>>
      tpu.enqueue_dma source(%arg2 : memref<128x128xf32, #tpu.memory_space<hbm>>) target(%arg8 : memref<128x128xf32, #tpu.memory_space<vmem>>) target_semaphore(%run_scoped3A : memref<!tpu.dma_semaphore, #tpu.memory_space<semaphore_mem>>)
      tpu.wait_dma2 semaphore(%run_scoped3A : memref<!tpu.dma_semaphore, #tpu.memory_space<semaphore_mem>>) src(%arg2 : memref<128x128xf32, #tpu.memory_space<hbm>>) dst(%arg8 : memref<128x128xf32, #tpu.memory_space<vmem>>)
      tpu.yield
    }) : () -> ()
    %mul3A_1 = arith.constant 1280 : i32
    %mul3A_2 = arith.muli %arg0, %mul3A_1 : i32
    %mul3A_3 = arith.constant 80 : i32
    %mul3A_4 = arith.muli %arg1, %mul3A_3 : i32
    %add3A = arith.addi %mul3A_2, %mul3A_4 : i32
    "tpu.region"() ({
      %run_scoped3A = tpu.sem_alloc : memref<!tpu.dma_semaphore, #tpu.memory_space<semaphore_mem>>
      %dma_start3A = arith.constant 0 : i32
      %dma_start3A_16 = tpu.memref_slice %arg3[%add3A, %dma_start3A] : memref<2560x128xi32, #tpu.memory_space<hbm>> -> memref<80x128xi32, #tpu.memory_space<hbm>>
      %dma_start3A_17 = arith.constant 0 : i32
      %dma_start3A_18 = tpu.memref_slice %arg3[%add3A, %dma_start3A_17] : memref<2560x128xi32, #tpu.memory_space<hbm>> -> memref<80x128xi32, #tpu.memory_space<hbm>>
      tpu.enqueue_dma source(%dma_start3A_18 : memref<80x128xi32, #tpu.memory_space<hbm>>) target(%arg7 : memref<80x128xi32, #tpu.memory_space<vmem>>) target_semaphore(%run_scoped3A : memref<!tpu.dma_semaphore, #tpu.memory_space<semaphore_mem>>)
      %dma_wait3A = arith.constant 0 : i32
      %dma_wait3A_19 = tpu.memref_slice %arg3[%add3A, %dma_wait3A] : memref<2560x128xi32, #tpu.memory_space<hbm>> -> memref<80x128xi32, #tpu.memory_space<hbm>>
      %dma_wait3A_20 = arith.constant 0 : i32
      %dma_wait3A_21 = tpu.memref_slice %arg3[%add3A, %dma_wait3A_20] : memref<2560x128xi32, #tpu.memory_space<hbm>> -> memref<80x128xi32, #tpu.memory_space<hbm>>
      tpu.wait_dma2 semaphore(%run_scoped3A : memref<!tpu.dma_semaphore, #tpu.memory_space<semaphore_mem>>) src(%dma_wait3A_21 : memref<80x128xi32, #tpu.memory_space<hbm>>) dst(%arg7 : memref<80x128xi32, #tpu.memory_space<vmem>>)
      tpu.yield
    }) : () -> ()
    %barrier3A = arith.constant 0 : index
    tpu.barrier barrier_id(%barrier3A)
    %scan3A = arith.constant 0 : i32
    %scan3A_5 = arith.constant 0 : i32
    %scan3A_6 = arith.constant 10 : i32
    %scan3A_7 = arith.addi %scan3A_5, %scan3A_6 : i32
    %scan3A_8 = arith.constant 1 : i32
    scf.for %scan3A_16 = %scan3A_5 to %scan3A_7 step %scan3A_8  : i32 {
      %mul3A_17 = arith.constant 8 : i32
      %mul3A_18 = arith.muli %mul3A_17, %scan3A_16 : i32
      %add3A_19 = arith.constant 0 : i32
      %add3A_20 = arith.addi %mul3A_18, %add3A_19 : i32
      %dma_start3A = arith.constant 0 : i32
      %dma_start3A_21 = tpu.memref_slice %arg7[%add3A_20, %dma_start3A] : memref<80x128xi32, #tpu.memory_space<vmem>> -> memref<1x128xi32, #tpu.memory_space<vmem>>
      %dma_start3A_22 = tpu.memref_squeeze %dma_start3A_21 : memref<1x128xi32, #tpu.memory_space<vmem>> -> memref<128xi32, #tpu.memory_space<vmem>>
      %dma_start3A_23 = arith.constant 0 : i32
      %dma_start3A_24 = arith.constant 0 : i32
      %dma_start3A_25 = tpu.memref_slice %arg6[%dma_start3A_23, %dma_start3A_24] : memref<10240x128xf32, #tpu.memory_space<vmem_shared>> -> memref<10240x128xf32, #tpu.memory_space<vmem_shared>>
      tpu.enqueue_indirect_dma source(%arg8 : memref<128x128xf32, #tpu.memory_space<vmem>>) target(%dma_start3A_25 : memref<10240x128xf32, #tpu.memory_space<vmem_shared>>) offsets(%dma_start3A_22 : memref<128xi32, #tpu.memory_space<vmem>>) semaphore(%arg9 : memref<!tpu.dma_semaphore, #tpu.memory_space<semaphore_mem>>) {add = true}
      %add3A_26 = arith.constant 1 : i32
      %add3A_27 = arith.addi %mul3A_18, %add3A_26 : i32
      %dma_start3A_28 = arith.constant 0 : i32
      %dma_start3A_29 = tpu.memref_slice %arg7[%add3A_27, %dma_start3A_28] : memref<80x128xi32, #tpu.memory_space<vmem>> -> memref<1x128xi32, #tpu.memory_space<vmem>>
      %dma_start3A_30 = tpu.memref_squeeze %dma_start3A_29 : memref<1x128xi32, #tpu.memory_space<vmem>> -> memref<128xi32, #tpu.memory_space<vmem>>
      %dma_start3A_31 = arith.constant 0 : i32
      %dma_start3A_32 = arith.constant 0 : i32
      %dma_start3A_33 = tpu.memref_slice %arg6[%dma_start3A_31, %dma_start3A_32] : memref<10240x128xf32, #tpu.memory_space<vmem_shared>> -> memref<10240x128xf32, #tpu.memory_space<vmem_shared>>
      tpu.enqueue_indirect_dma source(%arg8 : memref<128x128xf32, #tpu.memory_space<vmem>>) target(%dma_start3A_33 : memref<10240x128xf32, #tpu.memory_space<vmem_shared>>) offsets(%dma_start3A_30 : memref<128xi32, #tpu.memory_space<vmem>>) semaphore(%arg9 : memref<!tpu.dma_semaphore, #tpu.memory_space<semaphore_mem>>) {add = true}
      %add3A_34 = arith.constant 2 : i32
      %add3A_35 = arith.addi %mul3A_18, %add3A_34 : i32
      %dma_start3A_36 = arith.constant 0 : i32
      %dma_start3A_37 = tpu.memref_slice %arg7[%add3A_35, %dma_start3A_36] : memref<80x128xi32, #tpu.memory_space<vmem>> -> memref<1x128xi32, #tpu.memory_space<vmem>>
      %dma_start3A_38 = tpu.memref_squeeze %dma_start3A_37 : memref<1x128xi32, #tpu.memory_space<vmem>> -> memref<128xi32, #tpu.memory_space<vmem>>
      %dma_start3A_39 = arith.constant 0 : i32
      %dma_start3A_40 = arith.constant 0 : i32
      %dma_start3A_41 = tpu.memref_slice %arg6[%dma_start3A_39, %dma_start3A_40] : memref<10240x128xf32, #tpu.memory_space<vmem_shared>> -> memref<10240x128xf32, #tpu.memory_space<vmem_shared>>
      tpu.enqueue_indirect_dma source(%arg8 : memref<128x128xf32, #tpu.memory_space<vmem>>) target(%dma_start3A_41 : memref<10240x128xf32, #tpu.memory_space<vmem_shared>>) offsets(%dma_start3A_38 : memref<128xi32, #tpu.memory_space<vmem>>) semaphore(%arg9 : memref<!tpu.dma_semaphore, #tpu.memory_space<semaphore_mem>>) {add = true}
      %add3A_42 = arith.constant 3 : i32
      %add3A_43 = arith.addi %mul3A_18, %add3A_42 : i32
      %dma_start3A_44 = arith.constant 0 : i32
      %dma_start3A_45 = tpu.memref_slice %arg7[%add3A_43, %dma_start3A_44] : memref<80x128xi32, #tpu.memory_space<vmem>> -> memref<1x128xi32, #tpu.memory_space<vmem>>
      %dma_start3A_46 = tpu.memref_squeeze %dma_start3A_45 : memref<1x128xi32, #tpu.memory_space<vmem>> -> memref<128xi32, #tpu.memory_space<vmem>>
      %dma_start3A_47 = arith.constant 0 : i32
      %dma_start3A_48 = arith.constant 0 : i32
      %dma_start3A_49 = tpu.memref_slice %arg6[%dma_start3A_47, %dma_start3A_48] : memref<10240x128xf32, #tpu.memory_space<vmem_shared>> -> memref<10240x128xf32, #tpu.memory_space<vmem_shared>>
      tpu.enqueue_indirect_dma source(%arg8 : memref<128x128xf32, #tpu.memory_space<vmem>>) target(%dma_start3A_49 : memref<10240x128xf32, #tpu.memory_space<vmem_shared>>) offsets(%dma_start3A_46 : memref<128xi32, #tpu.memory_space<vmem>>) semaphore(%arg9 : memref<!tpu.dma_semaphore, #tpu.memory_space<semaphore_mem>>) {add = true}
      %add3A_50 = arith.constant 4 : i32
      %add3A_51 = arith.addi %mul3A_18, %add3A_50 : i32
      %dma_start3A_52 = arith.constant 0 : i32
      %dma_start3A_53 = tpu.memref_slice %arg7[%add3A_51, %dma_start3A_52] : memref<80x128xi32, #tpu.memory_space<vmem>> -> memref<1x128xi32, #tpu.memory_space<vmem>>
      %dma_start3A_54 = tpu.memref_squeeze %dma_start3A_53 : memref<1x128xi32, #tpu.memory_space<vmem>> -> memref<128xi32, #tpu.memory_space<vmem>>
      %dma_start3A_55 = arith.constant 0 : i32
      %dma_start3A_56 = arith.constant 0 : i32
      %dma_start3A_57 = tpu.memref_slice %arg6[%dma_start3A_55, %dma_start3A_56] : memref<10240x128xf32, #tpu.memory_space<vmem_shared>> -> memref<10240x128xf32, #tpu.memory_space<vmem_shared>>
      tpu.enqueue_indirect_dma source(%arg8 : memref<128x128xf32, #tpu.memory_space<vmem>>) target(%dma_start3A_57 : memref<10240x128xf32, #tpu.memory_space<vmem_shared>>) offsets(%dma_start3A_54 : memref<128xi32, #tpu.memory_space<vmem>>) semaphore(%arg9 : memref<!tpu.dma_semaphore, #tpu.memory_space<semaphore_mem>>) {add = true}
      %add3A_58 = arith.constant 5 : i32
      %add3A_59 = arith.addi %mul3A_18, %add3A_58 : i32
      %dma_start3A_60 = arith.constant 0 : i32
      %dma_start3A_61 = tpu.memref_slice %arg7[%add3A_59, %dma_start3A_60] : memref<80x128xi32, #tpu.memory_space<vmem>> -> memref<1x128xi32, #tpu.memory_space<vmem>>
      %dma_start3A_62 = tpu.memref_squeeze %dma_start3A_61 : memref<1x128xi32, #tpu.memory_space<vmem>> -> memref<128xi32, #tpu.memory_space<vmem>>
      %dma_start3A_63 = arith.constant 0 : i32
      %dma_start3A_64 = arith.constant 0 : i32
      %dma_start3A_65 = tpu.memref_slice %arg6[%dma_start3A_63, %dma_start3A_64] : memref<10240x128xf32, #tpu.memory_space<vmem_shared>> -> memref<10240x128xf32, #tpu.memory_space<vmem_shared>>
      tpu.enqueue_indirect_dma source(%arg8 : memref<128x128xf32, #tpu.memory_space<vmem>>) target(%dma_start3A_65 : memref<10240x128xf32, #tpu.memory_space<vmem_shared>>) offsets(%dma_start3A_62 : memref<128xi32, #tpu.memory_space<vmem>>) semaphore(%arg9 : memref<!tpu.dma_semaphore, #tpu.memory_space<semaphore_mem>>) {add = true}
      %add3A_66 = arith.constant 6 : i32
      %add3A_67 = arith.addi %mul3A_18, %add3A_66 : i32
      %dma_start3A_68 = arith.constant 0 : i32
      %dma_start3A_69 = tpu.memref_slice %arg7[%add3A_67, %dma_start3A_68] : memref<80x128xi32, #tpu.memory_space<vmem>> -> memref<1x128xi32, #tpu.memory_space<vmem>>
      %dma_start3A_70 = tpu.memref_squeeze %dma_start3A_69 : memref<1x128xi32, #tpu.memory_space<vmem>> -> memref<128xi32, #tpu.memory_space<vmem>>
      %dma_start3A_71 = arith.constant 0 : i32
      %dma_start3A_72 = arith.constant 0 : i32
      %dma_start3A_73 = tpu.memref_slice %arg6[%dma_start3A_71, %dma_start3A_72] : memref<10240x128xf32, #tpu.memory_space<vmem_shared>> -> memref<10240x128xf32, #tpu.memory_space<vmem_shared>>
      tpu.enqueue_indirect_dma source(%arg8 : memref<128x128xf32, #tpu.memory_space<vmem>>) target(%dma_start3A_73 : memref<10240x128xf32, #tpu.memory_space<vmem_shared>>) offsets(%dma_start3A_70 : memref<128xi32, #tpu.memory_space<vmem>>) semaphore(%arg9 : memref<!tpu.dma_semaphore, #tpu.memory_space<semaphore_mem>>) {add = true}
      %add3A_74 = arith.constant 7 : i32
      %add3A_75 = arith.addi %mul3A_18, %add3A_74 : i32
      %dma_start3A_76 = arith.constant 0 : i32
      %dma_start3A_77 = tpu.memref_slice %arg7[%add3A_75, %dma_start3A_76] : memref<80x128xi32, #tpu.memory_space<vmem>> -> memref<1x128xi32, #tpu.memory_space<vmem>>
      %dma_start3A_78 = tpu.memref_squeeze %dma_start3A_77 : memref<1x128xi32, #tpu.memory_space<vmem>> -> memref<128xi32, #tpu.memory_space<vmem>>
      %dma_start3A_79 = arith.constant 0 : i32
      %dma_start3A_80 = arith.constant 0 : i32
      %dma_start3A_81 = tpu.memref_slice %arg6[%dma_start3A_79, %dma_start3A_80] : memref<10240x128xf32, #tpu.memory_space<vmem_shared>> -> memref<10240x128xf32, #tpu.memory_space<vmem_shared>>
      tpu.enqueue_indirect_dma source(%arg8 : memref<128x128xf32, #tpu.memory_space<vmem>>) target(%dma_start3A_81 : memref<10240x128xf32, #tpu.memory_space<vmem_shared>>) offsets(%dma_start3A_78 : memref<128xi32, #tpu.memory_space<vmem>>) semaphore(%arg9 : memref<!tpu.dma_semaphore, #tpu.memory_space<semaphore_mem>>) {add = true}
      %add3A_82 = arith.constant 0 : i32
      %add3A_83 = arith.addi %mul3A_18, %add3A_82 : i32
      %dma_wait3A = arith.constant 0 : i32
      %dma_wait3A_84 = tpu.memref_slice %arg7[%add3A_83, %dma_wait3A] : memref<80x128xi32, #tpu.memory_space<vmem>> -> memref<1x128xi32, #tpu.memory_space<vmem>>
      %dma_wait3A_85 = tpu.memref_squeeze %dma_wait3A_84 : memref<1x128xi32, #tpu.memory_space<vmem>> -> memref<128xi32, #tpu.memory_space<vmem>>
      %dma_wait3A_86 = arith.constant 0 : i32
      %dma_wait3A_87 = arith.constant 0 : i32
      %dma_wait3A_88 = tpu.memref_slice %arg6[%dma_wait3A_86, %dma_wait3A_87] : memref<10240x128xf32, #tpu.memory_space<vmem_shared>> -> memref<10240x128xf32, #tpu.memory_space<vmem_shared>>
      tpu.wait_indirect_dma semaphore(%arg9 : memref<!tpu.dma_semaphore, #tpu.memory_space<semaphore_mem>>) src(%arg8 : memref<128x128xf32, #tpu.memory_space<vmem>>) dst(%dma_wait3A_88 : memref<10240x128xf32, #tpu.memory_space<vmem_shared>>)
      %add3A_89 = arith.constant 1 : i32
      %add3A_90 = arith.addi %mul3A_18, %add3A_89 : i32
      %dma_wait3A_91 = arith.constant 0 : i32
      %dma_wait3A_92 = tpu.memref_slice %arg7[%add3A_90, %dma_wait3A_91] : memref<80x128xi32, #tpu.memory_space<vmem>> -> memref<1x128xi32, #tpu.memory_space<vmem>>
      %dma_wait3A_93 = tpu.memref_squeeze %dma_wait3A_92 : memref<1x128xi32, #tpu.memory_space<vmem>> -> memref<128xi32, #tpu.memory_space<vmem>>
      %dma_wait3A_94 = arith.constant 0 : i32
      %dma_wait3A_95 = arith.constant 0 : i32
      %dma_wait3A_96 = tpu.memref_slice %arg6[%dma_wait3A_94, %dma_wait3A_95] : memref<10240x128xf32, #tpu.memory_space<vmem_shared>> -> memref<10240x128xf32, #tpu.memory_space<vmem_shared>>
      tpu.wait_indirect_dma semaphore(%arg9 : memref<!tpu.dma_semaphore, #tpu.memory_space<semaphore_mem>>) src(%arg8 : memref<128x128xf32, #tpu.memory_space<vmem>>) dst(%dma_wait3A_96 : memref<10240x128xf32, #tpu.memory_space<vmem_shared>>)
      %add3A_97 = arith.constant 2 : i32
      %add3A_98 = arith.addi %mul3A_18, %add3A_97 : i32
      %dma_wait3A_99 = arith.constant 0 : i32
      %dma_wait3A_100 = tpu.memref_slice %arg7[%add3A_98, %dma_wait3A_99] : memref<80x128xi32, #tpu.memory_space<vmem>> -> memref<1x128xi32, #tpu.memory_space<vmem>>
      %dma_wait3A_101 = tpu.memref_squeeze %dma_wait3A_100 : memref<1x128xi32, #tpu.memory_space<vmem>> -> memref<128xi32, #tpu.memory_space<vmem>>
      %dma_wait3A_102 = arith.constant 0 : i32
      %dma_wait3A_103 = arith.constant 0 : i32
      %dma_wait3A_104 = tpu.memref_slice %arg6[%dma_wait3A_102, %dma_wait3A_103] : memref<10240x128xf32, #tpu.memory_space<vmem_shared>> -> memref<10240x128xf32, #tpu.memory_space<vmem_shared>>
      tpu.wait_indirect_dma semaphore(%arg9 : memref<!tpu.dma_semaphore, #tpu.memory_space<semaphore_mem>>) src(%arg8 : memref<128x128xf32, #tpu.memory_space<vmem>>) dst(%dma_wait3A_104 : memref<10240x128xf32, #tpu.memory_space<vmem_shared>>)
      %add3A_105 = arith.constant 3 : i32
      %add3A_106 = arith.addi %mul3A_18, %add3A_105 : i32
      %dma_wait3A_107 = arith.constant 0 : i32
      %dma_wait3A_108 = tpu.memref_slice %arg7[%add3A_106, %dma_wait3A_107] : memref<80x128xi32, #tpu.memory_space<vmem>> -> memref<1x128xi32, #tpu.memory_space<vmem>>
      %dma_wait3A_109 = tpu.memref_squeeze %dma_wait3A_108 : memref<1x128xi32, #tpu.memory_space<vmem>> -> memref<128xi32, #tpu.memory_space<vmem>>
      %dma_wait3A_110 = arith.constant 0 : i32
      %dma_wait3A_111 = arith.constant 0 : i32
      %dma_wait3A_112 = tpu.memref_slice %arg6[%dma_wait3A_110, %dma_wait3A_111] : memref<10240x128xf32, #tpu.memory_space<vmem_shared>> -> memref<10240x128xf32, #tpu.memory_space<vmem_shared>>
      tpu.wait_indirect_dma semaphore(%arg9 : memref<!tpu.dma_semaphore, #tpu.memory_space<semaphore_mem>>) src(%arg8 : memref<128x128xf32, #tpu.memory_space<vmem>>) dst(%dma_wait3A_112 : memref<10240x128xf32, #tpu.memory_space<vmem_shared>>)
      %add3A_113 = arith.constant 4 : i32
      %add3A_114 = arith.addi %mul3A_18, %add3A_113 : i32
      %dma_wait3A_115 = arith.constant 0 : i32
      %dma_wait3A_116 = tpu.memref_slice %arg7[%add3A_114, %dma_wait3A_115] : memref<80x128xi32, #tpu.memory_space<vmem>> -> memref<1x128xi32, #tpu.memory_space<vmem>>
      %dma_wait3A_117 = tpu.memref_squeeze %dma_wait3A_116 : memref<1x128xi32, #tpu.memory_space<vmem>> -> memref<128xi32, #tpu.memory_space<vmem>>
      %dma_wait3A_118 = arith.constant 0 : i32
      %dma_wait3A_119 = arith.constant 0 : i32
      %dma_wait3A_120 = tpu.memref_slice %arg6[%dma_wait3A_118, %dma_wait3A_119] : memref<10240x128xf32, #tpu.memory_space<vmem_shared>> -> memref<10240x128xf32, #tpu.memory_space<vmem_shared>>
      tpu.wait_indirect_dma semaphore(%arg9 : memref<!tpu.dma_semaphore, #tpu.memory_space<semaphore_mem>>) src(%arg8 : memref<128x128xf32, #tpu.memory_space<vmem>>) dst(%dma_wait3A_120 : memref<10240x128xf32, #tpu.memory_space<vmem_shared>>)
      %add3A_121 = arith.constant 5 : i32
      %add3A_122 = arith.addi %mul3A_18, %add3A_121 : i32
      %dma_wait3A_123 = arith.constant 0 : i32
      %dma_wait3A_124 = tpu.memref_slice %arg7[%add3A_122, %dma_wait3A_123] : memref<80x128xi32, #tpu.memory_space<vmem>> -> memref<1x128xi32, #tpu.memory_space<vmem>>
      %dma_wait3A_125 = tpu.memref_squeeze %dma_wait3A_124 : memref<1x128xi32, #tpu.memory_space<vmem>> -> memref<128xi32, #tpu.memory_space<vmem>>
      %dma_wait3A_126 = arith.constant 0 : i32
      %dma_wait3A_127 = arith.constant 0 : i32
      %dma_wait3A_128 = tpu.memref_slice %arg6[%dma_wait3A_126, %dma_wait3A_127] : memref<10240x128xf32, #tpu.memory_space<vmem_shared>> -> memref<10240x128xf32, #tpu.memory_space<vmem_shared>>
      tpu.wait_indirect_dma semaphore(%arg9 : memref<!tpu.dma_semaphore, #tpu.memory_space<semaphore_mem>>) src(%arg8 : memref<128x128xf32, #tpu.memory_space<vmem>>) dst(%dma_wait3A_128 : memref<10240x128xf32, #tpu.memory_space<vmem_shared>>)
      %add3A_129 = arith.constant 6 : i32
      %add3A_130 = arith.addi %mul3A_18, %add3A_129 : i32
      %dma_wait3A_131 = arith.constant 0 : i32
      %dma_wait3A_132 = tpu.memref_slice %arg7[%add3A_130, %dma_wait3A_131] : memref<80x128xi32, #tpu.memory_space<vmem>> -> memref<1x128xi32, #tpu.memory_space<vmem>>
      %dma_wait3A_133 = tpu.memref_squeeze %dma_wait3A_132 : memref<1x128xi32, #tpu.memory_space<vmem>> -> memref<128xi32, #tpu.memory_space<vmem>>
      %dma_wait3A_134 = arith.constant 0 : i32
      %dma_wait3A_135 = arith.constant 0 : i32
      %dma_wait3A_136 = tpu.memref_slice %arg6[%dma_wait3A_134, %dma_wait3A_135] : memref<10240x128xf32, #tpu.memory_space<vmem_shared>> -> memref<10240x128xf32, #tpu.memory_space<vmem_shared>>
      tpu.wait_indirect_dma semaphore(%arg9 : memref<!tpu.dma_semaphore, #tpu.memory_space<semaphore_mem>>) src(%arg8 : memref<128x128xf32, #tpu.memory_space<vmem>>) dst(%dma_wait3A_136 : memref<10240x128xf32, #tpu.memory_space<vmem_shared>>)
      %add3A_137 = arith.constant 7 : i32
      %add3A_138 = arith.addi %mul3A_18, %add3A_137 : i32
      %dma_wait3A_139 = arith.constant 0 : i32
      %dma_wait3A_140 = tpu.memref_slice %arg7[%add3A_138, %dma_wait3A_139] : memref<80x128xi32, #tpu.memory_space<vmem>> -> memref<1x128xi32, #tpu.memory_space<vmem>>
      %dma_wait3A_141 = tpu.memref_squeeze %dma_wait3A_140 : memref<1x128xi32, #tpu.memory_space<vmem>> -> memref<128xi32, #tpu.memory_space<vmem>>
      %dma_wait3A_142 = arith.constant 0 : i32
      %dma_wait3A_143 = arith.constant 0 : i32
      %dma_wait3A_144 = tpu.memref_slice %arg6[%dma_wait3A_142, %dma_wait3A_143] : memref<10240x128xf32, #tpu.memory_space<vmem_shared>> -> memref<10240x128xf32, #tpu.memory_space<vmem_shared>>
      tpu.wait_indirect_dma semaphore(%arg9 : memref<!tpu.dma_semaphore, #tpu.memory_space<semaphore_mem>>) src(%arg8 : memref<128x128xf32, #tpu.memory_space<vmem>>) dst(%dma_wait3A_144 : memref<10240x128xf32, #tpu.memory_space<vmem_shared>>)
    }
    %scan3A_9 = arith.constant 10 : i32
    %barrier3A_10 = arith.constant 0 : index
    tpu.barrier barrier_id(%barrier3A_10)
    %mul3A_11 = arith.constant 10240 : i32
    %mul3A_12 = arith.muli %arg0, %mul3A_11 : i32
    %mul3A_13 = arith.constant 640 : i32
    %mul3A_14 = arith.muli %arg1, %mul3A_13 : i32
    %add3A_15 = arith.addi %mul3A_12, %mul3A_14 : i32
    "tpu.region"() ({
      %run_scoped3A = tpu.sem_alloc : memref<!tpu.dma_semaphore, #tpu.memory_space<semaphore_mem>>
      %dma_start3A = arith.constant 0 : i32
      %dma_start3A_16 = tpu.memref_slice %arg5[%add3A_15, %dma_start3A] : memref<20480x128xf32, #tpu.memory_space<hbm>> -> memref<640x128xf32, #tpu.memory_space<hbm>>
      %dma_start3A_17 = arith.constant 0 : i32
      %dma_start3A_18 = tpu.memref_slice %arg6[%mul3A_0, %dma_start3A_17] : memref<10240x128xf32, #tpu.memory_space<vmem_shared>> -> memref<640x128xf32, #tpu.memory_space<vmem_shared>>
      tpu.enqueue_dma source(%dma_start3A_18 : memref<640x128xf32, #tpu.memory_space<vmem_shared>>) target(%dma_start3A_16 : memref<640x128xf32, #tpu.memory_space<hbm>>) target_semaphore(%run_scoped3A : memref<!tpu.dma_semaphore, #tpu.memory_space<semaphore_mem>>)
      %dma_wait3A = arith.constant 0 : i32
      %dma_wait3A_19 = tpu.memref_slice %arg5[%add3A_15, %dma_wait3A] : memref<20480x128xf32, #tpu.memory_space<hbm>> -> memref<640x128xf32, #tpu.memory_space<hbm>>
      %dma_wait3A_20 = arith.constant 0 : i32
      %dma_wait3A_21 = tpu.memref_slice %arg6[%mul3A_0, %dma_wait3A_20] : memref<10240x128xf32, #tpu.memory_space<vmem_shared>> -> memref<640x128xf32, #tpu.memory_space<vmem_shared>>
      tpu.wait_dma2 semaphore(%run_scoped3A : memref<!tpu.dma_semaphore, #tpu.memory_space<semaphore_mem>>) src(%dma_wait3A_21 : memref<640x128xf32, #tpu.memory_space<vmem_shared>>) dst(%dma_wait3A_19 : memref<640x128xf32, #tpu.memory_space<hbm>>)
      tpu.yield
    }) : () -> ()
    return
  }
}

#map = affine_map<(d0, d1) -> (0, 0)>
module attributes {stable_mosaic.version = 14 : i64} {
  func.func @k(%arg0: i32, %arg1: i32, %arg2: memref<20480x128xf32, #tpu.memory_space<hbm>>, %arg3: memref<2560x128xi32, #tpu.memory_space<hbm>>, %arg4: memref<1280x128xi32, #tpu.memory_space<hbm>>, %arg5: memref<640x128xf32, #tpu.memory_space<hbm>>, %arg6: memref<20480x128xf32, #tpu.memory_space<hbm>>, %arg7: memref<10240x128xf32, #tpu.memory_space<vmem_shared>>, %arg8: memref<16x128xi32, #tpu.memory_space<vmem>>, %arg9: memref<16x128xi32, #tpu.memory_space<vmem>>, %arg10: memref<128x128xf32, #tpu.memory_space<vmem>>, %arg11: memref<128x128xf32, #tpu.memory_space<vmem>>, %arg12: memref<!tpu.dma_semaphore, #tpu.memory_space<semaphore_mem>>, %arg13: memref<!tpu.dma_semaphore, #tpu.memory_space<semaphore_mem>>) attributes {dimension_semantics = [#tpu.dimension_semantics<core_parallel>, #tpu.dimension_semantics<subcore_parallel>], iteration_bounds = array<i64: 2, 16>, scalar_prefetch = 0 : i64, scratch_operands = 7 : i64, tpu.core_type = #tpu.core_type<sc_vector_subcore>, window_params = [{transform_indices = #map}, {transform_indices = #map}, {transform_indices = #map}, {transform_indices = #map}, {transform_indices = #map}]} {
    %mul3A = arith.constant 640 : i32
    %mul3A_0 = arith.muli %arg1, %mul3A : i32
    "tpu.region"() ({
      %run_scoped3A = tpu.sem_alloc : memref<!tpu.dma_semaphore, #tpu.memory_space<semaphore_mem>>
      %dma_start3A = arith.constant 0 : i32
      %dma_start3A_11 = tpu.memref_slice %arg7[%mul3A_0, %dma_start3A] : memref<10240x128xf32, #tpu.memory_space<vmem_shared>> -> memref<640x128xf32, #tpu.memory_space<vmem_shared>>
      tpu.enqueue_dma source(%arg5 : memref<640x128xf32, #tpu.memory_space<hbm>>) target(%dma_start3A_11 : memref<640x128xf32, #tpu.memory_space<vmem_shared>>) target_semaphore(%run_scoped3A : memref<!tpu.dma_semaphore, #tpu.memory_space<semaphore_mem>>)
      %dma_wait3A = arith.constant 0 : i32
      %dma_wait3A_12 = tpu.memref_slice %arg7[%mul3A_0, %dma_wait3A] : memref<10240x128xf32, #tpu.memory_space<vmem_shared>> -> memref<640x128xf32, #tpu.memory_space<vmem_shared>>
      tpu.wait_dma2 semaphore(%run_scoped3A : memref<!tpu.dma_semaphore, #tpu.memory_space<semaphore_mem>>) src(%arg5 : memref<640x128xf32, #tpu.memory_space<hbm>>) dst(%dma_wait3A_12 : memref<640x128xf32, #tpu.memory_space<vmem_shared>>)
      tpu.yield
    }) : () -> ()
    %barrier3A = arith.constant 0 : index
    tpu.barrier barrier_id(%barrier3A)
    %scan3A = arith.constant 0 : i32
    %scan3A_1 = arith.constant 0 : i32
    %scan3A_2 = arith.constant 5 : i32
    %scan3A_3 = arith.addi %scan3A_1, %scan3A_2 : i32
    %scan3A_4 = arith.constant 1 : i32
    scf.for %scan3A_11 = %scan3A_1 to %scan3A_3 step %scan3A_4  : i32 {
      %mul3A_12 = arith.constant 80 : i32
      %mul3A_13 = arith.muli %arg1, %mul3A_12 : i32
      %mul3A_14 = arith.constant 16 : i32
      %mul3A_15 = arith.muli %scan3A_11, %mul3A_14 : i32
      %add3A_16 = arith.addi %mul3A_13, %mul3A_15 : i32
      %mul3A_17 = arith.constant 1280 : i32
      %mul3A_18 = arith.muli %arg0, %mul3A_17 : i32
      %add3A_19 = arith.addi %mul3A_18, %add3A_16 : i32
      "tpu.region"() ({
        %run_scoped3A = tpu.sem_alloc : memref<!tpu.dma_semaphore, #tpu.memory_space<semaphore_mem>>
        %dma_start3A_32 = arith.constant 0 : i32
        %dma_start3A_33 = tpu.memref_slice %arg3[%add3A_19, %dma_start3A_32] : memref<2560x128xi32, #tpu.memory_space<hbm>> -> memref<16x128xi32, #tpu.memory_space<hbm>>
        %dma_start3A_34 = arith.constant 0 : i32
        %dma_start3A_35 = tpu.memref_slice %arg3[%add3A_19, %dma_start3A_34] : memref<2560x128xi32, #tpu.memory_space<hbm>> -> memref<16x128xi32, #tpu.memory_space<hbm>>
        tpu.enqueue_dma source(%dma_start3A_35 : memref<16x128xi32, #tpu.memory_space<hbm>>) target(%arg8 : memref<16x128xi32, #tpu.memory_space<vmem>>) target_semaphore(%run_scoped3A : memref<!tpu.dma_semaphore, #tpu.memory_space<semaphore_mem>>)
        %dma_wait3A = arith.constant 0 : i32
        %dma_wait3A_36 = tpu.memref_slice %arg3[%add3A_19, %dma_wait3A] : memref<2560x128xi32, #tpu.memory_space<hbm>> -> memref<16x128xi32, #tpu.memory_space<hbm>>
        %dma_wait3A_37 = arith.constant 0 : i32
        %dma_wait3A_38 = tpu.memref_slice %arg3[%add3A_19, %dma_wait3A_37] : memref<2560x128xi32, #tpu.memory_space<hbm>> -> memref<16x128xi32, #tpu.memory_space<hbm>>
        tpu.wait_dma2 semaphore(%run_scoped3A : memref<!tpu.dma_semaphore, #tpu.memory_space<semaphore_mem>>) src(%dma_wait3A_38 : memref<16x128xi32, #tpu.memory_space<hbm>>) dst(%arg8 : memref<16x128xi32, #tpu.memory_space<vmem>>)
        tpu.yield
      }) : () -> ()
      "tpu.region"() ({
        %run_scoped3A = tpu.sem_alloc : memref<!tpu.dma_semaphore, #tpu.memory_space<semaphore_mem>>
        %dma_start3A_32 = arith.constant 0 : i32
        %dma_start3A_33 = tpu.memref_slice %arg4[%add3A_16, %dma_start3A_32] : memref<1280x128xi32, #tpu.memory_space<hbm>> -> memref<16x128xi32, #tpu.memory_space<hbm>>
        %dma_start3A_34 = arith.constant 0 : i32
        %dma_start3A_35 = tpu.memref_slice %arg4[%add3A_16, %dma_start3A_34] : memref<1280x128xi32, #tpu.memory_space<hbm>> -> memref<16x128xi32, #tpu.memory_space<hbm>>
        tpu.enqueue_dma source(%dma_start3A_35 : memref<16x128xi32, #tpu.memory_space<hbm>>) target(%arg9 : memref<16x128xi32, #tpu.memory_space<vmem>>) target_semaphore(%run_scoped3A : memref<!tpu.dma_semaphore, #tpu.memory_space<semaphore_mem>>)
        %dma_wait3A = arith.constant 0 : i32
        %dma_wait3A_36 = tpu.memref_slice %arg4[%add3A_16, %dma_wait3A] : memref<1280x128xi32, #tpu.memory_space<hbm>> -> memref<16x128xi32, #tpu.memory_space<hbm>>
        %dma_wait3A_37 = arith.constant 0 : i32
        %dma_wait3A_38 = tpu.memref_slice %arg4[%add3A_16, %dma_wait3A_37] : memref<1280x128xi32, #tpu.memory_space<hbm>> -> memref<16x128xi32, #tpu.memory_space<hbm>>
        tpu.wait_dma2 semaphore(%run_scoped3A : memref<!tpu.dma_semaphore, #tpu.memory_space<semaphore_mem>>) src(%dma_wait3A_38 : memref<16x128xi32, #tpu.memory_space<hbm>>) dst(%arg9 : memref<16x128xi32, #tpu.memory_space<vmem>>)
        tpu.yield
      }) : () -> ()
      %dma_start3A = arith.constant 0 : i32
      %dma_start3A_20 = arith.constant 0 : i32
      %dma_start3A_21 = tpu.memref_slice %arg8[%dma_start3A, %dma_start3A_20] : memref<16x128xi32, #tpu.memory_space<vmem>> -> memref<1x128xi32, #tpu.memory_space<vmem>>
      %dma_start3A_22 = tpu.memref_squeeze %dma_start3A_21 : memref<1x128xi32, #tpu.memory_space<vmem>> -> memref<128xi32, #tpu.memory_space<vmem>>
      %dma_start3A_23 = arith.constant 0 : i32
      %dma_start3A_24 = arith.constant 0 : i32
      %dma_start3A_25 = tpu.memref_slice %arg2[%dma_start3A_23, %dma_start3A_24] : memref<20480x128xf32, #tpu.memory_space<hbm>> -> memref<20480x128xf32, #tpu.memory_space<hbm>>
      tpu.enqueue_indirect_dma source(%dma_start3A_25 : memref<20480x128xf32, #tpu.memory_space<hbm>>) target(%arg10 : memref<128x128xf32, #tpu.memory_space<vmem>>) offsets(%dma_start3A_22 : memref<128xi32, #tpu.memory_space<vmem>>) semaphore(%arg12 : memref<!tpu.dma_semaphore, #tpu.memory_space<semaphore_mem>>)
      %scan3A_26 = arith.constant 0 : i32
      %scan3A_27 = arith.constant 0 : i32
      %scan3A_28 = arith.constant 8 : i32
      %scan3A_29 = arith.addi %scan3A_27, %scan3A_28 : i32
      %scan3A_30 = arith.constant 1 : i32
      scf.for %scan3A_32 = %scan3A_27 to %scan3A_29 step %scan3A_30  : i32 {
        %mul3A_33 = arith.constant 2 : i32
        %mul3A_34 = arith.muli %mul3A_33, %scan3A_32 : i32
        %add3A_35 = arith.constant 1 : i32
        %add3A_36 = arith.addi %mul3A_34, %add3A_35 : i32
        %dma_start3A_37 = arith.constant 0 : i32
        %dma_start3A_38 = tpu.memref_slice %arg8[%add3A_36, %dma_start3A_37] : memref<16x128xi32, #tpu.memory_space<vmem>> -> memref<1x128xi32, #tpu.memory_space<vmem>>
        %dma_start3A_39 = tpu.memref_squeeze %dma_start3A_38 : memref<1x128xi32, #tpu.memory_space<vmem>> -> memref<128xi32, #tpu.memory_space<vmem>>
        %dma_start3A_40 = arith.constant 0 : i32
        %dma_start3A_41 = arith.constant 0 : i32
        %dma_start3A_42 = tpu.memref_slice %arg2[%dma_start3A_40, %dma_start3A_41] : memref<20480x128xf32, #tpu.memory_space<hbm>> -> memref<20480x128xf32, #tpu.memory_space<hbm>>
        tpu.enqueue_indirect_dma source(%dma_start3A_42 : memref<20480x128xf32, #tpu.memory_space<hbm>>) target(%arg11 : memref<128x128xf32, #tpu.memory_space<vmem>>) offsets(%dma_start3A_39 : memref<128xi32, #tpu.memory_space<vmem>>) semaphore(%arg13 : memref<!tpu.dma_semaphore, #tpu.memory_space<semaphore_mem>>)
        %dma_wait3A = arith.constant 0 : i32
        %dma_wait3A_43 = tpu.memref_slice %arg8[%mul3A_34, %dma_wait3A] : memref<16x128xi32, #tpu.memory_space<vmem>> -> memref<1x128xi32, #tpu.memory_space<vmem>>
        %dma_wait3A_44 = tpu.memref_squeeze %dma_wait3A_43 : memref<1x128xi32, #tpu.memory_space<vmem>> -> memref<128xi32, #tpu.memory_space<vmem>>
        %dma_wait3A_45 = arith.constant 0 : i32
        %dma_wait3A_46 = arith.constant 0 : i32
        %dma_wait3A_47 = tpu.memref_slice %arg2[%dma_wait3A_45, %dma_wait3A_46] : memref<20480x128xf32, #tpu.memory_space<hbm>> -> memref<20480x128xf32, #tpu.memory_space<hbm>>
        tpu.wait_indirect_dma semaphore(%arg12 : memref<!tpu.dma_semaphore, #tpu.memory_space<semaphore_mem>>) src(%dma_wait3A_47 : memref<20480x128xf32, #tpu.memory_space<hbm>>) dst(%arg10 : memref<128x128xf32, #tpu.memory_space<vmem>>)
        "tpu.region"() ({
          %run_scoped3A = tpu.sem_alloc : memref<!tpu.dma_semaphore, #tpu.memory_space<semaphore_mem>>
          %dma_start3A_60 = arith.constant 0 : i32
          %dma_start3A_61 = tpu.memref_slice %arg9[%mul3A_34, %dma_start3A_60] : memref<16x128xi32, #tpu.memory_space<vmem>> -> memref<1x128xi32, #tpu.memory_space<vmem>>
          %dma_start3A_62 = tpu.memref_squeeze %dma_start3A_61 : memref<1x128xi32, #tpu.memory_space<vmem>> -> memref<128xi32, #tpu.memory_space<vmem>>
          %dma_start3A_63 = arith.constant 0 : i32
          %dma_start3A_64 = arith.constant 0 : i32
          %dma_start3A_65 = tpu.memref_slice %arg7[%dma_start3A_63, %dma_start3A_64] : memref<10240x128xf32, #tpu.memory_space<vmem_shared>> -> memref<10240x128xf32, #tpu.memory_space<vmem_shared>>
          tpu.enqueue_indirect_dma source(%arg10 : memref<128x128xf32, #tpu.memory_space<vmem>>) target(%dma_start3A_65 : memref<10240x128xf32, #tpu.memory_space<vmem_shared>>) offsets(%dma_start3A_62 : memref<128xi32, #tpu.memory_space<vmem>>) semaphore(%run_scoped3A : memref<!tpu.dma_semaphore, #tpu.memory_space<semaphore_mem>>) {add = true}
          %dma_wait3A_66 = arith.constant 0 : i32
          %dma_wait3A_67 = tpu.memref_slice %arg9[%mul3A_34, %dma_wait3A_66] : memref<16x128xi32, #tpu.memory_space<vmem>> -> memref<1x128xi32, #tpu.memory_space<vmem>>
          %dma_wait3A_68 = tpu.memref_squeeze %dma_wait3A_67 : memref<1x128xi32, #tpu.memory_space<vmem>> -> memref<128xi32, #tpu.memory_space<vmem>>
          %dma_wait3A_69 = arith.constant 0 : i32
          %dma_wait3A_70 = arith.constant 0 : i32
          %dma_wait3A_71 = tpu.memref_slice %arg7[%dma_wait3A_69, %dma_wait3A_70] : memref<10240x128xf32, #tpu.memory_space<vmem_shared>> -> memref<10240x128xf32, #tpu.memory_space<vmem_shared>>
          tpu.wait_indirect_dma semaphore(%run_scoped3A : memref<!tpu.dma_semaphore, #tpu.memory_space<semaphore_mem>>) src(%arg10 : memref<128x128xf32, #tpu.memory_space<vmem>>) dst(%dma_wait3A_71 : memref<10240x128xf32, #tpu.memory_space<vmem_shared>>)
          tpu.yield
        }) : () -> ()
        %lt3A = arith.constant 7 : i32
        %lt3A_48 = arith.cmpi slt, %scan3A_32, %lt3A : i32
        %convert_element_type3A = arith.extui %lt3A_48 : i1 to i32
        %cond3A = arith.constant 0 : i32
        %cond3A_49 = arith.cmpi ne, %convert_element_type3A, %cond3A : i32
        scf.if %cond3A_49 {
          %add3A_60 = arith.constant 2 : i32
          %add3A_61 = arith.addi %mul3A_34, %add3A_60 : i32
          %dma_start3A_62 = arith.constant 0 : i32
          %dma_start3A_63 = tpu.memref_slice %arg8[%add3A_61, %dma_start3A_62] : memref<16x128xi32, #tpu.memory_space<vmem>> -> memref<1x128xi32, #tpu.memory_space<vmem>>
          %dma_start3A_64 = tpu.memref_squeeze %dma_start3A_63 : memref<1x128xi32, #tpu.memory_space<vmem>> -> memref<128xi32, #tpu.memory_space<vmem>>
          %dma_start3A_65 = arith.constant 0 : i32
          %dma_start3A_66 = arith.constant 0 : i32
          %dma_start3A_67 = tpu.memref_slice %arg2[%dma_start3A_65, %dma_start3A_66] : memref<20480x128xf32, #tpu.memory_space<hbm>> -> memref<20480x128xf32, #tpu.memory_space<hbm>>
          tpu.enqueue_indirect_dma source(%dma_start3A_67 : memref<20480x128xf32, #tpu.memory_space<hbm>>) target(%arg10 : memref<128x128xf32, #tpu.memory_space<vmem>>) offsets(%dma_start3A_64 : memref<128xi32, #tpu.memory_space<vmem>>) semaphore(%arg12 : memref<!tpu.dma_semaphore, #tpu.memory_space<semaphore_mem>>)
        } else {
        }
        %add3A_50 = arith.constant 1 : i32
        %add3A_51 = arith.addi %mul3A_34, %add3A_50 : i32
        %dma_wait3A_52 = arith.constant 0 : i32
        %dma_wait3A_53 = tpu.memref_slice %arg8[%add3A_51, %dma_wait3A_52] : memref<16x128xi32, #tpu.memory_space<vmem>> -> memref<1x128xi32, #tpu.memory_space<vmem>>
        %dma_wait3A_54 = tpu.memref_squeeze %dma_wait3A_53 : memref<1x128xi32, #tpu.memory_space<vmem>> -> memref<128xi32, #tpu.memory_space<vmem>>
        %dma_wait3A_55 = arith.constant 0 : i32
        %dma_wait3A_56 = arith.constant 0 : i32
        %dma_wait3A_57 = tpu.memref_slice %arg2[%dma_wait3A_55, %dma_wait3A_56] : memref<20480x128xf32, #tpu.memory_space<hbm>> -> memref<20480x128xf32, #tpu.memory_space<hbm>>
        tpu.wait_indirect_dma semaphore(%arg13 : memref<!tpu.dma_semaphore, #tpu.memory_space<semaphore_mem>>) src(%dma_wait3A_57 : memref<20480x128xf32, #tpu.memory_space<hbm>>) dst(%arg11 : memref<128x128xf32, #tpu.memory_space<vmem>>)
        %add3A_58 = arith.constant 1 : i32
        %add3A_59 = arith.addi %mul3A_34, %add3A_58 : i32
        "tpu.region"() ({
          %run_scoped3A = tpu.sem_alloc : memref<!tpu.dma_semaphore, #tpu.memory_space<semaphore_mem>>
          %dma_start3A_60 = arith.constant 0 : i32
          %dma_start3A_61 = tpu.memref_slice %arg9[%add3A_59, %dma_start3A_60] : memref<16x128xi32, #tpu.memory_space<vmem>> -> memref<1x128xi32, #tpu.memory_space<vmem>>
          %dma_start3A_62 = tpu.memref_squeeze %dma_start3A_61 : memref<1x128xi32, #tpu.memory_space<vmem>> -> memref<128xi32, #tpu.memory_space<vmem>>
          %dma_start3A_63 = arith.constant 0 : i32
          %dma_start3A_64 = arith.constant 0 : i32
          %dma_start3A_65 = tpu.memref_slice %arg7[%dma_start3A_63, %dma_start3A_64] : memref<10240x128xf32, #tpu.memory_space<vmem_shared>> -> memref<10240x128xf32, #tpu.memory_space<vmem_shared>>
          tpu.enqueue_indirect_dma source(%arg11 : memref<128x128xf32, #tpu.memory_space<vmem>>) target(%dma_start3A_65 : memref<10240x128xf32, #tpu.memory_space<vmem_shared>>) offsets(%dma_start3A_62 : memref<128xi32, #tpu.memory_space<vmem>>) semaphore(%run_scoped3A : memref<!tpu.dma_semaphore, #tpu.memory_space<semaphore_mem>>) {add = true}
          %dma_wait3A_66 = arith.constant 0 : i32
          %dma_wait3A_67 = tpu.memref_slice %arg9[%add3A_59, %dma_wait3A_66] : memref<16x128xi32, #tpu.memory_space<vmem>> -> memref<1x128xi32, #tpu.memory_space<vmem>>
          %dma_wait3A_68 = tpu.memref_squeeze %dma_wait3A_67 : memref<1x128xi32, #tpu.memory_space<vmem>> -> memref<128xi32, #tpu.memory_space<vmem>>
          %dma_wait3A_69 = arith.constant 0 : i32
          %dma_wait3A_70 = arith.constant 0 : i32
          %dma_wait3A_71 = tpu.memref_slice %arg7[%dma_wait3A_69, %dma_wait3A_70] : memref<10240x128xf32, #tpu.memory_space<vmem_shared>> -> memref<10240x128xf32, #tpu.memory_space<vmem_shared>>
          tpu.wait_indirect_dma semaphore(%run_scoped3A : memref<!tpu.dma_semaphore, #tpu.memory_space<semaphore_mem>>) src(%arg11 : memref<128x128xf32, #tpu.memory_space<vmem>>) dst(%dma_wait3A_71 : memref<10240x128xf32, #tpu.memory_space<vmem_shared>>)
          tpu.yield
        }) : () -> ()
      }
      %scan3A_31 = arith.constant 8 : i32
    }
    %scan3A_5 = arith.constant 5 : i32
    %barrier3A_6 = arith.constant 0 : index
    tpu.barrier barrier_id(%barrier3A_6)
    %mul3A_7 = arith.constant 10240 : i32
    %mul3A_8 = arith.muli %arg0, %mul3A_7 : i32
    %mul3A_9 = arith.constant 640 : i32
    %mul3A_10 = arith.muli %arg1, %mul3A_9 : i32
    %add3A = arith.addi %mul3A_8, %mul3A_10 : i32
    "tpu.region"() ({
      %run_scoped3A = tpu.sem_alloc : memref<!tpu.dma_semaphore, #tpu.memory_space<semaphore_mem>>
      %dma_start3A = arith.constant 0 : i32
      %dma_start3A_11 = tpu.memref_slice %arg6[%add3A, %dma_start3A] : memref<20480x128xf32, #tpu.memory_space<hbm>> -> memref<640x128xf32, #tpu.memory_space<hbm>>
      %dma_start3A_12 = arith.constant 0 : i32
      %dma_start3A_13 = tpu.memref_slice %arg7[%mul3A_0, %dma_start3A_12] : memref<10240x128xf32, #tpu.memory_space<vmem_shared>> -> memref<640x128xf32, #tpu.memory_space<vmem_shared>>
      tpu.enqueue_dma source(%dma_start3A_13 : memref<640x128xf32, #tpu.memory_space<vmem_shared>>) target(%dma_start3A_11 : memref<640x128xf32, #tpu.memory_space<hbm>>) target_semaphore(%run_scoped3A : memref<!tpu.dma_semaphore, #tpu.memory_space<semaphore_mem>>)
      %dma_wait3A = arith.constant 0 : i32
      %dma_wait3A_14 = tpu.memref_slice %arg6[%add3A, %dma_wait3A] : memref<20480x128xf32, #tpu.memory_space<hbm>> -> memref<640x128xf32, #tpu.memory_space<hbm>>
      %dma_wait3A_15 = arith.constant 0 : i32
      %dma_wait3A_16 = tpu.memref_slice %arg7[%mul3A_0, %dma_wait3A_15] : memref<10240x128xf32, #tpu.memory_space<vmem_shared>> -> memref<640x128xf32, #tpu.memory_space<vmem_shared>>
      tpu.wait_dma2 semaphore(%run_scoped3A : memref<!tpu.dma_semaphore, #tpu.memory_space<semaphore_mem>>) src(%dma_wait3A_16 : memref<640x128xf32, #tpu.memory_space<vmem_shared>>) dst(%dma_wait3A_14 : memref<640x128xf32, #tpu.memory_space<hbm>>)
      tpu.yield
    }) : () -> ()
    return
  }
}

#map = affine_map<(d0, d1) -> (0, 0)>
module attributes {stable_mosaic.version = 14 : i64} {
  func.func @k(%arg0: i32, %arg1: i32, %arg2: memref<20480x128xf32, #tpu.memory_space<hbm>>, %arg3: memref<2560x128xi32, #tpu.memory_space<hbm>>, %arg4: memref<1280x128xi32, #tpu.memory_space<hbm>>, %arg5: memref<640x128xf32, #tpu.memory_space<hbm>>, %arg6: memref<20480x128xf32, #tpu.memory_space<hbm>>, %arg7: memref<10240x128xf32, #tpu.memory_space<vmem_shared>>, %arg8: memref<16x128xi32, #tpu.memory_space<vmem>>, %arg9: memref<16x128xi32, #tpu.memory_space<vmem>>, %arg10: memref<128x128xf32, #tpu.memory_space<vmem>>, %arg11: memref<128x128xf32, #tpu.memory_space<vmem>>, %arg12: memref<!tpu.dma_semaphore, #tpu.memory_space<semaphore_mem>>, %arg13: memref<!tpu.dma_semaphore, #tpu.memory_space<semaphore_mem>>) attributes {dimension_semantics = [#tpu.dimension_semantics<core_parallel>, #tpu.dimension_semantics<subcore_parallel>], iteration_bounds = array<i64: 2, 16>, scalar_prefetch = 0 : i64, scratch_operands = 7 : i64, tpu.core_type = #tpu.core_type<sc_vector_subcore>, window_params = [{transform_indices = #map}, {transform_indices = #map}, {transform_indices = #map}, {transform_indices = #map}, {transform_indices = #map}]} {
    %mul3A = arith.constant 640 : i32
    %mul3A_0 = arith.muli %arg1, %mul3A : i32
    "tpu.region"() ({
      %run_scoped3A = tpu.sem_alloc : memref<!tpu.dma_semaphore, #tpu.memory_space<semaphore_mem>>
      %dma_start3A = arith.constant 0 : i32
      %dma_start3A_11 = tpu.memref_slice %arg7[%mul3A_0, %dma_start3A] : memref<10240x128xf32, #tpu.memory_space<vmem_shared>> -> memref<640x128xf32, #tpu.memory_space<vmem_shared>>
      tpu.enqueue_dma source(%arg5 : memref<640x128xf32, #tpu.memory_space<hbm>>) target(%dma_start3A_11 : memref<640x128xf32, #tpu.memory_space<vmem_shared>>) target_semaphore(%run_scoped3A : memref<!tpu.dma_semaphore, #tpu.memory_space<semaphore_mem>>)
      %dma_wait3A = arith.constant 0 : i32
      %dma_wait3A_12 = tpu.memref_slice %arg7[%mul3A_0, %dma_wait3A] : memref<10240x128xf32, #tpu.memory_space<vmem_shared>> -> memref<640x128xf32, #tpu.memory_space<vmem_shared>>
      tpu.wait_dma2 semaphore(%run_scoped3A : memref<!tpu.dma_semaphore, #tpu.memory_space<semaphore_mem>>) src(%arg5 : memref<640x128xf32, #tpu.memory_space<hbm>>) dst(%dma_wait3A_12 : memref<640x128xf32, #tpu.memory_space<vmem_shared>>)
      tpu.yield
    }) : () -> ()
    %barrier3A = arith.constant 0 : index
    tpu.barrier barrier_id(%barrier3A)
    %scan3A = arith.constant 0 : i32
    %scan3A_1 = arith.constant 0 : i32
    %scan3A_2 = arith.constant 5 : i32
    %scan3A_3 = arith.addi %scan3A_1, %scan3A_2 : i32
    %scan3A_4 = arith.constant 1 : i32
    scf.for %scan3A_11 = %scan3A_1 to %scan3A_3 step %scan3A_4  : i32 {
      %mul3A_12 = arith.constant 80 : i32
      %mul3A_13 = arith.muli %arg1, %mul3A_12 : i32
      %mul3A_14 = arith.constant 16 : i32
      %mul3A_15 = arith.muli %scan3A_11, %mul3A_14 : i32
      %add3A_16 = arith.addi %mul3A_13, %mul3A_15 : i32
      %mul3A_17 = arith.constant 1280 : i32
      %mul3A_18 = arith.muli %arg0, %mul3A_17 : i32
      %add3A_19 = arith.addi %mul3A_18, %add3A_16 : i32
      "tpu.region"() ({
        %run_scoped3A = tpu.sem_alloc : memref<!tpu.dma_semaphore, #tpu.memory_space<semaphore_mem>>
        %dma_start3A_32 = arith.constant 0 : i32
        %dma_start3A_33 = tpu.memref_slice %arg3[%add3A_19, %dma_start3A_32] : memref<2560x128xi32, #tpu.memory_space<hbm>> -> memref<16x128xi32, #tpu.memory_space<hbm>>
        %dma_start3A_34 = arith.constant 0 : i32
        %dma_start3A_35 = tpu.memref_slice %arg3[%add3A_19, %dma_start3A_34] : memref<2560x128xi32, #tpu.memory_space<hbm>> -> memref<16x128xi32, #tpu.memory_space<hbm>>
        tpu.enqueue_dma source(%dma_start3A_35 : memref<16x128xi32, #tpu.memory_space<hbm>>) target(%arg8 : memref<16x128xi32, #tpu.memory_space<vmem>>) target_semaphore(%run_scoped3A : memref<!tpu.dma_semaphore, #tpu.memory_space<semaphore_mem>>)
        %dma_wait3A = arith.constant 0 : i32
        %dma_wait3A_36 = tpu.memref_slice %arg3[%add3A_19, %dma_wait3A] : memref<2560x128xi32, #tpu.memory_space<hbm>> -> memref<16x128xi32, #tpu.memory_space<hbm>>
        %dma_wait3A_37 = arith.constant 0 : i32
        %dma_wait3A_38 = tpu.memref_slice %arg3[%add3A_19, %dma_wait3A_37] : memref<2560x128xi32, #tpu.memory_space<hbm>> -> memref<16x128xi32, #tpu.memory_space<hbm>>
        tpu.wait_dma2 semaphore(%run_scoped3A : memref<!tpu.dma_semaphore, #tpu.memory_space<semaphore_mem>>) src(%dma_wait3A_38 : memref<16x128xi32, #tpu.memory_space<hbm>>) dst(%arg8 : memref<16x128xi32, #tpu.memory_space<vmem>>)
        tpu.yield
      }) : () -> ()
      "tpu.region"() ({
        %run_scoped3A = tpu.sem_alloc : memref<!tpu.dma_semaphore, #tpu.memory_space<semaphore_mem>>
        %dma_start3A_32 = arith.constant 0 : i32
        %dma_start3A_33 = tpu.memref_slice %arg4[%add3A_16, %dma_start3A_32] : memref<1280x128xi32, #tpu.memory_space<hbm>> -> memref<16x128xi32, #tpu.memory_space<hbm>>
        %dma_start3A_34 = arith.constant 0 : i32
        %dma_start3A_35 = tpu.memref_slice %arg4[%add3A_16, %dma_start3A_34] : memref<1280x128xi32, #tpu.memory_space<hbm>> -> memref<16x128xi32, #tpu.memory_space<hbm>>
        tpu.enqueue_dma source(%dma_start3A_35 : memref<16x128xi32, #tpu.memory_space<hbm>>) target(%arg9 : memref<16x128xi32, #tpu.memory_space<vmem>>) target_semaphore(%run_scoped3A : memref<!tpu.dma_semaphore, #tpu.memory_space<semaphore_mem>>)
        %dma_wait3A = arith.constant 0 : i32
        %dma_wait3A_36 = tpu.memref_slice %arg4[%add3A_16, %dma_wait3A] : memref<1280x128xi32, #tpu.memory_space<hbm>> -> memref<16x128xi32, #tpu.memory_space<hbm>>
        %dma_wait3A_37 = arith.constant 0 : i32
        %dma_wait3A_38 = tpu.memref_slice %arg4[%add3A_16, %dma_wait3A_37] : memref<1280x128xi32, #tpu.memory_space<hbm>> -> memref<16x128xi32, #tpu.memory_space<hbm>>
        tpu.wait_dma2 semaphore(%run_scoped3A : memref<!tpu.dma_semaphore, #tpu.memory_space<semaphore_mem>>) src(%dma_wait3A_38 : memref<16x128xi32, #tpu.memory_space<hbm>>) dst(%arg9 : memref<16x128xi32, #tpu.memory_space<vmem>>)
        tpu.yield
      }) : () -> ()
      %dma_start3A = arith.constant 0 : i32
      %dma_start3A_20 = arith.constant 0 : i32
      %dma_start3A_21 = tpu.memref_slice %arg8[%dma_start3A, %dma_start3A_20] : memref<16x128xi32, #tpu.memory_space<vmem>> -> memref<1x128xi32, #tpu.memory_space<vmem>>
      %dma_start3A_22 = tpu.memref_squeeze %dma_start3A_21 : memref<1x128xi32, #tpu.memory_space<vmem>> -> memref<128xi32, #tpu.memory_space<vmem>>
      %dma_start3A_23 = arith.constant 0 : i32
      %dma_start3A_24 = arith.constant 0 : i32
      %dma_start3A_25 = tpu.memref_slice %arg2[%dma_start3A_23, %dma_start3A_24] : memref<20480x128xf32, #tpu.memory_space<hbm>> -> memref<20480x128xf32, #tpu.memory_space<hbm>>
      tpu.enqueue_indirect_dma source(%dma_start3A_25 : memref<20480x128xf32, #tpu.memory_space<hbm>>) target(%arg10 : memref<128x128xf32, #tpu.memory_space<vmem>>) offsets(%dma_start3A_22 : memref<128xi32, #tpu.memory_space<vmem>>) semaphore(%arg12 : memref<!tpu.dma_semaphore, #tpu.memory_space<semaphore_mem>>)
      %scan3A_26 = arith.constant 0 : i32
      %scan3A_27 = arith.constant 0 : i32
      %scan3A_28 = arith.constant 8 : i32
      %scan3A_29 = arith.addi %scan3A_27, %scan3A_28 : i32
      %scan3A_30 = arith.constant 1 : i32
      scf.for %scan3A_32 = %scan3A_27 to %scan3A_29 step %scan3A_30  : i32 {
        %mul3A_33 = arith.constant 2 : i32
        %mul3A_34 = arith.muli %mul3A_33, %scan3A_32 : i32
        %add3A_35 = arith.constant 1 : i32
        %add3A_36 = arith.addi %mul3A_34, %add3A_35 : i32
        %dma_start3A_37 = arith.constant 0 : i32
        %dma_start3A_38 = tpu.memref_slice %arg8[%add3A_36, %dma_start3A_37] : memref<16x128xi32, #tpu.memory_space<vmem>> -> memref<1x128xi32, #tpu.memory_space<vmem>>
        %dma_start3A_39 = tpu.memref_squeeze %dma_start3A_38 : memref<1x128xi32, #tpu.memory_space<vmem>> -> memref<128xi32, #tpu.memory_space<vmem>>
        %dma_start3A_40 = arith.constant 0 : i32
        %dma_start3A_41 = arith.constant 0 : i32
        %dma_start3A_42 = tpu.memref_slice %arg2[%dma_start3A_40, %dma_start3A_41] : memref<20480x128xf32, #tpu.memory_space<hbm>> -> memref<20480x128xf32, #tpu.memory_space<hbm>>
        tpu.enqueue_indirect_dma source(%dma_start3A_42 : memref<20480x128xf32, #tpu.memory_space<hbm>>) target(%arg11 : memref<128x128xf32, #tpu.memory_space<vmem>>) offsets(%dma_start3A_39 : memref<128xi32, #tpu.memory_space<vmem>>) semaphore(%arg13 : memref<!tpu.dma_semaphore, #tpu.memory_space<semaphore_mem>>)
        %dma_wait3A = arith.constant 0 : i32
        %dma_wait3A_43 = tpu.memref_slice %arg8[%mul3A_34, %dma_wait3A] : memref<16x128xi32, #tpu.memory_space<vmem>> -> memref<1x128xi32, #tpu.memory_space<vmem>>
        %dma_wait3A_44 = tpu.memref_squeeze %dma_wait3A_43 : memref<1x128xi32, #tpu.memory_space<vmem>> -> memref<128xi32, #tpu.memory_space<vmem>>
        %dma_wait3A_45 = arith.constant 0 : i32
        %dma_wait3A_46 = arith.constant 0 : i32
        %dma_wait3A_47 = tpu.memref_slice %arg2[%dma_wait3A_45, %dma_wait3A_46] : memref<20480x128xf32, #tpu.memory_space<hbm>> -> memref<20480x128xf32, #tpu.memory_space<hbm>>
        tpu.wait_indirect_dma semaphore(%arg12 : memref<!tpu.dma_semaphore, #tpu.memory_space<semaphore_mem>>) src(%dma_wait3A_47 : memref<20480x128xf32, #tpu.memory_space<hbm>>) dst(%arg10 : memref<128x128xf32, #tpu.memory_space<vmem>>)
        "tpu.region"() ({
          %run_scoped3A = tpu.sem_alloc : memref<!tpu.dma_semaphore, #tpu.memory_space<semaphore_mem>>
          %dma_start3A_60 = arith.constant 0 : i32
          %dma_start3A_61 = tpu.memref_slice %arg9[%mul3A_34, %dma_start3A_60] : memref<16x128xi32, #tpu.memory_space<vmem>> -> memref<1x128xi32, #tpu.memory_space<vmem>>
          %dma_start3A_62 = tpu.memref_squeeze %dma_start3A_61 : memref<1x128xi32, #tpu.memory_space<vmem>> -> memref<128xi32, #tpu.memory_space<vmem>>
          %dma_start3A_63 = arith.constant 0 : i32
          %dma_start3A_64 = arith.constant 0 : i32
          %dma_start3A_65 = tpu.memref_slice %arg7[%dma_start3A_63, %dma_start3A_64] : memref<10240x128xf32, #tpu.memory_space<vmem_shared>> -> memref<10240x128xf32, #tpu.memory_space<vmem_shared>>
          tpu.enqueue_indirect_dma source(%arg10 : memref<128x128xf32, #tpu.memory_space<vmem>>) target(%dma_start3A_65 : memref<10240x128xf32, #tpu.memory_space<vmem_shared>>) offsets(%dma_start3A_62 : memref<128xi32, #tpu.memory_space<vmem>>) semaphore(%run_scoped3A : memref<!tpu.dma_semaphore, #tpu.memory_space<semaphore_mem>>) {add = true}
          %dma_wait3A_66 = arith.constant 0 : i32
          %dma_wait3A_67 = tpu.memref_slice %arg9[%mul3A_34, %dma_wait3A_66] : memref<16x128xi32, #tpu.memory_space<vmem>> -> memref<1x128xi32, #tpu.memory_space<vmem>>
          %dma_wait3A_68 = tpu.memref_squeeze %dma_wait3A_67 : memref<1x128xi32, #tpu.memory_space<vmem>> -> memref<128xi32, #tpu.memory_space<vmem>>
          %dma_wait3A_69 = arith.constant 0 : i32
          %dma_wait3A_70 = arith.constant 0 : i32
          %dma_wait3A_71 = tpu.memref_slice %arg7[%dma_wait3A_69, %dma_wait3A_70] : memref<10240x128xf32, #tpu.memory_space<vmem_shared>> -> memref<10240x128xf32, #tpu.memory_space<vmem_shared>>
          tpu.wait_indirect_dma semaphore(%run_scoped3A : memref<!tpu.dma_semaphore, #tpu.memory_space<semaphore_mem>>) src(%arg10 : memref<128x128xf32, #tpu.memory_space<vmem>>) dst(%dma_wait3A_71 : memref<10240x128xf32, #tpu.memory_space<vmem_shared>>)
          tpu.yield
        }) : () -> ()
        %lt3A = arith.constant 7 : i32
        %lt3A_48 = arith.cmpi slt, %scan3A_32, %lt3A : i32
        %convert_element_type3A = arith.extui %lt3A_48 : i1 to i32
        %cond3A = arith.constant 0 : i32
        %cond3A_49 = arith.cmpi ne, %convert_element_type3A, %cond3A : i32
        scf.if %cond3A_49 {
          %add3A_60 = arith.constant 2 : i32
          %add3A_61 = arith.addi %mul3A_34, %add3A_60 : i32
          %dma_start3A_62 = arith.constant 0 : i32
          %dma_start3A_63 = tpu.memref_slice %arg8[%add3A_61, %dma_start3A_62] : memref<16x128xi32, #tpu.memory_space<vmem>> -> memref<1x128xi32, #tpu.memory_space<vmem>>
          %dma_start3A_64 = tpu.memref_squeeze %dma_start3A_63 : memref<1x128xi32, #tpu.memory_space<vmem>> -> memref<128xi32, #tpu.memory_space<vmem>>
          %dma_start3A_65 = arith.constant 0 : i32
          %dma_start3A_66 = arith.constant 0 : i32
          %dma_start3A_67 = tpu.memref_slice %arg2[%dma_start3A_65, %dma_start3A_66] : memref<20480x128xf32, #tpu.memory_space<hbm>> -> memref<20480x128xf32, #tpu.memory_space<hbm>>
          tpu.enqueue_indirect_dma source(%dma_start3A_67 : memref<20480x128xf32, #tpu.memory_space<hbm>>) target(%arg10 : memref<128x128xf32, #tpu.memory_space<vmem>>) offsets(%dma_start3A_64 : memref<128xi32, #tpu.memory_space<vmem>>) semaphore(%arg12 : memref<!tpu.dma_semaphore, #tpu.memory_space<semaphore_mem>>)
        } else {
        }
        %add3A_50 = arith.constant 1 : i32
        %add3A_51 = arith.addi %mul3A_34, %add3A_50 : i32
        %dma_wait3A_52 = arith.constant 0 : i32
        %dma_wait3A_53 = tpu.memref_slice %arg8[%add3A_51, %dma_wait3A_52] : memref<16x128xi32, #tpu.memory_space<vmem>> -> memref<1x128xi32, #tpu.memory_space<vmem>>
        %dma_wait3A_54 = tpu.memref_squeeze %dma_wait3A_53 : memref<1x128xi32, #tpu.memory_space<vmem>> -> memref<128xi32, #tpu.memory_space<vmem>>
        %dma_wait3A_55 = arith.constant 0 : i32
        %dma_wait3A_56 = arith.constant 0 : i32
        %dma_wait3A_57 = tpu.memref_slice %arg2[%dma_wait3A_55, %dma_wait3A_56] : memref<20480x128xf32, #tpu.memory_space<hbm>> -> memref<20480x128xf32, #tpu.memory_space<hbm>>
        tpu.wait_indirect_dma semaphore(%arg13 : memref<!tpu.dma_semaphore, #tpu.memory_space<semaphore_mem>>) src(%dma_wait3A_57 : memref<20480x128xf32, #tpu.memory_space<hbm>>) dst(%arg11 : memref<128x128xf32, #tpu.memory_space<vmem>>)
        %add3A_58 = arith.constant 1 : i32
        %add3A_59 = arith.addi %mul3A_34, %add3A_58 : i32
        "tpu.region"() ({
          %run_scoped3A = tpu.sem_alloc : memref<!tpu.dma_semaphore, #tpu.memory_space<semaphore_mem>>
          %dma_start3A_60 = arith.constant 0 : i32
          %dma_start3A_61 = tpu.memref_slice %arg9[%add3A_59, %dma_start3A_60] : memref<16x128xi32, #tpu.memory_space<vmem>> -> memref<1x128xi32, #tpu.memory_space<vmem>>
          %dma_start3A_62 = tpu.memref_squeeze %dma_start3A_61 : memref<1x128xi32, #tpu.memory_space<vmem>> -> memref<128xi32, #tpu.memory_space<vmem>>
          %dma_start3A_63 = arith.constant 0 : i32
          %dma_start3A_64 = arith.constant 0 : i32
          %dma_start3A_65 = tpu.memref_slice %arg7[%dma_start3A_63, %dma_start3A_64] : memref<10240x128xf32, #tpu.memory_space<vmem_shared>> -> memref<10240x128xf32, #tpu.memory_space<vmem_shared>>
          tpu.enqueue_indirect_dma source(%arg11 : memref<128x128xf32, #tpu.memory_space<vmem>>) target(%dma_start3A_65 : memref<10240x128xf32, #tpu.memory_space<vmem_shared>>) offsets(%dma_start3A_62 : memref<128xi32, #tpu.memory_space<vmem>>) semaphore(%run_scoped3A : memref<!tpu.dma_semaphore, #tpu.memory_space<semaphore_mem>>) {add = true}
          %dma_wait3A_66 = arith.constant 0 : i32
          %dma_wait3A_67 = tpu.memref_slice %arg9[%add3A_59, %dma_wait3A_66] : memref<16x128xi32, #tpu.memory_space<vmem>> -> memref<1x128xi32, #tpu.memory_space<vmem>>
          %dma_wait3A_68 = tpu.memref_squeeze %dma_wait3A_67 : memref<1x128xi32, #tpu.memory_space<vmem>> -> memref<128xi32, #tpu.memory_space<vmem>>
          %dma_wait3A_69 = arith.constant 0 : i32
          %dma_wait3A_70 = arith.constant 0 : i32
          %dma_wait3A_71 = tpu.memref_slice %arg7[%dma_wait3A_69, %dma_wait3A_70] : memref<10240x128xf32, #tpu.memory_space<vmem_shared>> -> memref<10240x128xf32, #tpu.memory_space<vmem_shared>>
          tpu.wait_indirect_dma semaphore(%run_scoped3A : memref<!tpu.dma_semaphore, #tpu.memory_space<semaphore_mem>>) src(%arg11 : memref<128x128xf32, #tpu.memory_space<vmem>>) dst(%dma_wait3A_71 : memref<10240x128xf32, #tpu.memory_space<vmem_shared>>)
          tpu.yield
        }) : () -> ()
      }
      %scan3A_31 = arith.constant 8 : i32
    }
    %scan3A_5 = arith.constant 5 : i32
    %barrier3A_6 = arith.constant 0 : index
    tpu.barrier barrier_id(%barrier3A_6)
    %mul3A_7 = arith.constant 10240 : i32
    %mul3A_8 = arith.muli %arg0, %mul3A_7 : i32
    %mul3A_9 = arith.constant 640 : i32
    %mul3A_10 = arith.muli %arg1, %mul3A_9 : i32
    %add3A = arith.addi %mul3A_8, %mul3A_10 : i32
    "tpu.region"() ({
      %run_scoped3A = tpu.sem_alloc : memref<!tpu.dma_semaphore, #tpu.memory_space<semaphore_mem>>
      %dma_start3A = arith.constant 0 : i32
      %dma_start3A_11 = tpu.memref_slice %arg6[%add3A, %dma_start3A] : memref<20480x128xf32, #tpu.memory_space<hbm>> -> memref<640x128xf32, #tpu.memory_space<hbm>>
      %dma_start3A_12 = arith.constant 0 : i32
      %dma_start3A_13 = tpu.memref_slice %arg7[%mul3A_0, %dma_start3A_12] : memref<10240x128xf32, #tpu.memory_space<vmem_shared>> -> memref<640x128xf32, #tpu.memory_space<vmem_shared>>
      tpu.enqueue_dma source(%dma_start3A_13 : memref<640x128xf32, #tpu.memory_space<vmem_shared>>) target(%dma_start3A_11 : memref<640x128xf32, #tpu.memory_space<hbm>>) target_semaphore(%run_scoped3A : memref<!tpu.dma_semaphore, #tpu.memory_space<semaphore_mem>>)
      %dma_wait3A = arith.constant 0 : i32
      %dma_wait3A_14 = tpu.memref_slice %arg6[%add3A, %dma_wait3A] : memref<20480x128xf32, #tpu.memory_space<hbm>> -> memref<640x128xf32, #tpu.memory_space<hbm>>
      %dma_wait3A_15 = arith.constant 0 : i32
      %dma_wait3A_16 = tpu.memref_slice %arg7[%mul3A_0, %dma_wait3A_15] : memref<10240x128xf32, #tpu.memory_space<vmem_shared>> -> memref<640x128xf32, #tpu.memory_space<vmem_shared>>
      tpu.wait_dma2 semaphore(%run_scoped3A : memref<!tpu.dma_semaphore, #tpu.memory_space<semaphore_mem>>) src(%dma_wait3A_16 : memref<640x128xf32, #tpu.memory_space<vmem_shared>>) dst(%dma_wait3A_14 : memref<640x128xf32, #tpu.memory_space<hbm>>)
      tpu.yield
    }) : () -> ()
    return
  }
}

module attributes {stable_mosaic.version = 14 : i64} {
  func.func @_tc_scale_body(%arg0: i32, %arg1: memref<1x640x128xf32, #tpu.memory_space<vmem>>, %arg2: memref<1x640x128xf32, #tpu.memory_space<vmem>>, %arg3: memref<1x640x128xf32, #tpu.memory_space<vmem>>, %arg4: memref<640x2x128xf32, #tpu.memory_space<vmem>>) attributes {dimension_semantics = [#tpu.dimension_semantics<arbitrary>], iteration_bounds = array<i64: 16>, scalar_prefetch = 0 : i64, scratch_operands = 0 : i64, tpu.core_type = #tpu.core_type<tc>, window_params = [{transform_indices = @transform_0, window_bounds = array<i64: 1, 640, 128>}, {transform_indices = @transform_1, window_bounds = array<i64: 1, 640, 128>}, {transform_indices = @transform_2, window_bounds = array<i64: 1, 640, 128>}, {transform_indices = @transform_3, window_bounds = array<i64: 640, 2, 128>}]} {
    %get3A = arith.constant 0 : index
    %get3A_0 = arith.constant 0 : index
    %get3A_1 = arith.constant 0 : index
    %get3A_2 = vector.load %arg3[%get3A, %get3A_0, %get3A_1] : memref<1x640x128xf32, #tpu.memory_space<vmem>>, vector<1x640x128xf32>
    %get3A_3 = vector.shape_cast %get3A_2 : vector<1x640x128xf32> to vector<640x128xf32>
    %slice3A = vector.extract_strided_slice %get3A_3 {offsets = [0, 0], sizes = [640, 1], strides = [1, 1]} : vector<640x128xf32> to vector<640x1xf32>
    %gt3A = arith.constant 0.000000e+00 : f32
    %gt3A_4 = vector.broadcast %gt3A : f32 to vector<640x1xf32>
    %gt3A_5 = arith.cmpf ogt, %slice3A, %gt3A_4 : vector<640x1xf32>
    %rsqrt3A = math.rsqrt %slice3A : vector<640x1xf32>
    %jit3A = arith.constant 0.000000e+00 : f32
    %broadcast_in_dim3A = vector.broadcast %jit3A : f32 to vector<640x1xf32>
    %select_n3A = arith.select %gt3A_5, %rsqrt3A, %broadcast_in_dim3A : vector<640x1xi1>, vector<640x1xf32>
    %get3A_6 = arith.constant 0 : index
    %get3A_7 = arith.constant 0 : index
    %get3A_8 = arith.constant 0 : index
    %get3A_9 = vector.load %arg1[%get3A_6, %get3A_7, %get3A_8] : memref<1x640x128xf32, #tpu.memory_space<vmem>>, vector<1x640x128xf32>
    %get3A_10 = vector.shape_cast %get3A_9 : vector<1x640x128xf32> to vector<640x128xf32>
    %mul3A = vector.broadcast %select_n3A : vector<640x1xf32> to vector<640x128xf32>
    %mul3A_11 = arith.mulf %get3A_10, %mul3A : vector<640x128xf32>
    %swap3A = arith.constant 0 : index
    %swap3A_12 = arith.constant 0 : index
    %swap3A_13 = arith.constant 0 : index
    %swap3A_14 = vector.load %arg4[%swap3A, %swap3A_12, %swap3A_13] : memref<640x2x128xf32, #tpu.memory_space<vmem>>, vector<640x1x128xf32>
    %swap3A_15 = vector.shape_cast %swap3A_14 : vector<640x1x128xf32> to vector<640x128xf32>
    %swap3A_16 = vector.shape_cast %mul3A_11 : vector<640x128xf32> to vector<640x1x128xf32>
    tpu.vector_store %arg4[%swap3A, %swap3A_12, %swap3A_13], %swap3A_16 {strides = array<i32>} : memref<640x2x128xf32, #tpu.memory_space<vmem>>, vector<640x1x128xf32>,
    %get3A_17 = arith.constant 0 : index
    %get3A_18 = arith.constant 0 : index
    %get3A_19 = arith.constant 0 : index
    %get3A_20 = vector.load %arg2[%get3A_17, %get3A_18, %get3A_19] : memref<1x640x128xf32, #tpu.memory_space<vmem>>, vector<1x640x128xf32>
    %get3A_21 = vector.shape_cast %get3A_20 : vector<1x640x128xf32> to vector<640x128xf32>
    %mul3A_22 = vector.broadcast %select_n3A : vector<640x1xf32> to vector<640x128xf32>
    %mul3A_23 = arith.mulf %get3A_21, %mul3A_22 : vector<640x128xf32>
    %swap3A_24 = arith.constant 0 : index
    %swap3A_25 = arith.constant 1 : index
    %swap3A_26 = arith.constant 0 : index
    %swap3A_27 = vector.load %arg4[%swap3A_24, %swap3A_25, %swap3A_26] : memref<640x2x128xf32, #tpu.memory_space<vmem>>, vector<640x1x128xf32>
    %swap3A_28 = vector.shape_cast %swap3A_27 : vector<640x1x128xf32> to vector<640x128xf32>
    %swap3A_29 = vector.shape_cast %mul3A_23 : vector<640x128xf32> to vector<640x1x128xf32>
    tpu.vector_store %arg4[%swap3A_24, %swap3A_25, %swap3A_26], %swap3A_29 {strides = array<i32>} : memref<640x2x128xf32, #tpu.memory_space<vmem>>, vector<640x1x128xf32>,
    return
  }
  func.func @transform_0(%arg0: i32) -> (i32, i32, i32) {
    %c0_i32 = arith.constant 0 : i32
    %c0_i32_0 = arith.constant 0 : i32
    %c0_i32_1 = arith.constant 0 : i32
    return %c0_i32, %arg0, %c0_i32_0 : i32, i32, i32
  }
  func.func @transform_1(%arg0: i32) -> (i32, i32, i32) {
    %c1_i32 = arith.constant 1 : i32
    %c0_i32 = arith.constant 0 : i32
    %c0_i32_0 = arith.constant 0 : i32
    return %c1_i32, %arg0, %c0_i32 : i32, i32, i32
  }
  func.func @transform_2(%arg0: i32) -> (i32, i32, i32) {
    %c0_i32 = arith.constant 0 : i32
    %c0_i32_0 = arith.constant 0 : i32
    %c0_i32_1 = arith.constant 0 : i32
    return %c0_i32, %arg0, %c0_i32_0 : i32, i32, i32
  }
  func.func @transform_3(%arg0: i32) -> (i32, i32, i32) {
    %c0_i32 = arith.constant 0 : i32
    %c0_i32_0 = arith.constant 0 : i32
    %c0_i32_1 = arith.constant 0 : i32
    return %arg0, %c0_i32, %c0_i32_0 : i32, i32, i32
  }
}

module attributes {stable_mosaic.version = 14 : i64} {
  func.func @_tc_layer_body(%arg0: i32, %arg1: memref<1x640x128xf32, #tpu.memory_space<vmem>>, %arg2: memref<1x640x128xf32, #tpu.memory_space<vmem>>, %arg3: memref<1x640x128xf32, #tpu.memory_space<vmem>>, %arg4: memref<1x640x128xf32, #tpu.memory_space<vmem>>, %arg5: memref<256x256xf32, #tpu.memory_space<vmem>>, %arg6: memref<1x256xf32, #tpu.memory_space<vmem>>, %arg7: memref<640x2x128xf32, #tpu.memory_space<vmem>>) attributes {dimension_semantics = [#tpu.dimension_semantics<arbitrary>], iteration_bounds = array<i64: 16>, scalar_prefetch = 0 : i64, scratch_operands = 0 : i64, tpu.core_type = #tpu.core_type<tc>, window_params = [{transform_indices = @transform_0, window_bounds = array<i64: 1, 640, 128>}, {transform_indices = @transform_1, window_bounds = array<i64: 1, 640, 128>}, {transform_indices = @transform_2, window_bounds = array<i64: 1, 640, 128>}, {transform_indices = @transform_3, window_bounds = array<i64: 1, 640, 128>}, {pipeline_mode = #tpu.pipeline_mode<synchronous>, transform_indices = @transform_4, window_bounds = array<i64: 256, 256>}, {pipeline_mode = #tpu.pipeline_mode<synchronous>, transform_indices = @transform_5, window_bounds = array<i64: 1, 256>}, {transform_indices = @transform_6, window_bounds = array<i64: 640, 2, 128>}]} {
    %get3A = arith.constant 0 : index
    %get3A_0 = arith.constant 0 : index
    %get3A_1 = arith.constant 0 : index
    %get3A_2 = vector.load %arg4[%get3A, %get3A_0, %get3A_1] : memref<1x640x128xf32, #tpu.memory_space<vmem>>, vector<1x640x128xf32>
    %get3A_3 = vector.shape_cast %get3A_2 : vector<1x640x128xf32> to vector<640x128xf32>
    %slice3A = vector.extract_strided_slice %get3A_3 {offsets = [0, 0], sizes = [640, 1], strides = [1, 1]} : vector<640x128xf32> to vector<640x1xf32>
    %gt3A = arith.constant 0.000000e+00 : f32
    %gt3A_4 = vector.broadcast %gt3A : f32 to vector<640x1xf32>
    %gt3A_5 = arith.cmpf ogt, %slice3A, %gt3A_4 : vector<640x1xf32>
    %rsqrt3A = math.rsqrt %slice3A : vector<640x1xf32>
    %jit3A = arith.constant 0.000000e+00 : f32
    %broadcast_in_dim3A = vector.broadcast %jit3A : f32 to vector<640x1xf32>
    %select_n3A = arith.select %gt3A_5, %rsqrt3A, %broadcast_in_dim3A : vector<640x1xi1>, vector<640x1xf32>
    %get3A_6 = arith.constant 0 : index
    %get3A_7 = arith.constant 0 : index
    %get3A_8 = arith.constant 0 : index
    %get3A_9 = vector.load %arg3[%get3A_6, %get3A_7, %get3A_8] : memref<1x640x128xf32, #tpu.memory_space<vmem>>, vector<1x640x128xf32>
    %get3A_10 = vector.shape_cast %get3A_9 : vector<1x640x128xf32> to vector<640x128xf32>
    %slice3A_11 = vector.extract_strided_slice %get3A_10 {offsets = [0, 0], sizes = [640, 1], strides = [1, 1]} : vector<640x128xf32> to vector<640x1xf32>
    %gt3A_12 = arith.constant 0.000000e+00 : f32
    %gt3A_13 = vector.broadcast %gt3A_12 : f32 to vector<640x1xf32>
    %gt3A_14 = arith.cmpf ogt, %slice3A_11, %gt3A_13 : vector<640x1xf32>
    %rsqrt3A_15 = math.rsqrt %slice3A_11 : vector<640x1xf32>
    %jit3A_16 = arith.constant 0.000000e+00 : f32
    %broadcast_in_dim3A_17 = vector.broadcast %jit3A_16 : f32 to vector<640x1xf32>
    %select_n3A_18 = arith.select %gt3A_14, %rsqrt3A_15, %broadcast_in_dim3A_17 : vector<640x1xi1>, vector<640x1xf32>
    %get3A_19 = arith.constant 0 : index
    %get3A_20 = arith.constant 0 : index
    %get3A_21 = arith.constant 0 : index
    %get3A_22 = vector.load %arg1[%get3A_19, %get3A_20, %get3A_21] : memref<1x640x128xf32, #tpu.memory_space<vmem>>, vector<1x640x128xf32>
    %get3A_23 = vector.shape_cast %get3A_22 : vector<1x640x128xf32> to vector<640x128xf32>
    %get3A_24 = arith.constant 0 : index
    %get3A_25 = arith.constant 0 : index
    %get3A_26 = arith.constant 0 : index
    %get3A_27 = vector.load %arg2[%get3A_24, %get3A_25, %get3A_26] : memref<1x640x128xf32, #tpu.memory_space<vmem>>, vector<1x640x128xf32>
    %get3A_28 = vector.shape_cast %get3A_27 : vector<1x640x128xf32> to vector<640x128xf32>
    %concatenate3A = tpu.concatenate %get3A_23, %get3A_28 in 1 : vector<640x128xf32>, vector<640x128xf32> -> vector<640x256xf32>
    %mul3A = vector.broadcast %select_n3A : vector<640x1xf32> to vector<640x256xf32>
    %mul3A_29 = arith.mulf %concatenate3A, %mul3A : vector<640x256xf32>
    %get3A_30 = arith.constant 0 : index
    %get3A_31 = arith.constant 0 : index
    %get3A_32 = vector.load %arg5[%get3A_30, %get3A_31] : memref<256x256xf32, #tpu.memory_space<vmem>>, vector<256x256xf32>
    %dot_general3A = arith.constant dense<0.000000e+00> : vector<640x256xf32>
    %dot_general3A_33 = tpu.matmul %mul3A_29, %get3A_32, %dot_general3A {dimension_numbers = #tpu.dot_dimension_numbers<[1], [0], [0], [1], [0, 0, 1, 1], [], []>, transpose_lhs_hint = false} : vector<640x256xf32>, vector<256x256xf32>, vector<640x256xf32> -> vector<640x256xf32>
    %get3A_34 = arith.constant 0 : index
    %get3A_35 = arith.constant 0 : index
    %get3A_36 = vector.load %arg6[%get3A_34, %get3A_35] : memref<1x256xf32, #tpu.memory_space<vmem>>, vector<1x256xf32>
    %add3A = vector.broadcast %get3A_36 : vector<1x256xf32> to vector<640x256xf32>
    %add3A_37 = arith.addf %dot_general3A_33, %add3A : vector<640x256xf32>
    %max3A = arith.constant 0.000000e+00 : f32
    %max3A_38 = vector.broadcast %max3A : f32 to vector<640x256xf32>
    %max3A_39 = arith.maximumf %add3A_37, %max3A_38 : vector<640x256xf32>
    %mul3A_40 = vector.broadcast %select_n3A_18 : vector<640x1xf32> to vector<640x256xf32>
    %mul3A_41 = arith.mulf %max3A_39, %mul3A_40 : vector<640x256xf32>
    %slice3A_42 = vector.extract_strided_slice %mul3A_41 {offsets = [0, 0], sizes = [640, 128], strides = [1, 1]} : vector<640x256xf32> to vector<640x128xf32>
    %swap3A = arith.constant 0 : index
    %swap3A_43 = arith.constant 0 : index
    %swap3A_44 = arith.constant 0 : index
    %swap3A_45 = vector.load %arg7[%swap3A, %swap3A_43, %swap3A_44] : memref<640x2x128xf32, #tpu.memory_space<vmem>>, vector<640x1x128xf32>
    %swap3A_46 = vector.shape_cast %swap3A_45 : vector<640x1x128xf32> to vector<640x128xf32>
    %swap3A_47 = vector.shape_cast %slice3A_42 : vector<640x128xf32> to vector<640x1x128xf32>
    tpu.vector_store %arg7[%swap3A, %swap3A_43, %swap3A_44], %swap3A_47 {strides = array<i32>} : memref<640x2x128xf32, #tpu.memory_space<vmem>>, vector<640x1x128xf32>,
    %slice3A_48 = vector.extract_strided_slice %mul3A_41 {offsets = [0, 128], sizes = [640, 128], strides = [1, 1]} : vector<640x256xf32> to vector<640x128xf32>
    %swap3A_49 = arith.constant 0 : index
    %swap3A_50 = arith.constant 1 : index
    %swap3A_51 = arith.constant 0 : index
    %swap3A_52 = vector.load %arg7[%swap3A_49, %swap3A_50, %swap3A_51] : memref<640x2x128xf32, #tpu.memory_space<vmem>>, vector<640x1x128xf32>
    %swap3A_53 = vector.shape_cast %swap3A_52 : vector<640x1x128xf32> to vector<640x128xf32>
    %swap3A_54 = vector.shape_cast %slice3A_48 : vector<640x128xf32> to vector<640x1x128xf32>
    tpu.vector_store %arg7[%swap3A_49, %swap3A_50, %swap3A_51], %swap3A_54 {strides = array<i32>} : memref<640x2x128xf32, #tpu.memory_space<vmem>>, vector<640x1x128xf32>,
    return
  }
  func.func @transform_0(%arg0: i32) -> (i32, i32, i32) {
    %c0_i32 = arith.constant 0 : i32
    %c0_i32_0 = arith.constant 0 : i32
    %c0_i32_1 = arith.constant 0 : i32
    return %c0_i32, %arg0, %c0_i32_0 : i32, i32, i32
  }
  func.func @transform_1(%arg0: i32) -> (i32, i32, i32) {
    %c1_i32 = arith.constant 1 : i32
    %c0_i32 = arith.constant 0 : i32
    %c0_i32_0 = arith.constant 0 : i32
    return %c1_i32, %arg0, %c0_i32 : i32, i32, i32
  }
  func.func @transform_2(%arg0: i32) -> (i32, i32, i32) {
    %c0_i32 = arith.constant 0 : i32
    %c0_i32_0 = arith.constant 0 : i32
    %c0_i32_1 = arith.constant 0 : i32
    return %c0_i32, %arg0, %c0_i32_0 : i32, i32, i32
  }
  func.func @transform_3(%arg0: i32) -> (i32, i32, i32) {
    %c1_i32 = arith.constant 1 : i32
    %c0_i32 = arith.constant 0 : i32
    %c0_i32_0 = arith.constant 0 : i32
    return %c1_i32, %arg0, %c0_i32 : i32, i32, i32
  }
  func.func @transform_4(%arg0: i32) -> (i32, i32) {
    %c0_i32 = arith.constant 0 : i32
    %c0_i32_0 = arith.constant 0 : i32
    %c0_i32_1 = arith.constant 0 : i32
    return %c0_i32, %c0_i32_0 : i32, i32
  }
  func.func @transform_5(%arg0: i32) -> (i32, i32) {
    %c0_i32 = arith.constant 0 : i32
    %c0_i32_0 = arith.constant 0 : i32
    %c0_i32_1 = arith.constant 0 : i32
    return %c0_i32, %c0_i32_0 : i32, i32
  }
  func.func @transform_6(%arg0: i32) -> (i32, i32, i32) {
    %c0_i32 = arith.constant 0 : i32
    %c0_i32_0 = arith.constant 0 : i32
    %c0_i32_1 = arith.constant 0 : i32
    return %arg0, %c0_i32, %c0_i32_0 : i32, i32, i32
  }
}

module attributes {stable_mosaic.version = 14 : i64} {
  func.func @_tc_final_body(%arg0: i32, %arg1: memref<1x640x128xf32, #tpu.memory_space<vmem>>, %arg2: memref<1x640x128xf32, #tpu.memory_space<vmem>>, %arg3: memref<1x640x128xf32, #tpu.memory_space<vmem>>, %arg4: memref<256x256xf32, #tpu.memory_space<vmem>>, %arg5: memref<1x256xf32, #tpu.memory_space<vmem>>, %arg6: memref<256x1xf32, #tpu.memory_space<vmem>>, %arg7: memref<1x1xf32, #tpu.memory_space<vmem>>, %arg8: memref<1x1xf32, #tpu.memory_space<vmem>>, %arg9: memref<1x256xf32, #tpu.memory_space<vmem>>) attributes {dimension_semantics = [#tpu.dimension_semantics<arbitrary>], iteration_bounds = array<i64: 16>, scalar_prefetch = 0 : i64, scratch_operands = 1 : i64, tpu.core_type = #tpu.core_type<tc>, window_params = [{transform_indices = @transform_0, window_bounds = array<i64: 1, 640, 128>}, {transform_indices = @transform_1, window_bounds = array<i64: 1, 640, 128>}, {transform_indices = @transform_2, window_bounds = array<i64: 1, 640, 128>}, {pipeline_mode = #tpu.pipeline_mode<synchronous>, transform_indices = @transform_3, window_bounds = array<i64: 256, 256>}, {pipeline_mode = #tpu.pipeline_mode<synchronous>, transform_indices = @transform_4, window_bounds = array<i64: 1, 256>}, {pipeline_mode = #tpu.pipeline_mode<synchronous>, transform_indices = @transform_5, window_bounds = array<i64: 256, 1>}, {pipeline_mode = #tpu.pipeline_mode<synchronous>, transform_indices = @transform_6, window_bounds = array<i64: 1, 1>}, {pipeline_mode = #tpu.pipeline_mode<synchronous>, transform_indices = @transform_7, window_bounds = array<i64: 1, 1>}]} {
    %eq3A = arith.constant 0 : i32
    %eq3A_0 = arith.cmpi eq, %arg0, %eq3A : i32
    %convert_element_type3A = arith.extui %eq3A_0 : i1 to i32
    %cond3A = arith.constant 0 : i32
    %cond3A_1 = arith.cmpi ne, %convert_element_type3A, %cond3A : i32
    scf.if %cond3A_1 {
      %broadcast_in_dim3A_51 = arith.constant 0.000000e+00 : f32
      %broadcast_in_dim3A_52 = vector.broadcast %broadcast_in_dim3A_51 : f32 to vector<1x256xf32>
      %swap3A_53 = arith.constant 0 : index
      %swap3A_54 = arith.constant 0 : index
      %swap3A_55 = vector.load %arg9[%swap3A_53, %swap3A_54] : memref<1x256xf32, #tpu.memory_space<vmem>>, vector<1x256xf32>
      tpu.vector_store %arg9[%swap3A_53, %swap3A_54], %broadcast_in_dim3A_52 {strides = array<i32>} : memref<1x256xf32, #tpu.memory_space<vmem>>, vector<1x256xf32>,
    } else {
    }
    %get3A = arith.constant 0 : index
    %get3A_2 = arith.constant 0 : index
    %get3A_3 = arith.constant 0 : index
    %get3A_4 = vector.load %arg3[%get3A, %get3A_2, %get3A_3] : memref<1x640x128xf32, #tpu.memory_space<vmem>>, vector<1x640x128xf32>
    %get3A_5 = vector.shape_cast %get3A_4 : vector<1x640x128xf32> to vector<640x128xf32>
    %slice3A = vector.extract_strided_slice %get3A_5 {offsets = [0, 0], sizes = [640, 1], strides = [1, 1]} : vector<640x128xf32> to vector<640x1xf32>
    %gt3A = arith.constant 0.000000e+00 : f32
    %gt3A_6 = vector.broadcast %gt3A : f32 to vector<640x1xf32>
    %gt3A_7 = arith.cmpf ogt, %slice3A, %gt3A_6 : vector<640x1xf32>
    %rsqrt3A = math.rsqrt %slice3A : vector<640x1xf32>
    %jit3A = arith.constant 0.000000e+00 : f32
    %broadcast_in_dim3A = vector.broadcast %jit3A : f32 to vector<640x1xf32>
    %select_n3A = arith.select %gt3A_7, %rsqrt3A, %broadcast_in_dim3A : vector<640x1xi1>, vector<640x1xf32>
    %get3A_8 = arith.constant 0 : index
    %get3A_9 = arith.constant 0 : index
    %get3A_10 = arith.constant 0 : index
    %get3A_11 = vector.load %arg1[%get3A_8, %get3A_9, %get3A_10] : memref<1x640x128xf32, #tpu.memory_space<vmem>>, vector<1x640x128xf32>
    %get3A_12 = vector.shape_cast %get3A_11 : vector<1x640x128xf32> to vector<640x128xf32>
    %get3A_13 = arith.constant 0 : index
    %get3A_14 = arith.constant 0 : index
    %get3A_15 = arith.constant 0 : index
    %get3A_16 = vector.load %arg2[%get3A_13, %get3A_14, %get3A_15] : memref<1x640x128xf32, #tpu.memory_space<vmem>>, vector<1x640x128xf32>
    %get3A_17 = vector.shape_cast %get3A_16 : vector<1x640x128xf32> to vector<640x128xf32>
    %concatenate3A = tpu.concatenate %get3A_12, %get3A_17 in 1 : vector<640x128xf32>, vector<640x128xf32> -> vector<640x256xf32>
    %mul3A = vector.broadcast %select_n3A : vector<640x1xf32> to vector<640x256xf32>
    %mul3A_18 = arith.mulf %concatenate3A, %mul3A : vector<640x256xf32>
    %get3A_19 = arith.constant 0 : index
    %get3A_20 = arith.constant 0 : index
    %get3A_21 = vector.load %arg4[%get3A_19, %get3A_20] : memref<256x256xf32, #tpu.memory_space<vmem>>, vector<256x256xf32>
    %dot_general3A = arith.constant dense<0.000000e+00> : vector<640x256xf32>
    %dot_general3A_22 = tpu.matmul %mul3A_18, %get3A_21, %dot_general3A {dimension_numbers = #tpu.dot_dimension_numbers<[1], [0], [0], [1], [0, 0, 1, 1], [], []>, transpose_lhs_hint = false} : vector<640x256xf32>, vector<256x256xf32>, vector<640x256xf32> -> vector<640x256xf32>
    %get3A_23 = arith.constant 0 : index
    %get3A_24 = arith.constant 0 : index
    %get3A_25 = vector.load %arg5[%get3A_23, %get3A_24] : memref<1x256xf32, #tpu.memory_space<vmem>>, vector<1x256xf32>
    %add3A = vector.broadcast %get3A_25 : vector<1x256xf32> to vector<640x256xf32>
    %add3A_26 = arith.addf %dot_general3A_22, %add3A : vector<640x256xf32>
    %max3A = arith.constant 0.000000e+00 : f32
    %max3A_27 = vector.broadcast %max3A : f32 to vector<640x256xf32>
    %max3A_28 = arith.maximumf %add3A_26, %max3A_27 : vector<640x256xf32>
    %iota3A = tpu.iota {dimensions = array<i32: 0>} : vector<640x256xi32>
    %mul3A_29 = arith.constant 640 : i32
    %mul3A_30 = arith.muli %arg0, %mul3A_29 : i32
    %add3A_31 = vector.broadcast %mul3A_30 : i32 to vector<640x256xi32>
    %add3A_32 = arith.addi %iota3A, %add3A_31 : vector<640x256xi32>
    %lt3A = arith.constant 10000 : i32
    %lt3A_33 = vector.broadcast %lt3A : i32 to vector<640x256xi32>
    %lt3A_34 = arith.cmpi slt, %add3A_32, %lt3A_33 : vector<640x256xi32>
    %jit3A_35 = arith.constant 0.000000e+00 : f32
    %broadcast_in_dim3A_36 = vector.broadcast %jit3A_35 : f32 to vector<640x256xf32>
    %select_n3A_37 = arith.select %lt3A_34, %max3A_28, %broadcast_in_dim3A_36 : vector<640x256xi1>, vector<640x256xf32>
    %get3A_38 = arith.constant 0 : index
    %get3A_39 = arith.constant 0 : index
    %get3A_40 = vector.load %arg9[%get3A_38, %get3A_39] : memref<1x256xf32, #tpu.memory_space<vmem>>, vector<1x256xf32>
    %reduce_sum3A = arith.constant dense<0.000000e+00> : vector<256xf32>
    %reduce_sum3A_41 = vector.multi_reduction <add>, %select_n3A_37, %reduce_sum3A [0] : vector<640x256xf32> to vector<256xf32>
    %broadcast_in_dim3A_42 = vector.shape_cast %reduce_sum3A_41 : vector<256xf32> to vector<1x256xf32>
    %add3A_43 = arith.addf %get3A_40, %broadcast_in_dim3A_42 : vector<1x256xf32>
    %swap3A = arith.constant 0 : index
    %swap3A_44 = arith.constant 0 : index
    %swap3A_45 = vector.load %arg9[%swap3A, %swap3A_44] : memref<1x256xf32, #tpu.memory_space<vmem>>, vector<1x256xf32>
    tpu.vector_store %arg9[%swap3A, %swap3A_44], %add3A_43 {strides = array<i32>} : memref<1x256xf32, #tpu.memory_space<vmem>>, vector<1x256xf32>,
    %eq3A_46 = arith.constant 15 : i32
    %eq3A_47 = arith.cmpi eq, %arg0, %eq3A_46 : i32
    %convert_element_type3A_48 = arith.extui %eq3A_47 : i1 to i32
    %cond3A_49 = arith.constant 0 : i32
    %cond3A_50 = arith.cmpi ne, %convert_element_type3A_48, %cond3A_49 : i32
    scf.if %cond3A_50 {
      %get3A_51 = arith.constant 0 : index
      %get3A_52 = arith.constant 0 : index
      %get3A_53 = vector.load %arg9[%get3A_51, %get3A_52] : memref<1x256xf32, #tpu.memory_space<vmem>>, vector<1x256xf32>
      %mul3A_54 = arith.constant 9.99999974E-5 : f32
      %mul3A_55 = vector.broadcast %mul3A_54 : f32 to vector<1x256xf32>
      %mul3A_56 = arith.mulf %get3A_53, %mul3A_55 : vector<1x256xf32>
      %get3A_57 = arith.constant 0 : index
      %get3A_58 = arith.constant 0 : index
      %get3A_59 = vector.load %arg6[%get3A_57, %get3A_58] : memref<256x1xf32, #tpu.memory_space<vmem>>, vector<256x1xf32>
      %dot_general3A_60 = arith.constant dense<0.000000e+00> : vector<1x1xf32>
      %dot_general3A_61 = tpu.matmul %mul3A_56, %get3A_59, %dot_general3A_60 {dimension_numbers = #tpu.dot_dimension_numbers<[1], [0], [0], [1], [0, 0, 1, 1], [], []>, transpose_lhs_hint = false} : vector<1x256xf32>, vector<256x1xf32>, vector<1x1xf32> -> vector<1x1xf32>
      %get3A_62 = arith.constant 0 : index
      %get3A_63 = arith.constant 0 : index
      %get3A_64 = vector.load %arg7[%get3A_62, %get3A_63] : memref<1x1xf32, #tpu.memory_space<vmem>>, vector<1x1xf32>
      %add3A_65 = arith.addf %dot_general3A_61, %get3A_64 : vector<1x1xf32>
      %swap3A_66 = arith.constant 0 : index
      %swap3A_67 = arith.constant 0 : index
      %swap3A_68 = vector.load %arg8[%swap3A_66, %swap3A_67] : memref<1x1xf32, #tpu.memory_space<vmem>>, vector<1x1xf32>
      tpu.vector_store %arg8[%swap3A_66, %swap3A_67], %add3A_65 {strides = array<i32>} : memref<1x1xf32, #tpu.memory_space<vmem>>, vector<1x1xf32>,
    } else {
    }
    return
  }
  func.func @transform_0(%arg0: i32) -> (i32, i32, i32) {
    %c0_i32 = arith.constant 0 : i32
    %c0_i32_0 = arith.constant 0 : i32
    %c0_i32_1 = arith.constant 0 : i32
    return %c0_i32, %arg0, %c0_i32_0 : i32, i32, i32
  }
  func.func @transform_1(%arg0: i32) -> (i32, i32, i32) {
    %c1_i32 = arith.constant 1 : i32
    %c0_i32 = arith.constant 0 : i32
    %c0_i32_0 = arith.constant 0 : i32
    return %c1_i32, %arg0, %c0_i32 : i32, i32, i32
  }
  func.func @transform_2(%arg0: i32) -> (i32, i32, i32) {
    %c1_i32 = arith.constant 1 : i32
    %c0_i32 = arith.constant 0 : i32
    %c0_i32_0 = arith.constant 0 : i32
    return %c1_i32, %arg0, %c0_i32 : i32, i32, i32
  }
  func.func @transform_3(%arg0: i32) -> (i32, i32) {
    %c0_i32 = arith.constant 0 : i32
    %c0_i32_0 = arith.constant 0 : i32
    %c0_i32_1 = arith.constant 0 : i32
    return %c0_i32, %c0_i32_0 : i32, i32
  }
  func.func @transform_4(%arg0: i32) -> (i32, i32) {
    %c0_i32 = arith.constant 0 : i32
    %c0_i32_0 = arith.constant 0 : i32
    %c0_i32_1 = arith.constant 0 : i32
    return %c0_i32, %c0_i32_0 : i32, i32
  }
  func.func @transform_5(%arg0: i32) -> (i32, i32) {
    %c0_i32 = arith.constant 0 : i32
    %c0_i32_0 = arith.constant 0 : i32
    %c0_i32_1 = arith.constant 0 : i32
    return %c0_i32, %c0_i32_0 : i32, i32
  }
  func.func @transform_6(%arg0: i32) -> (i32, i32) {
    %c0_i32 = arith.constant 0 : i32
    %c0_i32_0 = arith.constant 0 : i32
    %c0_i32_1 = arith.constant 0 : i32
    return %c0_i32, %c0_i32_0 : i32, i32
  }
  func.func @transform_7(%arg0: i32) -> (i32, i32) {
    %c0_i32 = arith.constant 0 : i32
    %c0_i32_0 = arith.constant 0 : i32
    %c0_i32_1 = arith.constant 0 : i32
    return %c0_i32, %c0_i32_0 : i32, i32
  }
}

</mosaic_0001>

<sc_bundles>
// kernel: kernel.12.cloned.1.call-start
scs
__scs_entry_jumppad:
0x0: {  	(pc) =	sbr.rel $0x88, $3  }
0x1: {  	(tag) =	ssettag $0x0;
	lr =	simm.s32 $0x1  }
0x2: {  	[smem:$0x3F98] =	sst lr;
	_ =	strace $0xD0000000  }
0x3: {  	_ = 	snop  }
0x4: {  	_ = 	snop  }
0x5: {  	_ = 	snop  }
0x6: {  	_ = 	snop  }
0x7: {  	_ = 	snop  }
__scs_overlays_trampoline_lowered:
0x8: {  	[smem:$0x3FA7] =	sst s0  }
0x9: {  	[smem:$0x3FA8] =	sst s1  }
0xa: {  	[smem:$0x3FA9] =	sst s2  }
0xb: {  	[smem:$0x3FAA] =	sst s3  }
0xc: {  	[smem:$0x3FAB] =	sst s4  }
0xd: {  	[smem:$0x3FAC] =	sst s5  }
0xe: {  	[smem:$0x3FAD] =	sst s6  }
0xf: {  	[smem:$0x3FAE] =	sst s7  }
0x10: {  	[smem:$0x3FAF] =	sst s8  }
0x11: {  	[smem:$0x3FB0] =	sst s9;
	s0 =	simm.s32 @!p0 $0x0  }
0x12: {  	s1 =	sld [smem:$0x3F96];
	s0 =	simm.s32 @p0 $0x1  }
0x13: {  	[smem:$0x3FB1] =	sst s0;
	s0 =	simm.s32 @!p1 $0x0  }
0x14: {  	s2 =	sld [smem:$0x3F95];
	s0 =	simm.s32 @p1 $0x1  }
0x15: {  	[smem:$0x3FB2] =	sst s0;
	s0 =	simm.s32 @!p2 $0x0  }
0x16: {  	s3 =	sld [smem:$0x3FDB];
	s0 =	simm.s32 @p2 $0x1  }
0x17: {  	s4 =	simm.s32 $0x1BF5;
	[smem:$0x3FB4] =	sst s0  }
0x18: {  	s0 =	sld [smem:$0x3F97];
	_ =	swait.ge [sflag:s4], $0x0  }
0x19: {  	s7 =	sld [smem:$0x3F98]  }
0x1a: {  	s8 =	sadd.s32 $0xFFFFE003, lr  }
0x1b: {  	s9 =	sadd.s32 $0xFFFFFEF7, lr;
	s5 =	simm.s32 $0xFFFFFFFF;
	p2 =	slt.u32 s8, $0xFFFFF086  }
0x1c: {  	p1 =	slt.u32 s9, $0xF7A;
	s5 =	simm.s32 @!p2 $0x0  }
0x1d: {  	s5 =	simm.s32 @p1 $0x1;
	p0 =	seq.s32 s7, s2  }
0x1e: {  	s7 =	smul.u32 @!p0 $0xF7A, s2;
	p2 =	seq.s32 @!p0 s5, $0x0  }
0x1f: {  	s9 =	smul.u32 $0xF7A, s1;
	s8 =	simm.s32 @!p0 $0x1BF5;
	p2 =	por !p2, p0  }
0x20: {  	[sflag:s8] =	ssyncset.s32 @!p0 $0xFFFFF086;
	s6 =	sadd.s32 @!p0 s3, s7;
	s7 =	simm.s32 @!p0 $0x108  }
0x21: {  	s3 =	sadd.s32 s3, s9;
	s6 =	sadd.s32 @!p0 $0x88, s6;
	s7 =	simm.s32 @p2 $0x1082  }
0x22: {  	[simem:s7], [sflag:s8] =	dma.local @!p0 [hbm:s6], $0xF7A  }
0x23: {  	s9 =	sor.u32 $0xD0000000, s2;
	s6 =	simm.s32 $0x108;
	_ =	swait.ge @!p0 [sflag:s8], $0x0  }
0x24: {  	s3 =	sadd.s32 $0x88, s3;
	s6 =	simm.s32 @!p1 $0x1082;
	[sflag:s4] =	ssyncset.s32 $0xFFFFF086  }
0x25: {  	[simem:s6], [sflag:s4] =	dma.local [hbm:s3], $0xF7A  }
0x26: {  	[smem:$0x3F98] =	sst s1;
	(tag) =	ssettag s2;
	_ =	strace s9  }
0x27: {  	s1 =	sld [smem:$0x3FA8]  }
0x28: {  	s2 =	sld [smem:$0x3FA9]  }
0x29: {  	s4 =	sld [smem:$0x3FAB]  }
0x2a: {  	p0 =	seq.s32 s5, $0x0;
	s5 =	sld [smem:$0x3FAC]  }
0x2b: {  	s6 =	sld [smem:$0x3FAD]  }
0x2c: {  	s7 =	sld [smem:$0x3FAE]  }
0x2d: {  	s3 =	simm.s32 $0x108;
	s8 =	sld [smem:$0x3FAF]  }
0x2e: {  	s3 =	simm.s32 @!p0 $0x1082;
	s9 =	sld [smem:$0x3FB0]  }
0x2f: {  	lr =	sadd.s32 s0, s3;
	s0 =	sld [smem:$0x3FA7]  }
0x30: {  	s3 =	sld [smem:$0x3FAA]  }
0x31: {  	[smem:$0x3FB3] =	sst s10  }
0x32: {  	s10 =	sld [smem:$0x3FB1];
	_ =	sdelay $0x3  }
0x33: {  	p0 =	seq.s32 s10, $0x1;
	s10 =	sld [smem:$0x3FB3];
	_ =	sdelay $0x3  }
0x34: {  	[smem:$0x3FB3] =	sst s10  }
0x35: {  	s10 =	sld [smem:$0x3FB2];
	_ =	sdelay $0x3  }
0x36: {  	p1 =	seq.s32 s10, $0x1;
	s10 =	sld [smem:$0x3FB3];
	_ =	sdelay $0x3  }
0x37: {  	[smem:$0x3FB3] =	sst s10  }
0x38: {  	s10 =	sld [smem:$0x3FB4]  }
0x39: {  	_ = 	snop;
	(pc) =	sbr.ind lr, $3  }
0x3a: {  	_ = 	snop  }
0x3b: {  	_ = 	snop  }
0x3c: {  	p2 =	seq.s32 s10, $0x1;
	s10 =	sld [smem:$0x3FB3]  }
0x3d: {  	_ =	shalt  }
0x3e: {  	_ =	shalt  }
0x3f: {  	_ =	shalt  }
0x40: {  	_ =	shalt  }
0x41: {  	_ =	shalt  }
0x42: {  	_ =	shalt  }
0x43: {  	_ =	shalt  }
0x44: {  	_ =	shalt  }
0x45: {  	_ =	shalt  }
0x46: {  	_ =	shalt  }
0x47: {  	_ =	shalt  }
0x48: {  	_ =	shalt  }
0x49: {  	_ =	shalt  }
0x4a: {  	_ =	shalt  }
0x4b: {  	_ =	shalt  }
0x4c: {  	_ =	shalt  }
0x4d: {  	_ =	shalt  }
0x4e: {  	_ =	shalt  }
0x4f: {  	_ =	shalt  }
0x50: {  	_ =	shalt  }
0x51: {  	_ =	shalt  }
0x52: {  	_ =	shalt  }
0x53: {  	_ =	shalt  }
0x54: {  	_ =	shalt  }
0x55: {  	_ =	shalt  }
0x56: {  	_ =	shalt  }
0x57: {  	_ =	shalt  }
0x58: {  	_ =	shalt  }
0x59: {  	_ =	shalt  }
0x5a: {  	_ =	shalt  }
0x5b: {  	_ =	shalt  }
0x5c: {  	_ =	shalt  }
0x5d: {  	_ =	shalt  }
0x5e: {  	_ =	shalt  }
0x5f: {  	_ =	shalt  }
0x60: {  	_ =	shalt  }
0x61: {  	_ =	shalt  }
0x62: {  	_ =	shalt  }
0x63: {  	_ =	shalt  }
0x64: {  	_ =	shalt  }
0x65: {  	_ =	shalt  }
0x66: {  	_ =	shalt  }
0x67: {  	_ =	shalt  }
0x68: {  	_ =	shalt  }
0x69: {  	_ =	shalt  }
0x6a: {  	_ =	shalt  }
0x6b: {  	_ =	shalt  }
0x6c: {  	_ =	shalt  }
0x6d: {  	_ =	shalt  }
0x6e: {  	_ =	shalt  }
0x6f: {  	_ =	shalt  }
0x70: {  	_ =	shalt  }
0x71: {  	_ =	shalt  }
0x72: {  	_ =	shalt  }
0x73: {  	_ =	shalt  }
0x74: {  	_ =	shalt  }
0x75: {  	_ =	shalt  }
0x76: {  	_ =	shalt  }
0x77: {  	_ =	shalt  }
0x78: {  	_ =	shalt  }
0x79: {  	_ =	shalt  }
0x7a: {  	_ =	shalt  }
0x7b: {  	_ =	shalt  }
0x7c: {  	_ =	shalt  }
0x7d: {  	_ =	shalt  }
0x7e: {  	_ =	shalt  }
0x7f: {  	_ =	shalt  }
0x80: {  	_ =	shalt  }
0x81: {  	_ =	shalt  }
0x82: {  	_ =	shalt  }
0x83: {  	_ =	shalt  }
0x84: {  	_ =	shalt  }
0x85: {  	_ =	shalt  }
0x86: {  	_ =	shalt  }
0x87: {  	_ =	shalt  }
.Lfunc_end0:
.L_simem_size_0:
called_computation.1_lowered:
.L_overlay_start_0:
0x88: {  	s2 =	sld [smem:$0x3FD9]  }
0x89: {  	s3 =	sld [smem:$0x3FFE];
	_ =	sdelay $0x1  }
0x8a: {  	s1 =	srdreg.scid  }
0x8b: {  	s0 =	sand.u32 $0x1, s1  }
0x8c: {  	s17 =	sshll.u32 s0, $0xA;
	s2 =	sadd.s32 s3, s2  }
0x8d: {  	s2 =	sadd.s32 s2, s17  }
0x8e: {  	[smem:$0x3FBF] =	sst s2  }
0x8f: {  	_ = 	snop  }
0x90: {  	(tm) =	ssettm $0x1  }
0x91: {  	s18 =	sld [smem:$0x3FFB];
	_ =	sdelay $0x3  }
0x92: {  	_ =	strace s18  }
0x93: {  	s2 =	sld [smem:$0x3FFC];
	_ =	sdelay $0x3  }
0x94: {  	_ =	strace s2  }
0x95: {  	s2 =	sld [smem:$0x3FFD];
	_ =	sdelay $0x3  }
0x96: {  	_ =	strace s2  }
0x97: {  	_ =	strace $0x8FFFFFFF  }
0x98: {  	s19 =	sld [smem:$0x3FDB];
	_ =	sdelay $0x1  }
0x99: {  	s20 =	simm.s32 $_scs_section_size  }
0x9a: {  	s4 =	simm.s32 $_size__tile_overlayer_lowered;
	s5 =	simm.s32 $_tile_overlayer_lowered  }
0x9b: {  	s6 =	simm.s32 $0x1BFF;
	s21 =	sshll.u32 s5, $0x1;
	s3 =	sadd.s32 s20, s19  }
0x9c: {  	s22 =	simm.s32 $0x0;
	s4 =	sshll.u32 s4, $0x1;
	s5 =	sadd.s32 s21, s3  }
0x9d: {  	[timem:s22], [sflag:s6] =	dma.local [hbm:s5], s4  }
0x9e: {  	_ =	swait.ge [sflag:s6], s4  }
0x9f: {  	s4 =	ssub.s32 $0x0, s4;
	[sflag:s6] =	ssyncset.done $0x0  }
0xa0: {  	[sflag:s6] =	ssyncadd.s32 s4;
	_ =	sdelay $0x1  }
0xa1: {  	s23 =	simm.s32 $0x1B8B  }
0xa2: {  	_ =	swait.ge [sflag:s23], $0x1  }
0xa3: {  	[sflag:s23] =	ssyncset.done $0x0  }
0xa4: {  	[sflag:s23] =	ssyncadd.s32 $0xFFFFFFFF  }
0xa5: {  	s4 =	sld [smem:$0x0]  }
0xa6: {  	s5 =	sand.u32 $0xFFFFFFFE, s1  }
0xa7: {  	p0 =	sne.s32 s1, s5  }
0xa8: {  	s5 =	sshll.u32 @p0 s5, $0xE  }
0xa9: {  	s5 =	sadd.s32 @p0 $0x11B8D, s5;
	s6 =	sshll.u32 @p0 s4, $0x11  }
0xaa: {  	s5 =	sor.u32 @p0 s6, s5  }
0xab: {  	[sflag:s5] =	ssyncadd.remote.s32 @p0 $0x1;
	_ =	sdelay $0x1  }
0xac: {  	s5 =	simm.s32 @p0 $0x1B8D  }
0xad: {  	_ =	swait.eq @p0 [sflag:s5], $0x1  }
0xae: {  	[sflag:s5] =	ssyncadd.s32 @p0 $0xFFFFFFFF  }
0xaf: {  	s6 =	sshll.u32 @!p0 s1, $0xE  }
0xb0: {  	s6 =	sor.u32 @!p0 $0x4000, s6;
	s5 =	simm.s32 @!p0 $0x1B8D  }
0xb1: {  	s4 =	sshll.u32 @!p0 s4, $0x11;
	s6 =	sadd.s32 @!p0 $0x11B8D, s6;
	_ =	swait.eq @!p0 [sflag:s5], $0x1  }
0xb2: {  	s4 =	sor.u32 @!p0 s4, s6;
	[sflag:s5] =	ssyncadd.s32 @!p0 $0xFFFFFFFF  }
0xb3: {  	s25 =	simm.s32 $0x1B8E;
	s24 =	sld [smem:$0x3FFE];
	[sflag:s4] =	ssyncadd.remote.s32 @!p0 $0x1  }
0xb4: {  	s26 =	simm.s32 $execute0_lowered;
	[smem:$0x3FD2] =	sst s25  }
0xb5: {  	s5 =	sshll.u32 s26, $0x1;
	_ =	strace $0x80000049;
	[dreg:$0x1] =	wrdreg $0xFFFFFFFF  }
0xb6: {  	s28 =	simm.s32 $_size_execute0_lowered;
	s3 =	sadd.s32 s3, s5;
	[dreg:$0x0] =	wrdreg $0x0  }
0xb7: {  	s5 =	sshll.u32 s28, $0x1;
	[dreg:$0x2] =	wrdreg s3  }
0xb8: {  	[dreg:$0x3] =	wrdreg s5  }
0xb9: {  	[dreg:$0x4] =	wrdreg $0xC0  }
0xba: {  	_ =	task [dreg:s22], $0x5FFFF  }
0xbb: {  	[dreg:$0x1] =	wrdreg $0xFFFFFFFF  }
0xbc: {  	[dreg:$0x0] =	wrdreg $0x60  }
0xbd: {  	[dreg:$0x2] =	wrdreg s24  }
0xbe: {  	[dreg:$0x3] =	wrdreg $0x0  }
0xbf: {  	[dreg:$0x4] =	wrdreg $0xA  }
0xc0: {  	_ =	task.clear_ibuf [dreg:s22], $0x5FFFF;
	_ =	strace $0x90000049  }
0xc1: {  	s29 =	simm.s32 $0xA;
	_ =	strace $0x8000004B  }
0xc2: {  	_ =	swait.ge [sflag:s29], $0x1  }
0xc3: {  	[sflag:s29] =	ssyncadd.s32 $0xFFFFFFFF  }
0xc4: {  	_ =	strace $0x9000004B  }
0xc5: {  	_ =	sfence  }
0xc6: {  	s30 =	sld [smem:$0x0];
	_ =	sdelay $0x2  }
0xc7: {  	s31 =	sshll.u32 s1, $0xD;
	s1 =	sshrl.u32 s1, $0x2  }
0xc8: {  	s4 =	sand.u32 $0x4000, s31;
	s1 =	sadd.s32 s1, s30  }
0xc9: {  	s0 =	sor.u32 s4, s0;
	s1 =	sshll.u32 s1, $0x11  }
0xca: {  	s0 =	sor.u32 s1, s0  }
0xcb: {  	s0 =	sadd.s32 $0x8F2B, s0  }
0xcc: {  	[sflag:s0] =	ssyncadd.remote.s32 $0x1  }
0xcd: {  	_ =	sfence.sel $0xFFFF  }
0xce: {  	[dreg:$0x0] =	wrdreg $0xFFFFFFFF;
	(pc) =	sbr.abs _section_cstart, $3  }
0xcf: {  	[dreg:$0x1] =	wrdreg $0xFFFFFFFF  }
0xd0: {  	_ =	task.clear_ibuf [dreg:s22], $0x2FFFF;
	_ =	strace $0x9FFFFFFF  }
0xd1: {  	(tm) =	ssettm $0x7FFFFFFF  }
tec
execute0_lowered:
.L_overlay_start_1:
0x0: {  	(tag) =	ssettag $0x1  }
0x1: {  	s0 =	rddreg [dreg:$0x0]  }
0x2: {  	s2 =	rddreg [dreg:$0x1];
	s9 =	stileid.u32;
	s3 =	simm.s32 $0x0  }
0x3: {  	s4 =	srdreg.scid;
	s11 =	simm.s32 $0x14080;
	s13 =	simm.s32 $0x14100  }
0x4: {  	s14 =	simm.s32 $0x14880;
	s15 =	simm.s32 $0x14180;
	s17 =	simm.s32 $0x14900  }
0x5: {  	s18 =	simm.s32 $0x14200;
	s19 =	simm.s32 $0x14980;
	s20 =	simm.s32 $0x14280  }
0x6: {  	s21 =	simm.s32 $0x14A00;
	[smem:$0x7FF] =	sst s3;
	s8 =	sadd.s32 $0x12600, s0  }
0x7: {  	s22 =	simm.s32 $0x14300;
	_ =	strace $0x8000004A;
	[dreg:$0x13] =	wrdreg s8  }
0x8: {  	s28 =	simm.s32 $0x14680;
	s29 =	simm.s32 $0x14E00;
	[dreg:$0x5] =	wrdreg s11  }
0x9: {  	s30 =	simm.s32 $0x14700;
	s31 =	simm.s32 $0x14E80;
	[dreg:$0x6] =	wrdreg s13  }
0xa: {  	s1 =	smul.u32 $0x300, s9;
	s5 =	sand.u32 $0x1, s4;
	[dreg:$0x7] =	wrdreg s14  }
0xb: {  	s6 =	smul.u32 $0x2800, s9;
	s4 =	sadd.s32 $0x6E600, s0;
	[dreg:$0x8] =	wrdreg s15  }
0xc: {  	s25 =	smul.u32 $0x50000, s9;
	s12 =	sshll.u32 s9, $0x6;
	[dreg:$0x9] =	wrdreg s17  }
0xd: {  	s7 =	smul.u32 $0x28000, s5;
	s23 =	ssub.s32 $0x2, s5;
	[dreg:$0xa] =	wrdreg s18  }
0xe: {  	s5 =	smul.u32 $0x3000, s5;
	s8 =	sor.u32 $0x1C03, s12;
	[dreg:$0xb] =	wrdreg s19  }
0xf: {  	s11 =	simm.s32 $0x14000;
	s12 =	simm.s32 $0x14800;
	[dreg:$0xc] =	wrdreg s20  }
0x10: {  	s13 =	simm.s32 $0x80;
	[dreg:$0xd] =	wrdreg s21;
	s14 =	simm.s32 $0x15000  }
0x11: {  	[dreg:$0xe] =	wrdreg s22;
	s15 =	simm.s32 $0x19000;
	s17 =	simm.s32 $0x2  }
0x12: {  	s18 =	simm.s32 $0x14B80;
	s19 =	simm.s32 $0x14480;
	s20 =	simm.s32 $0x14C00  }
0x13: {  	s21 =	simm.s32 $0x14500;
	s22 =	simm.s32 $0x14C80;
	s1 =	sadd.s32 s1, s0  }
0x14: {  	s24 =	sshrl.u32 s23, $0x1;
	s10 =	sshrl.u32 s25, $0x2;
	s25 =	simm.s32 $0x14B00  }
0x15: {  	[dreg:$0x14] =	wrdreg s8;
	s6 =	sadd.s32 s6, s7;
	s7 =	ssub.s32 s23, s24  }
0x16: {  	s26 =	sadd.s32 $0x65600, s1;
	s1 =	sadd.s32 s5, s1;
	s5 =	sadd.s32 s10, s2  }
0x17: {  	s10 =	simm.s32 $0x3;
	s23 =	simm.s32 $0x14A80;
	[dreg:$0x11] =	wrdreg s25  }
0x18: {  	s24 =	simm.s32 $0x14380;
	s25 =	simm.s32 $0x14600;
	[dreg:$0x3] =	wrdreg s26  }
0x19: {  	s0 =	sadd.s32 s6, s0;
	s1 =	sadd.s32 $0x68600, s1;
	[dreg:$0xf] =	wrdreg s23  }
0x1a: {  	s16 =	smax.u32 s7, $0x1;
	s9 =	sshrl.u32 s5, $0x3;
	[dreg:$0x10] =	wrdreg s24  }
0x1b: {  	s26 =	simm.s32 $0x14400;
	s23 =	simm.s32 $0x14580;
	[dreg:$0x4] =	wrdreg s1  }
0x1c: {  	s24 =	simm.s32 $0x14D00;
	s5 =	simm.s32 $0x14F80;
	[dreg:$0x16] =	wrdreg s16  }
0x1d: {  	s7 =	simm.s32 $0x0;
	s0 =	sadd.s32 $0x77600, s0;
	[dreg:$0x12] =	wrdreg s26  }
0x1e: {  	s16 =	simm.s32 $0x1;
	s26 =	simm.s32 $0x14D80;
	[dreg:$0x17] =	wrdreg s9  }
0x1f: {  	s1 =	simm.s32 $0x14F00;
	[dreg:$0x15] =	wrdreg s0;
	s0 =	simm.s32 $0x14780  }
.LBB2_1:
0x20: {  	s6 =	rddreg [dreg:$0x13]  }
0x21: {  	[spmem:s9], [sflag:s8] =	dma.local [hbm:s6], $0x2800  }
0x22: {  	_ =	swait.ge [sflag:s10], $0x2800  }
0x23: {  	[sflag:s10] =	ssyncset.done $0x0  }
0x24: {  	[sflag:s10] =	ssyncadd.s32 $0xFFFFD800  }
0x25: {  	[bflag:$0x0] =	sbarrier.arrive $0xFFFF  }
0x26: {  	s6 =	rddreg [dreg:$0x4]  }
0x27: {  	s8 =	sadd.s32 $0x0, s6  }
0x28: {  	[tilespmem:s11], [sflag:$0x3] =	stream.linear.gather [hbm4b:s8+s3], $0x800, $0x38;
	[tilespmem:$0x1D000] =	vst v63  }
0x29: {  	_ =	swait.ge [sflag:s10], $0x800  }
0x2a: {  	s9 =	rddreg [dreg:$0x3];
	[sflag:s10] =	ssyncset.done $0x0  }
0x2b: {  	[sflag:s10] =	ssyncadd.s32 $0xFFFFF800;
	s8 =	sadd.s32 $0x0, s9  }
0x2c: {  	[tilespmem:s12], [sflag:$0x3] =	stream.linear.gather [hbm4b:s8+s3], $0x800, $0x38;
	[tilespmem:$0x1D000] =	vst v63  }
0x2d: {  	_ =	swait.ge [sflag:s10], $0x800  }
0x2e: {  	[sflag:s10] =	ssyncset.done $0x0  }
0x2f: {  	[sflag:s10] =	ssyncadd.s32 $0xFFFFF800  }
0x30: {  	[tilespmem:s14], [sflag:$0x1] =	stream.indirect.gather [hbm4b:s4+s13], $0x80, s11, s13, $0xb8;
	[tilespmem:$0x1D000] =	vst v63  }
0x31: {  	s6 =	rddreg [dreg:$0x5]  }
0x32: {  	[tilespmem:s15], [sflag:$0x2] =	stream.indirect.gather [hbm4b:s4+s13], $0x80, s6, s13, $0xb8;
	[tilespmem:$0x1D000] =	vst v63  }
0x33: {  	_ =	swait.ge [sflag:s16], $0x4000  }
0x34: {  	[sflag:s16] =	ssyncset.done $0x0  }
0x35: {  	[sflag:s16] =	ssyncadd.s32 $0xFFFFC000  }
0x36: {  	[spmem:s2] =	stream.indirect.scatter.add.f32 [tilespmem:s14], [sflag:$0x3], $0x80, s12, s13, $0xb8;
	[tilespmem:$0x1D000] =	vst v63  }
0x37: {  	_ =	swait.ge [sflag:s10], $0x4000  }
0x38: {  	[sflag:s10] =	ssyncset.done $0x0  }
0x39: {  	s9 =	rddreg [dreg:$0x6];
	[sflag:s10] =	ssyncadd.s32 $0xFFFFC000  }
0x3a: {  	[tilespmem:s14], [sflag:$0x1] =	stream.indirect.gather [hbm4b:s4+s13], $0x80, s9, s13, $0xb8;
	[tilespmem:$0x1D000] =	vst v63  }
0x3b: {  	_ =	swait.ge [sflag:s17], $0x4000  }
0x3c: {  	[sflag:s17] =	ssyncset.done $0x0  }
0x3d: {  	s6 =	rddreg [dreg:$0x7];
	[sflag:s17] =	ssyncadd.s32 $0xFFFFC000  }
0x3e: {  	[spmem:s2] =	stream.indirect.scatter.add.f32 [tilespmem:s15], [sflag:$0x3], $0x80, s6, s13, $0xb8;
	[tilespmem:$0x1D000] =	vst v63  }
0x3f: {  	_ =	swait.ge [sflag:s10], $0x4000  }
0x40: {  	[sflag:s10] =	ssyncset.done $0x0  }
0x41: {  	s9 =	rddreg [dreg:$0x8];
	[sflag:s10] =	ssyncadd.s32 $0xFFFFC000  }
0x42: {  	[tilespmem:s15], [sflag:$0x2] =	stream.indirect.gather [hbm4b:s4+s13], $0x80, s9, s13, $0xb8;
	[tilespmem:$0x1D000] =	vst v63  }
0x43: {  	_ =	swait.ge [sflag:s16], $0x4000  }
0x44: {  	[sflag:s16] =	ssyncset.done $0x0  }
0x45: {  	s6 =	rddreg [dreg:$0x9];
	[sflag:s16] =	ssyncadd.s32 $0xFFFFC000  }
0x46: {  	[spmem:s2] =	stream.indirect.scatter.add.f32 [tilespmem:s14], [sflag:$0x3], $0x80, s6, s13, $0xb8;
	[tilespmem:$0x1D000] =	vst v63  }
0x47: {  	_ =	swait.ge [sflag:s10], $0x4000  }
0x48: {  	[sflag:s10] =	ssyncset.done $0x0  }
0x49: {  	s9 =	rddreg [dreg:$0xa];
	[sflag:s10] =	ssyncadd.s32 $0xFFFFC000  }
0x4a: {  	[tilespmem:s14], [sflag:$0x1] =	stream.indirect.gather [hbm4b:s4+s13], $0x80, s9, s13, $0xb8;
	[tilespmem:$0x1D000] =	vst v63  }
0x4b: {  	_ =	swait.ge [sflag:s17], $0x4000  }
0x4c: {  	[sflag:s17] =	ssyncset.done $0x0  }
0x4d: {  	s6 =	rddreg [dreg:$0xb];
	[sflag:s17] =	ssyncadd.s32 $0xFFFFC000  }
0x4e: {  	[spmem:s2] =	stream.indirect.scatter.add.f32 [tilespmem:s15], [sflag:$0x3], $0x80, s6, s13, $0xb8;
	[tilespmem:$0x1D000] =	vst v63  }
0x4f: {  	_ =	swait.ge [sflag:s10], $0x4000  }
0x50: {  	[sflag:s10] =	ssyncset.done $0x0  }
0x51: {  	s9 =	rddreg [dreg:$0xc];
	[sflag:s10] =	ssyncadd.s32 $0xFFFFC000  }
0x52: {  	[tilespmem:s15], [sflag:$0x2] =	stream.indirect.gather [hbm4b:s4+s13], $0x80, s9, s13, $0xb8;
	[tilespmem:$0x1D000] =	vst v63  }
0x53: {  	_ =	swait.ge [sflag:s16], $0x4000  }
0x54: {  	[sflag:s16] =	ssyncset.done $0x0  }
0x55: {  	s6 =	rddreg [dreg:$0xd];
	[sflag:s16] =	ssyncadd.s32 $0xFFFFC000  }
0x56: {  	[spmem:s2] =	stream.indirect.scatter.add.f32 [tilespmem:s14], [sflag:$0x3], $0x80, s6, s13, $0xb8;
	[tilespmem:$0x1D000] =	vst v63  }
0x57: {  	_ =	swait.ge [sflag:s10], $0x4000  }
0x58: {  	[sflag:s10] =	ssyncset.done $0x0  }
0x59: {  	s9 =	rddreg [dreg:$0xe];
	[sflag:s10] =	ssyncadd.s32 $0xFFFFC000  }
0x5a: {  	[tilespmem:s14], [sflag:$0x1] =	stream.indirect.gather [hbm4b:s4+s13], $0x80, s9, s13, $0xb8;
	[tilespmem:$0x1D000] =	vst v63  }
0x5b: {  	_ =	swait.ge [sflag:s17], $0x4000  }
0x5c: {  	[sflag:s17] =	ssyncset.done $0x0  }
0x5d: {  	s6 =	rddreg [dreg:$0xf];
	[sflag:s17] =	ssyncadd.s32 $0xFFFFC000  }
0x5e: {  	[spmem:s2] =	stream.indirect.scatter.add.f32 [tilespmem:s15], [sflag:$0x3], $0x80, s6, s13, $0xb8;
	[tilespmem:$0x1D000] =	vst v63  }
0x5f: {  	_ =	swait.ge [sflag:s10], $0x4000  }
0x60: {  	[sflag:s10] =	ssyncset.done $0x0  }
0x61: {  	s9 =	rddreg [dreg:$0x10];
	[sflag:s10] =	ssyncadd.s32 $0xFFFFC000  }
0x62: {  	[tilespmem:s15], [sflag:$0x2] =	stream.indirect.gather [hbm4b:s4+s13], $0x80, s9, s13, $0xb8;
	[tilespmem:$0x1D000] =	vst v63  }
0x63: {  	_ =	swait.ge [sflag:s16], $0x4000  }
0x64: {  	[sflag:s16] =	ssyncset.done $0x0  }
0x65: {  	s6 =	rddreg [dreg:$0x11];
	[sflag:s16] =	ssyncadd.s32 $0xFFFFC000  }
0x66: {  	[spmem:s2] =	stream.indirect.scatter.add.f32 [tilespmem:s14], [sflag:$0x3], $0x80, s6, s13, $0xb8;
	[tilespmem:$0x1D000] =	vst v63  }
0x67: {  	_ =	swait.ge [sflag:s10], $0x4000  }
0x68: {  	[sflag:s10] =	ssyncset.done $0x0  }
0x69: {  	s9 =	rddreg [dreg:$0x12];
	[sflag:s10] =	ssyncadd.s32 $0xFFFFC000  }
0x6a: {  	[tilespmem:s14], [sflag:$0x1] =	stream.indirect.gather [hbm4b:s4+s13], $0x80, s9, s13, $0xb8;
	[tilespmem:$0x1D000] =	vst v63  }
0x6b: {  	_ =	swait.ge [sflag:s17], $0x4000  }
0x6c: {  	[sflag:s17] =	ssyncset.done $0x0  }
0x6d: {  	[sflag:s17] =	ssyncadd.s32 $0xFFFFC000  }
0x6e: {  	[spmem:s2] =	stream.indirect.scatter.add.f32 [tilespmem:s15], [sflag:$0x3], $0x80, s18, s13, $0xb8;
	[tilespmem:$0x1D000] =	vst v63  }
0x6f: {  	_ =	swait.ge [sflag:s10], $0x4000  }
0x70: {  	[sflag:s10] =	ssyncset.done $0x0  }
0x71: {  	[sflag:s10] =	ssyncadd.s32 $0xFFFFC000  }
0x72: {  	[tilespmem:s15], [sflag:$0x2] =	stream.indirect.gather [hbm4b:s4+s13], $0x80, s19, s13, $0xb8;
	[tilespmem:$0x1D000] =	vst v63  }
0x73: {  	_ =	swait.ge [sflag:s16], $0x4000  }
0x74: {  	[sflag:s16] =	ssyncset.done $0x0  }
0x75: {  	[sflag:s16] =	ssyncadd.s32 $0xFFFFC000  }
0x76: {  	[spmem:s2] =	stream.indirect.scatter.add.f32 [tilespmem:s14], [sflag:$0x3], $0x80, s20, s13, $0xb8;
	[tilespmem:$0x1D000] =	vst v63  }
0x77: {  	_ =	swait.ge [sflag:s10], $0x4000  }
0x78: {  	[sflag:s10] =	ssyncset.done $0x0  }
0x79: {  	[sflag:s10] =	ssyncadd.s32 $0xFFFFC000  }
0x7a: {  	[tilespmem:s14], [sflag:$0x1] =	stream.indirect.gather [hbm4b:s4+s13], $0x80, s21, s13, $0xb8;
	[tilespmem:$0x1D000] =	vst v63  }
0x7b: {  	_ =	swait.ge [sflag:s17], $0x4000  }
0x7c: {  	[sflag:s17] =	ssyncset.done $0x0  }
0x7d: {  	[sflag:s17] =	ssyncadd.s32 $0xFFFFC000  }
0x7e: {  	[spmem:s2] =	stream.indirect.scatter.add.f32 [tilespmem:s15], [sflag:$0x3], $0x80, s22, s13, $0xb8;
	[tilespmem:$0x1D000] =	vst v63  }
0x7f: {  	_ =	swait.ge [sflag:s10], $0x4000  }
0x80: {  	[sflag:s10] =	ssyncset.done $0x0  }
0x81: {  	[sflag:s10] =	ssyncadd.s32 $0xFFFFC000  }
0x82: {  	[tilespmem:s15], [sflag:$0x2] =	stream.indirect.gather [hbm4b:s4+s13], $0x80, s23, s13, $0xb8;
	[tilespmem:$0x1D000] =	vst v63  }
0x83: {  	_ =	swait.ge [sflag:s16], $0x4000  }
0x84: {  	[sflag:s16] =	ssyncset.done $0x0  }
0x85: {  	[sflag:s16] =	ssyncadd.s32 $0xFFFFC000  }
0x86: {  	[spmem:s2] =	stream.indirect.scatter.add.f32 [tilespmem:s14], [sflag:$0x3], $0x80, s24, s13, $0xb8;
	[tilespmem:$0x1D000] =	vst v63  }
0x87: {  	_ =	swait.ge [sflag:s10], $0x4000  }
0x88: {  	[sflag:s10] =	ssyncset.done $0x0  }
0x89: {  	[sflag:s10] =	ssyncadd.s32 $0xFFFFC000  }
0x8a: {  	[tilespmem:s14], [sflag:$0x1] =	stream.indirect.gather [hbm4b:s4+s13], $0x80, s25, s13, $0xb8;
	[tilespmem:$0x1D000] =	vst v63  }
0x8b: {  	_ =	swait.ge [sflag:s17], $0x4000  }
0x8c: {  	[sflag:s17] =	ssyncset.done $0x0  }
0x8d: {  	[sflag:s17] =	ssyncadd.s32 $0xFFFFC000  }
0x8e: {  	[spmem:s2] =	stream.indirect.scatter.add.f32 [tilespmem:s15], [sflag:$0x3], $0x80, s26, s13, $0xb8;
	[tilespmem:$0x1D000] =	vst v63  }
0x8f: {  	_ =	swait.ge [sflag:s10], $0x4000  }
0x90: {  	[sflag:s10] =	ssyncset.done $0x0  }
0x91: {  	[sflag:s10] =	ssyncadd.s32 $0xFFFFC000  }
0x92: {  	[tilespmem:s15], [sflag:$0x2] =	stream.indirect.gather [hbm4b:s4+s13], $0x80, s28, s13, $0xb8;
	[tilespmem:$0x1D000] =	vst v63  }
0x93: {  	_ =	swait.ge [sflag:s16], $0x4000  }
0x94: {  	[sflag:s16] =	ssyncset.done $0x0  }
0x95: {  	[sflag:s16] =	ssyncadd.s32 $0xFFFFC000  }
0x96: {  	[spmem:s2] =	stream.indirect.scatter.add.f32 [tilespmem:s14], [sflag:$0x3], $0x80, s29, s13, $0xb8;
	[tilespmem:$0x1D000] =	vst v63  }
0x97: {  	_ =	swait.ge [sflag:s10], $0x4000  }
0x98: {  	[sflag:s10] =	ssyncset.done $0x0  }
0x99: {  	[sflag:s10] =	ssyncadd.s32 $0xFFFFC000  }
0x9a: {  	[tilespmem:s14], [sflag:$0x1] =	stream.indirect.gather [hbm4b:s4+s13], $0x80, s30, s13, $0xb8;
	[tilespmem:$0x1D000] =	vst v63  }
0x9b: {  	_ =	swait.ge [sflag:s17], $0x4000  }
0x9c: {  	[sflag:s17] =	ssyncset.done $0x0  }
0x9d: {  	[sflag:s17] =	ssyncadd.s32 $0xFFFFC000  }
0x9e: {  	[spmem:s2] =	stream.indirect.scatter.add.f32 [tilespmem:s15], [sflag:$0x3], $0x80, s31, s13, $0xb8;
	[tilespmem:$0x1D000] =	vst v63  }
0x9f: {  	_ =	swait.ge [sflag:s10], $0x4000  }
0xa0: {  	[sflag:s10] =	ssyncset.done $0x0  }
0xa1: {  	[sflag:s10] =	ssyncadd.s32 $0xFFFFC000  }
0xa2: {  	[tilespmem:s15], [sflag:$0x2] =	stream.indirect.gather [hbm4b:s4+s13], $0x80, s0, s13, $0xb8;
	[tilespmem:$0x1D000] =	vst v63  }
0xa3: {  	_ =	swait.ge [sflag:s16], $0x4000  }
0xa4: {  	[sflag:s16] =	ssyncset.done $0x0  }
0xa5: {  	[sflag:s16] =	ssyncadd.s32 $0xFFFFC000  }
0xa6: {  	[spmem:s2] =	stream.indirect.scatter.add.f32 [tilespmem:s14], [sflag:$0x3], $0x80, s1, s13, $0xb8;
	[tilespmem:$0x1D000] =	vst v63  }
0xa7: {  	_ =	swait.ge [sflag:s10], $0x4000  }
0xa8: {  	[sflag:s10] =	ssyncset.done $0x0  }
0xa9: {  	[sflag:s10] =	ssyncadd.s32 $0xFFFFC000  }
0xaa: {  	_ =	swait.ge [sflag:s17], $0x4000  }
0xab: {  	[sflag:s17] =	ssyncset.done $0x0  }
0xac: {  	[sflag:s17] =	ssyncadd.s32 $0xFFFFC000  }
0xad: {  	[spmem:s2] =	stream.indirect.scatter.add.f32 [tilespmem:s15], [sflag:$0x3], $0x80, s5, s13, $0xb8;
	[tilespmem:$0x1D000] =	vst v63  }
0xae: {  	_ =	swait.ge [sflag:s10], $0x4000  }
0xaf: {  	s8 =	simm.s32 $0x100;
	[sflag:s10] =	ssyncset.done $0x0  }
.LBB2_2:
0xb0: {  	s6 =	smov.u32 s8;
	s9 =	rddreg [dreg:$0x4]  }
0xb1: {  	[sflag:s10] =	ssyncadd.s32 $0xFFFFC000;
	s9 =	sadd.s32 s6, s9  }
0xb2: {  	[tilespmem:s11], [sflag:$0x3] =	stream.linear.gather [hbm4b:s9+s3], $0x800, $0x38;
	[tilespmem:$0x1D000] =	vst v63  }
0xb3: {  	_ =	swait.ge [sflag:s10], $0x800  }
0xb4: {  	s9 =	rddreg [dreg:$0x3];
	[sflag:s10] =	ssyncset.done $0x0  }
0xb5: {  	[sflag:s10] =	ssyncadd.s32 $0xFFFFF800;
	s6 =	sadd.s32 s6, s9  }
0xb6: {  	[tilespmem:s12], [sflag:$0x3] =	stream.linear.gather [hbm4b:s6+s3], $0x800, $0x38;
	[tilespmem:$0x1D000] =	vst v63  }
0xb7: {  	_ =	swait.ge [sflag:s10], $0x800  }
0xb8: {  	[sflag:s10] =	ssyncset.done $0x0  }
0xb9: {  	[sflag:s10] =	ssyncadd.s32 $0xFFFFF800  }
0xba: {  	[tilespmem:s14], [sflag:$0x1] =	stream.indirect.gather [hbm4b:s4+s13], $0x80, s11, s13, $0xb8;
	[tilespmem:$0x1D000] =	vst v63  }
0xbb: {  	s9 =	rddreg [dreg:$0x5]  }
0xbc: {  	[tilespmem:s15], [sflag:$0x2] =	stream.indirect.gather [hbm4b:s4+s13], $0x80, s9, s13, $0xb8;
	[tilespmem:$0x1D000] =	vst v63  }
0xbd: {  	_ =	swait.ge [sflag:s16], $0x4000  }
0xbe: {  	[sflag:s16] =	ssyncset.done $0x0  }
0xbf: {  	[sflag:s16] =	ssyncadd.s32 $0xFFFFC000  }
0xc0: {  	[spmem:s2] =	stream.indirect.scatter.add.f32 [tilespmem:s14], [sflag:$0x3], $0x80, s12, s13, $0xb8;
	[tilespmem:$0x1D000] =	vst v63  }
0xc1: {  	_ =	swait.ge [sflag:s10], $0x4000  }
0xc2: {  	[sflag:s10] =	ssyncset.done $0x0  }
0xc3: {  	s9 =	rddreg [dreg:$0x6];
	[sflag:s10] =	ssyncadd.s32 $0xFFFFC000  }
0xc4: {  	[tilespmem:s14], [sflag:$0x1] =	stream.indirect.gather [hbm4b:s4+s13], $0x80, s9, s13, $0xb8;
	[tilespmem:$0x1D000] =	vst v63  }
0xc5: {  	_ =	swait.ge [sflag:s17], $0x4000  }
0xc6: {  	[sflag:s17] =	ssyncset.done $0x0  }
0xc7: {  	s9 =	rddreg [dreg:$0x7];
	[sflag:s17] =	ssyncadd.s32 $0xFFFFC000  }
0xc8: {  	[spmem:s2] =	stream.indirect.scatter.add.f32 [tilespmem:s15], [sflag:$0x3], $0x80, s9, s13, $0xb8;
	[tilespmem:$0x1D000] =	vst v63  }
0xc9: {  	_ =	swait.ge [sflag:s10], $0x4000  }
0xca: {  	[sflag:s10] =	ssyncset.done $0x0  }
0xcb: {  	s9 =	rddreg [dreg:$0x8];
	[sflag:s10] =	ssyncadd.s32 $0xFFFFC000  }
0xcc: {  	[tilespmem:s15], [sflag:$0x2] =	stream.indirect.gather [hbm4b:s4+s13], $0x80, s9, s13, $0xb8;
	[tilespmem:$0x1D000] =	vst v63  }
0xcd: {  	_ =	swait.ge [sflag:s16], $0x4000  }
0xce: {  	[sflag:s16] =	ssyncset.done $0x0  }
0xcf: {  	s9 =	rddreg [dreg:$0x9];
	[sflag:s16] =	ssyncadd.s32 $0xFFFFC000  }
0xd0: {  	[spmem:s2] =	stream.indirect.scatter.add.f32 [tilespmem:s14], [sflag:$0x3], $0x80, s9, s13, $0xb8;
	[tilespmem:$0x1D000] =	vst v63  }
0xd1: {  	_ =	swait.ge [sflag:s10], $0x4000  }
0xd2: {  	[sflag:s10] =	ssyncset.done $0x0  }
0xd3: {  	s9 =	rddreg [dreg:$0xa];
	[sflag:s10] =	ssyncadd.s32 $0xFFFFC000  }
0xd4: {  	[tilespmem:s14], [sflag:$0x1] =	stream.indirect.gather [hbm4b:s4+s13], $0x80, s9, s13, $0xb8;
	[tilespmem:$0x1D000] =	vst v63  }
0xd5: {  	_ =	swait.ge [sflag:s17], $0x4000  }
0xd6: {  	[sflag:s17] =	ssyncset.done $0x0  }
0xd7: {  	s9 =	rddreg [dreg:$0xb];
	[sflag:s17] =	ssyncadd.s32 $0xFFFFC000  }
0xd8: {  	[spmem:s2] =	stream.indirect.scatter.add.f32 [tilespmem:s15], [sflag:$0x3], $0x80, s9, s13, $0xb8;
	[tilespmem:$0x1D000] =	vst v63  }
0xd9: {  	_ =	swait.ge [sflag:s10], $0x4000  }
0xda: {  	[sflag:s10] =	ssyncset.done $0x0  }
0xdb: {  	s9 =	rddreg [dreg:$0xc];
	[sflag:s10] =	ssyncadd.s32 $0xFFFFC000  }
0xdc: {  	[tilespmem:s15], [sflag:$0x2] =	stream.indirect.gather [hbm4b:s4+s13], $0x80, s9, s13, $0xb8;
	[tilespmem:$0x1D000] =	vst v63  }
0xdd: {  	_ =	swait.ge [sflag:s16], $0x4000  }
0xde: {  	[sflag:s16] =	ssyncset.done $0x0  }
0xdf: {  	s9 =	rddreg [dreg:$0xd];
	[sflag:s16] =	ssyncadd.s32 $0xFFFFC000  }
0xe0: {  	[spmem:s2] =	stream.indirect.scatter.add.f32 [tilespmem:s14], [sflag:$0x3], $0x80, s9, s13, $0xb8;
	[tilespmem:$0x1D000] =	vst v63  }
0xe1: {  	_ =	swait.ge [sflag:s10], $0x4000  }
0xe2: {  	[sflag:s10] =	ssyncset.done $0x0  }
0xe3: {  	s9 =	rddreg [dreg:$0xe];
	[sflag:s10] =	ssyncadd.s32 $0xFFFFC000  }
0xe4: {  	[tilespmem:s14], [sflag:$0x1] =	stream.indirect.gather [hbm4b:s4+s13], $0x80, s9, s13, $0xb8;
	[tilespmem:$0x1D000] =	vst v63  }
0xe5: {  	_ =	swait.ge [sflag:s17], $0x4000  }
0xe6: {  	[sflag:s17] =	ssyncset.done $0x0  }
0xe7: {  	s9 =	rddreg [dreg:$0xf];
	[sflag:s17] =	ssyncadd.s32 $0xFFFFC000  }
0xe8: {  	[spmem:s2] =	stream.indirect.scatter.add.f32 [tilespmem:s15], [sflag:$0x3], $0x80, s9, s13, $0xb8;
	[tilespmem:$0x1D000] =	vst v63  }
0xe9: {  	_ =	swait.ge [sflag:s10], $0x4000  }
0xea: {  	[sflag:s10] =	ssyncset.done $0x0  }
0xeb: {  	s9 =	rddreg [dreg:$0x10];
	[sflag:s10] =	ssyncadd.s32 $0xFFFFC000  }
0xec: {  	[tilespmem:s15], [sflag:$0x2] =	stream.indirect.gather [hbm4b:s4+s13], $0x80, s9, s13, $0xb8;
	[tilespmem:$0x1D000] =	vst v63  }
0xed: {  	_ =	swait.ge [sflag:s16], $0x4000  }
0xee: {  	[sflag:s16] =	ssyncset.done $0x0  }
0xef: {  	s9 =	rddreg [dreg:$0x11];
	[sflag:s16] =	ssyncadd.s32 $0xFFFFC000  }
0xf0: {  	[spmem:s2] =	stream.indirect.scatter.add.f32 [tilespmem:s14], [sflag:$0x3], $0x80, s9, s13, $0xb8;
	[tilespmem:$0x1D000] =	vst v63  }
0xf1: {  	_ =	swait.ge [sflag:s10], $0x4000  }
0xf2: {  	[sflag:s10] =	ssyncset.done $0x0  }
0xf3: {  	s9 =	rddreg [dreg:$0x12];
	[sflag:s10] =	ssyncadd.s32 $0xFFFFC000  }
0xf4: {  	[tilespmem:s14], [sflag:$0x1] =	stream.indirect.gather [hbm4b:s4+s13], $0x80, s9, s13, $0xb8;
	[tilespmem:$0x1D000] =	vst v63  }
0xf5: {  	_ =	swait.ge [sflag:s17], $0x4000  }
0xf6: {  	[sflag:s17] =	ssyncset.done $0x0  }
0xf7: {  	[sflag:s17] =	ssyncadd.s32 $0xFFFFC000  }
0xf8: {  	[spmem:s2] =	stream.indirect.scatter.add.f32 [tilespmem:s15], [sflag:$0x3], $0x80, s18, s13, $0xb8;
	[tilespmem:$0x1D000] =	vst v63  }
0xf9: {  	_ =	swait.ge [sflag:s10], $0x4000  }
0xfa: {  	[sflag:s10] =	ssyncset.done $0x0  }
0xfb: {  	[sflag:s10] =	ssyncadd.s32 $0xFFFFC000  }
0xfc: {  	[tilespmem:s15], [sflag:$0x2] =	stream.indirect.gather [hbm4b:s4+s13], $0x80, s19, s13, $0xb8;
	[tilespmem:$0x1D000] =	vst v63  }
0xfd: {  	_ =	swait.ge [sflag:s16], $0x4000  }
0xfe: {  	[sflag:s16] =	ssyncset.done $0x0  }
0xff: {  	[sflag:s16] =	ssyncadd.s32 $0xFFFFC000  }
0x100: {  	[spmem:s2] =	stream.indirect.scatter.add.f32 [tilespmem:s14], [sflag:$0x3], $0x80, s20, s13, $0xb8;
	[tilespmem:$0x1D000] =	vst v63  }
0x101: {  	_ =	swait.ge [sflag:s10], $0x4000  }
0x102: {  	[sflag:s10] =	ssyncset.done $0x0  }
0x103: {  	[sflag:s10] =	ssyncadd.s32 $0xFFFFC000  }
0x104: {  	[tilespmem:s14], [sflag:$0x1] =	stream.indirect.gather [hbm4b:s4+s13], $0x80, s21, s13, $0xb8;
	[tilespmem:$0x1D000] =	vst v63  }
0x105: {  	_ =	swait.ge [sflag:s17], $0x4000  }
0x106: {  	[sflag:s17] =	ssyncset.done $0x0  }
0x107: {  	[sflag:s17] =	ssyncadd.s32 $0xFFFFC000  }
0x108: {  	[spmem:s2] =	stream.indirect.scatter.add.f32 [tilespmem:s15], [sflag:$0x3], $0x80, s22, s13, $0xb8;
	[tilespmem:$0x1D000] =	vst v63  }
0x109: {  	_ =	swait.ge [sflag:s10], $0x4000  }
0x10a: {  	[sflag:s10] =	ssyncset.done $0x0  }
0x10b: {  	[sflag:s10] =	ssyncadd.s32 $0xFFFFC000  }
0x10c: {  	[tilespmem:s15], [sflag:$0x2] =	stream.indirect.gather [hbm4b:s4+s13], $0x80, s23, s13, $0xb8;
	[tilespmem:$0x1D000] =	vst v63  }
0x10d: {  	_ =	swait.ge [sflag:s16], $0x4000  }
0x10e: {  	[sflag:s16] =	ssyncset.done $0x0  }
0x10f: {  	[sflag:s16] =	ssyncadd.s32 $0xFFFFC000  }
0x110: {  	[spmem:s2] =	stream.indirect.scatter.add.f32 [tilespmem:s14], [sflag:$0x3], $0x80, s24, s13, $0xb8;
	[tilespmem:$0x1D000] =	vst v63  }
0x111: {  	_ =	swait.ge [sflag:s10], $0x4000  }
0x112: {  	[sflag:s10] =	ssyncset.done $0x0  }
0x113: {  	[sflag:s10] =	ssyncadd.s32 $0xFFFFC000  }
0x114: {  	[tilespmem:s14], [sflag:$0x1] =	stream.indirect.gather [hbm4b:s4+s13], $0x80, s25, s13, $0xb8;
	[tilespmem:$0x1D000] =	vst v63  }
0x115: {  	_ =	swait.ge [sflag:s17], $0x4000  }
0x116: {  	[sflag:s17] =	ssyncset.done $0x0  }
0x117: {  	[sflag:s17] =	ssyncadd.s32 $0xFFFFC000  }
0x118: {  	[spmem:s2] =	stream.indirect.scatter.add.f32 [tilespmem:s15], [sflag:$0x3], $0x80, s26, s13, $0xb8;
	[tilespmem:$0x1D000] =	vst v63  }
0x119: {  	_ =	swait.ge [sflag:s10], $0x4000  }
0x11a: {  	[sflag:s10] =	ssyncset.done $0x0  }
0x11b: {  	[sflag:s10] =	ssyncadd.s32 $0xFFFFC000  }
0x11c: {  	[tilespmem:s15], [sflag:$0x2] =	stream.indirect.gather [hbm4b:s4+s13], $0x80, s28, s13, $0xb8;
	[tilespmem:$0x1D000] =	vst v63  }
0x11d: {  	_ =	swait.ge [sflag:s16], $0x4000  }
0x11e: {  	[sflag:s16] =	ssyncset.done $0x0  }
0x11f: {  	[sflag:s16] =	ssyncadd.s32 $0xFFFFC000  }
0x120: {  	[spmem:s2] =	stream.indirect.scatter.add.f32 [tilespmem:s14], [sflag:$0x3], $0x80, s29, s13, $0xb8;
	[tilespmem:$0x1D000] =	vst v63  }
0x121: {  	_ =	swait.ge [sflag:s10], $0x4000  }
0x122: {  	[sflag:s10] =	ssyncset.done $0x0  }
0x123: {  	[sflag:s10] =	ssyncadd.s32 $0xFFFFC000  }
0x124: {  	[tilespmem:s14], [sflag:$0x1] =	stream.indirect.gather [hbm4b:s4+s13], $0x80, s30, s13, $0xb8;
	[tilespmem:$0x1D000] =	vst v63  }
0x125: {  	_ =	swait.ge [sflag:s17], $0x4000  }
0x126: {  	[sflag:s17] =	ssyncset.done $0x0  }
0x127: {  	[sflag:s17] =	ssyncadd.s32 $0xFFFFC000  }
0x128: {  	[spmem:s2] =	stream.indirect.scatter.add.f32 [tilespmem:s15], [sflag:$0x3], $0x80, s31, s13, $0xb8;
	[tilespmem:$0x1D000] =	vst v63  }
0x129: {  	_ =	swait.ge [sflag:s10], $0x4000  }
0x12a: {  	[sflag:s10] =	ssyncset.done $0x0  }
0x12b: {  	[sflag:s10] =	ssyncadd.s32 $0xFFFFC000  }
0x12c: {  	[tilespmem:s15], [sflag:$0x2] =	stream.indirect.gather [hbm4b:s4+s13], $0x80, s0, s13, $0xb8;
	[tilespmem:$0x1D000] =	vst v63  }
0x12d: {  	_ =	swait.ge [sflag:s16], $0x4000  }
0x12e: {  	[sflag:s16] =	ssyncset.done $0x0  }
0x12f: {  	[sflag:s16] =	ssyncadd.s32 $0xFFFFC000  }
0x130: {  	[spmem:s2] =	stream.indirect.scatter.add.f32 [tilespmem:s14], [sflag:$0x3], $0x80, s1, s13, $0xb8;
	[tilespmem:$0x1D000] =	vst v63  }
0x131: {  	_ =	swait.ge [sflag:s10], $0x4000  }
0x132: {  	[sflag:s10] =	ssyncset.done $0x0  }
0x133: {  	[sflag:s10] =	ssyncadd.s32 $0xFFFFC000  }
0x134: {  	p0 =	sne.s32 s8, $0x200;
	_ =	swait.ge [sflag:s17], $0x4000  }
.Ltmp0:
0x135: {  	[sflag:s17] =	ssyncset.done $0x0;
	(pc) =	sbr.rel @p0 .LBB2_2-.Ltmp0, $4  }
0x136: {  	[sflag:s17] =	ssyncadd.s32 $0xFFFFC000  }
0x137: {  	[spmem:s2] =	stream.indirect.scatter.add.f32 [tilespmem:s15], [sflag:$0x3], $0x80, s5, s13, $0xb8;
	[tilespmem:$0x1D000] =	vst v63  }
0x138: {  	_ =	swait.ge [sflag:s10], $0x4000  }
0x139: {  	s8 =	sadd.s32 $0x100, s8;
	[sflag:s10] =	ssyncset.done $0x0  }
0x13a: {  	[sflag:s10] =	ssyncadd.s32 $0xFFFFC000  }
0x13b: {  	[bflag:$0x0] =	sbarrier.arrive $0xFFFF  }
0x13c: {  	s8 =	rddreg [dreg:$0x14]  }
0x13d: {  	s6 =	rddreg [dreg:$0x15]  }
0x13e: {  	s9 =	rddreg [dreg:$0x17]  }
0x13f: {  	[hbm:s6], [sflag:s8] =	dma.local [spmem:s9], $0x2800  }
0x140: {  	_ =	swait.ge [sflag:s10], $0x2800  }
0x141: {  	s7 =	sadd.s32 $0x1, s7;
	s6 =	rddreg [dreg:$0x16]  }
0x142: {  	p0 =	sne.s32 s7, s6  }
.Ltmp1:
0x143: {  	_ = 	snop;
	(pc) =	sbr.rel @p0 .LBB2_1-.Ltmp1, $3  }
0x144: {  	_ =	sdelay $0x1  }
0x145: {  	[sflag:s10] =	ssyncset.done $0x0  }
0x146: {  	[sflag:s10] =	ssyncadd.s32 $0xFFFFD800  }
0x147: {  	_ =	sfence.sel $0x180000  }
0x148: {  	[bflag:$0x0] =	sbarrier.arrive $0xFFFF  }
0x149: {  	_ =	strace $0x9000004A  }
0x14a: {  	s0 =	stileid.u32;
	[bflag:$0x2] =	sbarrier.arrive $0xFFFF  }
0x14b: {  	p0 =	sne.s32 s0, $0x0;
	s0 =	rddreg [dreg:$0x2]  }
0x14c: {  	s0 =	sadd.s32 @!p0 $0x100000, s0  }
0x14d: {  	[sflag:s0] =	ssyncadd.tile.s32 @!p0 $0x1;
	_ =	shalt  }
.Lfunc_end2:
_tile_overlayer_lowered:
.L_overlay_start_2:
0x14e: {  	(tag) =	ssettag $0x2  }
0x14f: {  	s0 =	rddreg [dreg:$0x0];
	s2 =	stileid.u32  }
0x150: {  	s1 =	rddreg [dreg:$0x1];
	p0 =	sne.s32 s2, $0x0  }
0x151: {  	s3 =	rddreg [dreg:$0x2];
	[bflag:$0x3] =	sbarrier.arrive $0xFFFF;
	s2 =	simm.s32 @!p0 $0x1C03  }
0x152: {  	[timem:s3], [sflag:s2] =	dma.local @!p0 [hbm:s0], s1  }
0x153: {  	s0 =	simm.s32 @!p0 $0x3  }
0x154: {  	_ =	swait.ge @!p0 [sflag:s0], s1  }
0x155: {  	s1 =	ssub.s32 @!p0 $0x0, s1;
	[sflag:s0] =	ssyncset.done @!p0 $0x0  }
0x156: {  	[sflag:s0] =	ssyncadd.s32 @!p0 s1  }
0x157: {  	[bflag:$0x3] =	sbarrier.arrive $0xFFFF  }
0x158: {  	_ =	shalt  }

// kernel: kernel.15.cloned.1.call-start
scs
__scs_entry_jumppad:
0x0: {  	(pc) =	sbr.rel $0x88, $3  }
0x1: {  	(tag) =	ssettag $0x0;
	lr =	simm.s32 $0x1  }
0x2: {  	[smem:$0x3F98] =	sst lr;
	_ =	strace $0xD0000000  }
0x3: {  	_ = 	snop  }
0x4: {  	_ = 	snop  }
0x5: {  	_ = 	snop  }
0x6: {  	_ = 	snop  }
0x7: {  	_ = 	snop  }
__scs_overlays_trampoline_lowered:
0x8: {  	[smem:$0x3FA7] =	sst s0  }
0x9: {  	[smem:$0x3FA8] =	sst s1  }
0xa: {  	[smem:$0x3FA9] =	sst s2  }
0xb: {  	[smem:$0x3FAA] =	sst s3  }
0xc: {  	[smem:$0x3FAB] =	sst s4  }
0xd: {  	[smem:$0x3FAC] =	sst s5  }
0xe: {  	[smem:$0x3FAD] =	sst s6  }
0xf: {  	[smem:$0x3FAE] =	sst s7  }
0x10: {  	[smem:$0x3FAF] =	sst s8  }
0x11: {  	[smem:$0x3FB0] =	sst s9;
	s0 =	simm.s32 @!p0 $0x0  }
0x12: {  	s1 =	sld [smem:$0x3F96];
	s0 =	simm.s32 @p0 $0x1  }
0x13: {  	[smem:$0x3FB1] =	sst s0;
	s0 =	simm.s32 @!p1 $0x0  }
0x14: {  	s2 =	sld [smem:$0x3F95];
	s0 =	simm.s32 @p1 $0x1  }
0x15: {  	[smem:$0x3FB2] =	sst s0;
	s0 =	simm.s32 @!p2 $0x0  }
0x16: {  	s3 =	sld [smem:$0x3FDB];
	s0 =	simm.s32 @p2 $0x1  }
0x17: {  	s4 =	simm.s32 $0x1BF5;
	[smem:$0x3FB4] =	sst s0  }
0x18: {  	s0 =	sld [smem:$0x3F97];
	_ =	swait.ge [sflag:s4], $0x0  }
0x19: {  	s7 =	sld [smem:$0x3F98]  }
0x1a: {  	s8 =	sadd.s32 $0xFFFFE003, lr  }
0x1b: {  	s9 =	sadd.s32 $0xFFFFFEF7, lr;
	s5 =	simm.s32 $0xFFFFFFFF;
	p2 =	slt.u32 s8, $0xFFFFF086  }
0x1c: {  	p1 =	slt.u32 s9, $0xF7A;
	s5 =	simm.s32 @!p2 $0x0  }
0x1d: {  	s5 =	simm.s32 @p1 $0x1;
	p0 =	seq.s32 s7, s2  }
0x1e: {  	s7 =	smul.u32 @!p0 $0xF7A, s2;
	p2 =	seq.s32 @!p0 s5, $0x0  }
0x1f: {  	s9 =	smul.u32 $0xF7A, s1;
	s8 =	simm.s32 @!p0 $0x1BF5;
	p2 =	por !p2, p0  }
0x20: {  	[sflag:s8] =	ssyncset.s32 @!p0 $0xFFFFF086;
	s6 =	sadd.s32 @!p0 s3, s7;
	s7 =	simm.s32 @!p0 $0x108  }
0x21: {  	s3 =	sadd.s32 s3, s9;
	s6 =	sadd.s32 @!p0 $0x88, s6;
	s7 =	simm.s32 @p2 $0x1082  }
0x22: {  	[simem:s7], [sflag:s8] =	dma.local @!p0 [hbm:s6], $0xF7A  }
0x23: {  	s9 =	sor.u32 $0xD0000000, s2;
	s6 =	simm.s32 $0x108;
	_ =	swait.ge @!p0 [sflag:s8], $0x0  }
0x24: {  	s3 =	sadd.s32 $0x88, s3;
	s6 =	simm.s32 @!p1 $0x1082;
	[sflag:s4] =	ssyncset.s32 $0xFFFFF086  }
0x25: {  	[simem:s6], [sflag:s4] =	dma.local [hbm:s3], $0xF7A  }
0x26: {  	[smem:$0x3F98] =	sst s1;
	(tag) =	ssettag s2;
	_ =	strace s9  }
0x27: {  	s1 =	sld [smem:$0x3FA8]  }
0x28: {  	s2 =	sld [smem:$0x3FA9]  }
0x29: {  	s4 =	sld [smem:$0x3FAB]  }
0x2a: {  	p0 =	seq.s32 s5, $0x0;
	s5 =	sld [smem:$0x3FAC]  }
0x2b: {  	s6 =	sld [smem:$0x3FAD]  }
0x2c: {  	s7 =	sld [smem:$0x3FAE]  }
0x2d: {  	s3 =	simm.s32 $0x108;
	s8 =	sld [smem:$0x3FAF]  }
0x2e: {  	s3 =	simm.s32 @!p0 $0x1082;
	s9 =	sld [smem:$0x3FB0]  }
0x2f: {  	lr =	sadd.s32 s0, s3;
	s0 =	sld [smem:$0x3FA7]  }
0x30: {  	s3 =	sld [smem:$0x3FAA]  }
0x31: {  	[smem:$0x3FB3] =	sst s10  }
0x32: {  	s10 =	sld [smem:$0x3FB1];
	_ =	sdelay $0x3  }
0x33: {  	p0 =	seq.s32 s10, $0x1;
	s10 =	sld [smem:$0x3FB3];
	_ =	sdelay $0x3  }
0x34: {  	[smem:$0x3FB3] =	sst s10  }
0x35: {  	s10 =	sld [smem:$0x3FB2];
	_ =	sdelay $0x3  }
0x36: {  	p1 =	seq.s32 s10, $0x1;
	s10 =	sld [smem:$0x3FB3];
	_ =	sdelay $0x3  }
0x37: {  	[smem:$0x3FB3] =	sst s10  }
0x38: {  	s10 =	sld [smem:$0x3FB4]  }
0x39: {  	_ = 	snop;
	(pc) =	sbr.ind lr, $3  }
0x3a: {  	_ = 	snop  }
0x3b: {  	_ = 	snop  }
0x3c: {  	p2 =	seq.s32 s10, $0x1;
	s10 =	sld [smem:$0x3FB3]  }
0x3d: {  	_ =	shalt  }
0x3e: {  	_ =	shalt  }
0x3f: {  	_ =	shalt  }
0x40: {  	_ =	shalt  }
0x41: {  	_ =	shalt  }
0x42: {  	_ =	shalt  }
0x43: {  	_ =	shalt  }
0x44: {  	_ =	shalt  }
0x45: {  	_ =	shalt  }
0x46: {  	_ =	shalt  }
0x47: {  	_ =	shalt  }
0x48: {  	_ =	shalt  }
0x49: {  	_ =	shalt  }
0x4a: {  	_ =	shalt  }
0x4b: {  	_ =	shalt  }
0x4c: {  	_ =	shalt  }
0x4d: {  	_ =	shalt  }
0x4e: {  	_ =	shalt  }
0x4f: {  	_ =	shalt  }
0x50: {  	_ =	shalt  }
0x51: {  	_ =	shalt  }
0x52: {  	_ =	shalt  }
0x53: {  	_ =	shalt  }
0x54: {  	_ =	shalt  }
0x55: {  	_ =	shalt  }
0x56: {  	_ =	shalt  }
0x57: {  	_ =	shalt  }
0x58: {  	_ =	shalt  }
0x59: {  	_ =	shalt  }
0x5a: {  	_ =	shalt  }
0x5b: {  	_ =	shalt  }
0x5c: {  	_ =	shalt  }
0x5d: {  	_ =	shalt  }
0x5e: {  	_ =	shalt  }
0x5f: {  	_ =	shalt  }
0x60: {  	_ =	shalt  }
0x61: {  	_ =	shalt  }
0x62: {  	_ =	shalt  }
0x63: {  	_ =	shalt  }
0x64: {  	_ =	shalt  }
0x65: {  	_ =	shalt  }
0x66: {  	_ =	shalt  }
0x67: {  	_ =	shalt  }
0x68: {  	_ =	shalt  }
0x69: {  	_ =	shalt  }
0x6a: {  	_ =	shalt  }
0x6b: {  	_ =	shalt  }
0x6c: {  	_ =	shalt  }
0x6d: {  	_ =	shalt  }
0x6e: {  	_ =	shalt  }
0x6f: {  	_ =	shalt  }
0x70: {  	_ =	shalt  }
0x71: {  	_ =	shalt  }
0x72: {  	_ =	shalt  }
0x73: {  	_ =	shalt  }
0x74: {  	_ =	shalt  }
0x75: {  	_ =	shalt  }
0x76: {  	_ =	shalt  }
0x77: {  	_ =	shalt  }
0x78: {  	_ =	shalt  }
0x79: {  	_ =	shalt  }
0x7a: {  	_ =	shalt  }
0x7b: {  	_ =	shalt  }
0x7c: {  	_ =	shalt  }
0x7d: {  	_ =	shalt  }
0x7e: {  	_ =	shalt  }
0x7f: {  	_ =	shalt  }
0x80: {  	_ =	shalt  }
0x81: {  	_ =	shalt  }
0x82: {  	_ =	shalt  }
0x83: {  	_ =	shalt  }
0x84: {  	_ =	shalt  }
0x85: {  	_ =	shalt  }
0x86: {  	_ =	shalt  }
0x87: {  	_ =	shalt  }
.Lfunc_end0:
.L_simem_size_0:
called_computation.2_lowered:
.L_overlay_start_0:
0x88: {  	s2 =	sld [smem:$0x3FD9]  }
0x89: {  	s3 =	sld [smem:$0x3FFE];
	_ =	sdelay $0x1  }
0x8a: {  	s1 =	srdreg.scid  }
0x8b: {  	s0 =	sand.u32 $0x1, s1  }
0x8c: {  	s16 =	sshll.u32 s0, $0xA;
	s2 =	sadd.s32 s3, s2  }
0x8d: {  	s2 =	sadd.s32 s2, s16  }
0x8e: {  	[smem:$0x3FBF] =	sst s2  }
0x8f: {  	_ = 	snop  }
0x90: {  	(tm) =	ssettm $0x1  }
0x91: {  	s17 =	sld [smem:$0x3FFB];
	_ =	sdelay $0x3  }
0x92: {  	_ =	strace s17  }
0x93: {  	s2 =	sld [smem:$0x3FFC];
	_ =	sdelay $0x3  }
0x94: {  	_ =	strace s2  }
0x95: {  	s2 =	sld [smem:$0x3FFD];
	_ =	sdelay $0x3  }
0x96: {  	_ =	strace s2  }
0x97: {  	_ =	strace $0x8FFFFFFF  }
0x98: {  	s18 =	sld [smem:$0x3FDB];
	_ =	sdelay $0x1  }
0x99: {  	s19 =	simm.s32 $_scs_section_size  }
0x9a: {  	s4 =	simm.s32 $_size__tile_overlayer_lowered;
	s5 =	simm.s32 $_tile_overlayer_lowered  }
0x9b: {  	s22 =	simm.s32 $0x1BFF;
	s21 =	sshll.u32 s5, $0x1;
	s2 =	sadd.s32 s19, s18  }
0x9c: {  	s6 =	simm.s32 $0x0;
	s20 =	sshll.u32 s4, $0x1;
	s4 =	sadd.s32 s21, s2  }
0x9d: {  	[timem:s6], [sflag:s22] =	dma.local [hbm:s4], s20  }
0x9e: {  	_ =	swait.ge [sflag:s22], s20  }
0x9f: {  	s3 =	ssub.s32 $0x0, s20;
	[sflag:s22] =	ssyncset.done $0x0  }
0xa0: {  	[sflag:s22] =	ssyncadd.s32 s3;
	_ =	sdelay $0x1  }
0xa1: {  	s23 =	simm.s32 $0x1B8B  }
0xa2: {  	_ =	swait.ge [sflag:s23], $0x1  }
0xa3: {  	[sflag:s23] =	ssyncset.done $0x0  }
0xa4: {  	s25 =	simm.s32 $0x1B8E;
	s24 =	sld [smem:$0x3FFE];
	[sflag:s23] =	ssyncadd.s32 $0xFFFFFFFF  }
0xa5: {  	s26 =	simm.s32 $execute0_lowered;
	[smem:$0x3FD2] =	sst s25  }
0xa6: {  	s4 =	sshll.u32 s26, $0x1;
	_ =	strace $0x8000004C;
	[dreg:$0x1] =	wrdreg $0xFFFFFFFF  }
0xa7: {  	s28 =	simm.s32 $_size_execute0_lowered;
	s2 =	sadd.s32 s2, s4;
	[dreg:$0x0] =	wrdreg $0x0  }
0xa8: {  	s4 =	sshll.u32 s28, $0x1;
	[dreg:$0x2] =	wrdreg s2  }
0xa9: {  	[dreg:$0x3] =	wrdreg s4  }
0xaa: {  	[dreg:$0x4] =	wrdreg $0xC0  }
0xab: {  	_ =	task [dreg:s6], $0x5FFFF  }
0xac: {  	[dreg:$0x1] =	wrdreg $0xFFFFFFFF  }
0xad: {  	[dreg:$0x0] =	wrdreg $0x60  }
0xae: {  	[dreg:$0x2] =	wrdreg s24  }
0xaf: {  	[dreg:$0x3] =	wrdreg $0x0  }
0xb0: {  	[dreg:$0x4] =	wrdreg $0x9  }
0xb1: {  	_ =	task.clear_ibuf [dreg:s6], $0x5FFFF;
	_ =	strace $0x9000004C  }
0xb2: {  	s29 =	simm.s32 $0x9;
	_ =	strace $0x8000004E  }
0xb3: {  	_ =	swait.ge [sflag:s29], $0x1  }
0xb4: {  	[sflag:s29] =	ssyncadd.s32 $0xFFFFFFFF  }
0xb5: {  	_ =	strace $0x9000004E  }
0xb6: {  	_ =	sfence  }
0xb7: {  	s30 =	sld [smem:$0x0];
	_ =	sdelay $0x2  }
0xb8: {  	s31 =	sshll.u32 s1, $0xD;
	s1 =	sshrl.u32 s1, $0x2  }
0xb9: {  	s3 =	sand.u32 $0x4000, s31;
	s1 =	sadd.s32 s1, s30  }
0xba: {  	s0 =	sor.u32 s3, s0;
	s1 =	sshll.u32 s1, $0x11  }
0xbb: {  	s0 =	sor.u32 s1, s0  }
0xbc: {  	s0 =	sadd.s32 $0x8F2B, s0  }
0xbd: {  	[sflag:s0] =	ssyncadd.remote.s32 $0x1  }
0xbe: {  	_ =	sfence.sel $0xFFFF  }
0xbf: {  	[dreg:$0x0] =	wrdreg $0xFFFFFFFF;
	(pc) =	sbr.abs _section_cstart, $3  }
0xc0: {  	[dreg:$0x1] =	wrdreg $0xFFFFFFFF  }
0xc1: {  	_ =	task.clear_ibuf [dreg:s6], $0x2FFFF;
	_ =	strace $0x9FFFFFFF  }
0xc2: {  	(tm) =	ssettm $0x7FFFFFFF  }
0xc3: {  	_ =	shalt  }
tec
execute0_lowered:
.L_overlay_start_1:
0x0: {  	(tag) =	ssettag $0x1  }
0x1: {  	s0 =	rddreg [dreg:$0x0]  }
0x2: {  	s2 =	rddreg [dreg:$0x1];
	s9 =	stileid.u32;
	s3 =	simm.s32 $0x0  }
0x3: {  	s4 =	srdreg.scid;
	s11 =	simm.s32 $0x14080;
	s13 =	simm.s32 $0x14100  }
0x4: {  	s14 =	simm.s32 $0x14880;
	s15 =	simm.s32 $0x14180;
	s17 =	simm.s32 $0x14900  }
0x5: {  	s18 =	simm.s32 $0x14200;
	[smem:$0x7FF] =	sst s3;
	s8 =	sadd.s32 $0x12600, s0  }
0x6: {  	s19 =	simm.s32 $0x14980;
	_ =	strace $0x8000004D;
	[dreg:$0x13] =	wrdreg s8  }
0x7: {  	s20 =	simm.s32 $0x14280;
	s21 =	simm.s32 $0x14A00;
	[dreg:$0x5] =	wrdreg s11  }
0x8: {  	s22 =	simm.s32 $0x14300;
	s28 =	simm.s32 $0x14680;
	[dreg:$0x6] =	wrdreg s13  }
0x9: {  	s29 =	simm.s32 $0x14E00;
	s30 =	simm.s32 $0x14700;
	[dreg:$0x7] =	wrdreg s14  }
0xa: {  	s31 =	simm.s32 $0x14E80;
	s1 =	smul.u32 $0x500, s9;
	[dreg:$0x8] =	wrdreg s15  }
0xb: {  	s5 =	sand.u32 $0x1, s4;
	s6 =	smul.u32 $0x2800, s9;
	[dreg:$0x9] =	wrdreg s17  }
0xc: {  	s4 =	sadd.s32 $0x65600, s0;
	s25 =	smul.u32 $0x50000, s9;
	[dreg:$0xa] =	wrdreg s18  }
0xd: {  	s12 =	sshll.u32 s9, $0x6;
	s9 =	simm.s32 $0x0;
	[dreg:$0xb] =	wrdreg s19  }
0xe: {  	s7 =	smul.u32 $0x28000, s5;
	s23 =	ssub.s32 $0x2, s5;
	[dreg:$0xc] =	wrdreg s20  }
0xf: {  	s5 =	smul.u32 $0x5000, s5;
	s11 =	simm.s32 $0x14000;
	[dreg:$0xd] =	wrdreg s21  }
0x10: {  	s13 =	simm.s32 $0x80;
	s14 =	simm.s32 $0x15000;
	[dreg:$0xe] =	wrdreg s22  }
0x11: {  	s15 =	simm.s32 $0x19000;
	s17 =	simm.s32 $0x2;
	s18 =	simm.s32 $0x14B80  }
0x12: {  	s19 =	simm.s32 $0x14480;
	s20 =	simm.s32 $0x14C00;
	s21 =	simm.s32 $0x14500  }
0x13: {  	s22 =	simm.s32 $0x14C80;
	s1 =	sadd.s32 s1, s0;
	s24 =	sshrl.u32 s23, $0x1  }
0x14: {  	s10 =	sshrl.u32 s25, $0x2;
	s25 =	simm.s32 $0x14B00;
	s6 =	sadd.s32 s6, s7  }
0x15: {  	s26 =	sadd.s32 $0x3600, s1;
	s1 =	sadd.s32 s5, s1;
	s5 =	sadd.s32 s10, s2  }
0x16: {  	s7 =	sor.u32 $0x1C03, s12;
	s10 =	simm.s32 $0x3;
	[dreg:$0x11] =	wrdreg s25  }
0x17: {  	s12 =	simm.s32 $0x14800;
	s25 =	simm.s32 $0x14600;
	[dreg:$0x3] =	wrdreg s26  }
0x18: {  	s0 =	sadd.s32 s6, s0;
	s1 =	sadd.s32 $0xC7600, s1;
	[dreg:$0x14] =	wrdreg s7  }
0x19: {  	s6 =	ssub.s32 s23, s24;
	s23 =	simm.s32 $0x14A80;
	[dreg:$0x4] =	wrdreg s1  }
0x1a: {  	s8 =	sshrl.u32 s5, $0x3;
	s24 =	simm.s32 $0x14380;
	[dreg:$0xf] =	wrdreg s23  }
0x1b: {  	s26 =	simm.s32 $0x14400;
	s5 =	simm.s32 $0x14F80;
	[dreg:$0x10] =	wrdreg s24  }
0x1c: {  	s0 =	sadd.s32 $0xD1600, s0;
	s16 =	smax.u32 s6, $0x1;
	[dreg:$0x12] =	wrdreg s26  }
0x1d: {  	s23 =	simm.s32 $0x14580;
	s24 =	simm.s32 $0x14D00;
	[dreg:$0x17] =	wrdreg s8  }
0x1e: {  	s26 =	simm.s32 $0x14D80;
	s1 =	simm.s32 $0x14F00;
	[dreg:$0x15] =	wrdreg s0  }
0x1f: {  	[dreg:$0x16] =	wrdreg s16;
	s16 =	simm.s32 $0x1;
	s0 =	simm.s32 $0x14780  }
.LBB2_1:
0x20: {  	[dreg:$0x18] =	wrdreg s9  }
0x21: {  	s6 =	rddreg [dreg:$0x13]  }
0x22: {  	[spmem:s8], [sflag:s7] =	dma.local [hbm:s6], $0x2800  }
0x23: {  	_ =	swait.ge [sflag:s10], $0x2800  }
0x24: {  	[sflag:s10] =	ssyncset.done $0x0  }
0x25: {  	[sflag:s10] =	ssyncadd.s32 $0xFFFFD800  }
0x26: {  	[bflag:$0x0] =	sbarrier.arrive $0xFFFF  }
0x27: {  	s9 =	rddreg [dreg:$0x4]  }
0x28: {  	s6 =	sadd.s32 $0x0, s9  }
0x29: {  	[tilespmem:s11], [sflag:$0x3] =	stream.linear.gather [hbm4b:s6+s3], $0x800, $0x38;
	[tilespmem:$0x1D000] =	vst v63  }
0x2a: {  	_ =	swait.ge [sflag:s10], $0x800  }
0x2b: {  	s7 =	rddreg [dreg:$0x3];
	[sflag:s10] =	ssyncset.done $0x0  }
0x2c: {  	[sflag:s10] =	ssyncadd.s32 $0xFFFFF800;
	s6 =	sadd.s32 $0x0, s7  }
0x2d: {  	[tilespmem:s12], [sflag:$0x3] =	stream.linear.gather [hbm4b:s6+s3], $0x800, $0x38;
	[tilespmem:$0x1D000] =	vst v63  }
0x2e: {  	_ =	swait.ge [sflag:s10], $0x800  }
0x2f: {  	[sflag:s10] =	ssyncset.done $0x0  }
0x30: {  	[sflag:s10] =	ssyncadd.s32 $0xFFFFF800  }
0x31: {  	[tilespmem:s14], [sflag:$0x1] =	stream.indirect.gather [hbm4b:s4+s13], $0x80, s11, s13, $0xb8;
	[tilespmem:$0x1D000] =	vst v63  }
0x32: {  	s8 =	rddreg [dreg:$0x5]  }
0x33: {  	[tilespmem:s15], [sflag:$0x2] =	stream.indirect.gather [hbm4b:s4+s13], $0x80, s8, s13, $0xb8;
	[tilespmem:$0x1D000] =	vst v63  }
0x34: {  	_ =	swait.ge [sflag:s16], $0x4000  }
0x35: {  	[sflag:s16] =	ssyncset.done $0x0  }
0x36: {  	[sflag:s16] =	ssyncadd.s32 $0xFFFFC000  }
0x37: {  	[spmem:s2] =	stream.indirect.scatter.add.f32 [tilespmem:s14], [sflag:$0x3], $0x80, s12, s13, $0xb8;
	[tilespmem:$0x1D000] =	vst v63  }
0x38: {  	_ =	swait.ge [sflag:s10], $0x4000  }
0x39: {  	[sflag:s10] =	ssyncset.done $0x0  }
0x3a: {  	s9 =	rddreg [dreg:$0x6];
	[sflag:s10] =	ssyncadd.s32 $0xFFFFC000  }
0x3b: {  	[tilespmem:s14], [sflag:$0x1] =	stream.indirect.gather [hbm4b:s4+s13], $0x80, s9, s13, $0xb8;
	[tilespmem:$0x1D000] =	vst v63  }
0x3c: {  	_ =	swait.ge [sflag:s17], $0x4000  }
0x3d: {  	[sflag:s17] =	ssyncset.done $0x0  }
0x3e: {  	s7 =	rddreg [dreg:$0x7];
	[sflag:s17] =	ssyncadd.s32 $0xFFFFC000  }
0x3f: {  	[spmem:s2] =	stream.indirect.scatter.add.f32 [tilespmem:s15], [sflag:$0x3], $0x80, s7, s13, $0xb8;
	[tilespmem:$0x1D000] =	vst v63  }
0x40: {  	_ =	swait.ge [sflag:s10], $0x4000  }
0x41: {  	[sflag:s10] =	ssyncset.done $0x0  }
0x42: {  	s8 =	rddreg [dreg:$0x8];
	[sflag:s10] =	ssyncadd.s32 $0xFFFFC000  }
0x43: {  	[tilespmem:s15], [sflag:$0x2] =	stream.indirect.gather [hbm4b:s4+s13], $0x80, s8, s13, $0xb8;
	[tilespmem:$0x1D000] =	vst v63  }
0x44: {  	_ =	swait.ge [sflag:s16], $0x4000  }
0x45: {  	[sflag:s16] =	ssyncset.done $0x0  }
0x46: {  	s9 =	rddreg [dreg:$0x9];
	[sflag:s16] =	ssyncadd.s32 $0xFFFFC000  }
0x47: {  	[spmem:s2] =	stream.indirect.scatter.add.f32 [tilespmem:s14], [sflag:$0x3], $0x80, s9, s13, $0xb8;
	[tilespmem:$0x1D000] =	vst v63  }
0x48: {  	_ =	swait.ge [sflag:s10], $0x4000  }
0x49: {  	[sflag:s10] =	ssyncset.done $0x0  }
0x4a: {  	s7 =	rddreg [dreg:$0xa];
	[sflag:s10] =	ssyncadd.s32 $0xFFFFC000  }
0x4b: {  	[tilespmem:s14], [sflag:$0x1] =	stream.indirect.gather [hbm4b:s4+s13], $0x80, s7, s13, $0xb8;
	[tilespmem:$0x1D000] =	vst v63  }
0x4c: {  	_ =	swait.ge [sflag:s17], $0x4000  }
0x4d: {  	[sflag:s17] =	ssyncset.done $0x0  }
0x4e: {  	s8 =	rddreg [dreg:$0xb];
	[sflag:s17] =	ssyncadd.s32 $0xFFFFC000  }
0x4f: {  	[spmem:s2] =	stream.indirect.scatter.add.f32 [tilespmem:s15], [sflag:$0x3], $0x80, s8, s13, $0xb8;
	[tilespmem:$0x1D000] =	vst v63  }
0x50: {  	_ =	swait.ge [sflag:s10], $0x4000  }
0x51: {  	[sflag:s10] =	ssyncset.done $0x0  }
0x52: {  	s9 =	rddreg [dreg:$0xc];
	[sflag:s10] =	ssyncadd.s32 $0xFFFFC000  }
0x53: {  	[tilespmem:s15], [sflag:$0x2] =	stream.indirect.gather [hbm4b:s4+s13], $0x80, s9, s13, $0xb8;
	[tilespmem:$0x1D000] =	vst v63  }
0x54: {  	_ =	swait.ge [sflag:s16], $0x4000  }
0x55: {  	[sflag:s16] =	ssyncset.done $0x0  }
0x56: {  	s7 =	rddreg [dreg:$0xd];
	[sflag:s16] =	ssyncadd.s32 $0xFFFFC000  }
0x57: {  	[spmem:s2] =	stream.indirect.scatter.add.f32 [tilespmem:s14], [sflag:$0x3], $0x80, s7, s13, $0xb8;
	[tilespmem:$0x1D000] =	vst v63  }
0x58: {  	_ =	swait.ge [sflag:s10], $0x4000  }
0x59: {  	[sflag:s10] =	ssyncset.done $0x0  }
0x5a: {  	s8 =	rddreg [dreg:$0xe];
	[sflag:s10] =	ssyncadd.s32 $0xFFFFC000  }
0x5b: {  	[tilespmem:s14], [sflag:$0x1] =	stream.indirect.gather [hbm4b:s4+s13], $0x80, s8, s13, $0xb8;
	[tilespmem:$0x1D000] =	vst v63  }
0x5c: {  	_ =	swait.ge [sflag:s17], $0x4000  }
0x5d: {  	[sflag:s17] =	ssyncset.done $0x0  }
0x5e: {  	s9 =	rddreg [dreg:$0xf];
	[sflag:s17] =	ssyncadd.s32 $0xFFFFC000  }
0x5f: {  	[spmem:s2] =	stream.indirect.scatter.add.f32 [tilespmem:s15], [sflag:$0x3], $0x80, s9, s13, $0xb8;
	[tilespmem:$0x1D000] =	vst v63  }
0x60: {  	_ =	swait.ge [sflag:s10], $0x4000  }
0x61: {  	[sflag:s10] =	ssyncset.done $0x0  }
0x62: {  	s7 =	rddreg [dreg:$0x10];
	[sflag:s10] =	ssyncadd.s32 $0xFFFFC000  }
0x63: {  	[tilespmem:s15], [sflag:$0x2] =	stream.indirect.gather [hbm4b:s4+s13], $0x80, s7, s13, $0xb8;
	[tilespmem:$0x1D000] =	vst v63  }
0x64: {  	_ =	swait.ge [sflag:s16], $0x4000  }
0x65: {  	[sflag:s16] =	ssyncset.done $0x0  }
0x66: {  	s8 =	rddreg [dreg:$0x11];
	[sflag:s16] =	ssyncadd.s32 $0xFFFFC000  }
0x67: {  	[spmem:s2] =	stream.indirect.scatter.add.f32 [tilespmem:s14], [sflag:$0x3], $0x80, s8, s13, $0xb8;
	[tilespmem:$0x1D000] =	vst v63  }
0x68: {  	_ =	swait.ge [sflag:s10], $0x4000  }
0x69: {  	[sflag:s10] =	ssyncset.done $0x0  }
0x6a: {  	s9 =	rddreg [dreg:$0x12];
	[sflag:s10] =	ssyncadd.s32 $0xFFFFC000  }
0x6b: {  	[tilespmem:s14], [sflag:$0x1] =	stream.indirect.gather [hbm4b:s4+s13], $0x80, s9, s13, $0xb8;
	[tilespmem:$0x1D000] =	vst v63  }
0x6c: {  	_ =	swait.ge [sflag:s17], $0x4000  }
0x6d: {  	[sflag:s17] =	ssyncset.done $0x0  }
0x6e: {  	[sflag:s17] =	ssyncadd.s32 $0xFFFFC000  }
0x6f: {  	[spmem:s2] =	stream.indirect.scatter.add.f32 [tilespmem:s15], [sflag:$0x3], $0x80, s18, s13, $0xb8;
	[tilespmem:$0x1D000] =	vst v63  }
0x70: {  	_ =	swait.ge [sflag:s10], $0x4000  }
0x71: {  	[sflag:s10] =	ssyncset.done $0x0  }
0x72: {  	[sflag:s10] =	ssyncadd.s32 $0xFFFFC000  }
0x73: {  	[tilespmem:s15], [sflag:$0x2] =	stream.indirect.gather [hbm4b:s4+s13], $0x80, s19, s13, $0xb8;
	[tilespmem:$0x1D000] =	vst v63  }
0x74: {  	_ =	swait.ge [sflag:s16], $0x4000  }
0x75: {  	[sflag:s16] =	ssyncset.done $0x0  }
0x76: {  	[sflag:s16] =	ssyncadd.s32 $0xFFFFC000  }
0x77: {  	[spmem:s2] =	stream.indirect.scatter.add.f32 [tilespmem:s14], [sflag:$0x3], $0x80, s20, s13, $0xb8;
	[tilespmem:$0x1D000] =	vst v63  }
0x78: {  	_ =	swait.ge [sflag:s10], $0x4000  }
0x79: {  	[sflag:s10] =	ssyncset.done $0x0  }
0x7a: {  	[sflag:s10] =	ssyncadd.s32 $0xFFFFC000  }
0x7b: {  	[tilespmem:s14], [sflag:$0x1] =	stream.indirect.gather [hbm4b:s4+s13], $0x80, s21, s13, $0xb8;
	[tilespmem:$0x1D000] =	vst v63  }
0x7c: {  	_ =	swait.ge [sflag:s17], $0x4000  }
0x7d: {  	[sflag:s17] =	ssyncset.done $0x0  }
0x7e: {  	[sflag:s17] =	ssyncadd.s32 $0xFFFFC000  }
0x7f: {  	[spmem:s2] =	stream.indirect.scatter.add.f32 [tilespmem:s15], [sflag:$0x3], $0x80, s22, s13, $0xb8;
	[tilespmem:$0x1D000] =	vst v63  }
0x80: {  	_ =	swait.ge [sflag:s10], $0x4000  }
0x81: {  	[sflag:s10] =	ssyncset.done $0x0  }
0x82: {  	[sflag:s10] =	ssyncadd.s32 $0xFFFFC000  }
0x83: {  	[tilespmem:s15], [sflag:$0x2] =	stream.indirect.gather [hbm4b:s4+s13], $0x80, s23, s13, $0xb8;
	[tilespmem:$0x1D000] =	vst v63  }
0x84: {  	_ =	swait.ge [sflag:s16], $0x4000  }
0x85: {  	[sflag:s16] =	ssyncset.done $0x0  }
0x86: {  	[sflag:s16] =	ssyncadd.s32 $0xFFFFC000  }
0x87: {  	[spmem:s2] =	stream.indirect.scatter.add.f32 [tilespmem:s14], [sflag:$0x3], $0x80, s24, s13, $0xb8;
	[tilespmem:$0x1D000] =	vst v63  }
0x88: {  	_ =	swait.ge [sflag:s10], $0x4000  }
0x89: {  	[sflag:s10] =	ssyncset.done $0x0  }
0x8a: {  	[sflag:s10] =	ssyncadd.s32 $0xFFFFC000  }
0x8b: {  	[tilespmem:s14], [sflag:$0x1] =	stream.indirect.gather [hbm4b:s4+s13], $0x80, s25, s13, $0xb8;
	[tilespmem:$0x1D000] =	vst v63  }
0x8c: {  	_ =	swait.ge [sflag:s17], $0x4000  }
0x8d: {  	[sflag:s17] =	ssyncset.done $0x0  }
0x8e: {  	[sflag:s17] =	ssyncadd.s32 $0xFFFFC000  }
0x8f: {  	[spmem:s2] =	stream.indirect.scatter.add.f32 [tilespmem:s15], [sflag:$0x3], $0x80, s26, s13, $0xb8;
	[tilespmem:$0x1D000] =	vst v63  }
0x90: {  	_ =	swait.ge [sflag:s10], $0x4000  }
0x91: {  	[sflag:s10] =	ssyncset.done $0x0  }
0x92: {  	[sflag:s10] =	ssyncadd.s32 $0xFFFFC000  }
0x93: {  	[tilespmem:s15], [sflag:$0x2] =	stream.indirect.gather [hbm4b:s4+s13], $0x80, s28, s13, $0xb8;
	[tilespmem:$0x1D000] =	vst v63  }
0x94: {  	_ =	swait.ge [sflag:s16], $0x4000  }
0x95: {  	[sflag:s16] =	ssyncset.done $0x0  }
0x96: {  	[sflag:s16] =	ssyncadd.s32 $0xFFFFC000  }
0x97: {  	[spmem:s2] =	stream.indirect.scatter.add.f32 [tilespmem:s14], [sflag:$0x3], $0x80, s29, s13, $0xb8;
	[tilespmem:$0x1D000] =	vst v63  }
0x98: {  	_ =	swait.ge [sflag:s10], $0x4000  }
0x99: {  	[sflag:s10] =	ssyncset.done $0x0  }
0x9a: {  	[sflag:s10] =	ssyncadd.s32 $0xFFFFC000  }
0x9b: {  	[tilespmem:s14], [sflag:$0x1] =	stream.indirect.gather [hbm4b:s4+s13], $0x80, s30, s13, $0xb8;
	[tilespmem:$0x1D000] =	vst v63  }
0x9c: {  	_ =	swait.ge [sflag:s17], $0x4000  }
0x9d: {  	[sflag:s17] =	ssyncset.done $0x0  }
0x9e: {  	[sflag:s17] =	ssyncadd.s32 $0xFFFFC000  }
0x9f: {  	[spmem:s2] =	stream.indirect.scatter.add.f32 [tilespmem:s15], [sflag:$0x3], $0x80, s31, s13, $0xb8;
	[tilespmem:$0x1D000] =	vst v63  }
0xa0: {  	_ =	swait.ge [sflag:s10], $0x4000  }
0xa1: {  	[sflag:s10] =	ssyncset.done $0x0  }
0xa2: {  	[sflag:s10] =	ssyncadd.s32 $0xFFFFC000  }
0xa3: {  	[tilespmem:s15], [sflag:$0x2] =	stream.indirect.gather [hbm4b:s4+s13], $0x80, s0, s13, $0xb8;
	[tilespmem:$0x1D000] =	vst v63  }
0xa4: {  	_ =	swait.ge [sflag:s16], $0x4000  }
0xa5: {  	[sflag:s16] =	ssyncset.done $0x0  }
0xa6: {  	[sflag:s16] =	ssyncadd.s32 $0xFFFFC000  }
0xa7: {  	[spmem:s2] =	stream.indirect.scatter.add.f32 [tilespmem:s14], [sflag:$0x3], $0x80, s1, s13, $0xb8;
	[tilespmem:$0x1D000] =	vst v63  }
0xa8: {  	_ =	swait.ge [sflag:s10], $0x4000  }
0xa9: {  	[sflag:s10] =	ssyncset.done $0x0  }
0xaa: {  	[sflag:s10] =	ssyncadd.s32 $0xFFFFC000  }
0xab: {  	_ =	swait.ge [sflag:s17], $0x4000  }
0xac: {  	[sflag:s17] =	ssyncset.done $0x0  }
0xad: {  	[sflag:s17] =	ssyncadd.s32 $0xFFFFC000  }
0xae: {  	[spmem:s2] =	stream.indirect.scatter.add.f32 [tilespmem:s15], [sflag:$0x3], $0x80, s5, s13, $0xb8;
	[tilespmem:$0x1D000] =	vst v63  }
0xaf: {  	s6 =	simm.s32 $0x200;
	_ =	swait.ge [sflag:s10], $0x4000  }
0xb0: {  	s8 =	simm.s32 $0x100;
	s9 =	rddreg [dreg:$0x4];
	[sflag:s10] =	ssyncset.done $0x0  }
.LBB2_2:
0xb1: {  	[sflag:s10] =	ssyncadd.s32 $0xFFFFC000;
	s9 =	sadd.s32 s8, s9  }
0xb2: {  	[tilespmem:s11], [sflag:$0x3] =	stream.linear.gather [hbm4b:s9+s3], $0x800, $0x38;
	[tilespmem:$0x1D000] =	vst v63  }
0xb3: {  	_ =	swait.ge [sflag:s10], $0x800  }
0xb4: {  	s9 =	rddreg [dreg:$0x3];
	[sflag:s10] =	ssyncset.done $0x0  }
0xb5: {  	[sflag:s10] =	ssyncadd.s32 $0xFFFFF800;
	s9 =	sadd.s32 s8, s9  }
0xb6: {  	[tilespmem:s12], [sflag:$0x3] =	stream.linear.gather [hbm4b:s9+s3], $0x800, $0x38;
	[tilespmem:$0x1D000] =	vst v63  }
0xb7: {  	_ =	swait.ge [sflag:s10], $0x800  }
0xb8: {  	[sflag:s10] =	ssyncset.done $0x0  }
0xb9: {  	[sflag:s10] =	ssyncadd.s32 $0xFFFFF800  }
0xba: {  	[tilespmem:s14], [sflag:$0x1] =	stream.indirect.gather [hbm4b:s4+s13], $0x80, s11, s13, $0xb8;
	[tilespmem:$0x1D000] =	vst v63  }
0xbb: {  	s9 =	rddreg [dreg:$0x5]  }
0xbc: {  	[tilespmem:s15], [sflag:$0x2] =	stream.indirect.gather [hbm4b:s4+s13], $0x80, s9, s13, $0xb8;
	[tilespmem:$0x1D000] =	vst v63  }
0xbd: {  	_ =	swait.ge [sflag:s16], $0x4000  }
0xbe: {  	[sflag:s16] =	ssyncset.done $0x0  }
0xbf: {  	[sflag:s16] =	ssyncadd.s32 $0xFFFFC000  }
0xc0: {  	[spmem:s2] =	stream.indirect.scatter.add.f32 [tilespmem:s14], [sflag:$0x3], $0x80, s12, s13, $0xb8;
	[tilespmem:$0x1D000] =	vst v63  }
0xc1: {  	_ =	swait.ge [sflag:s10], $0x4000  }
0xc2: {  	[sflag:s10] =	ssyncset.done $0x0  }
0xc3: {  	s9 =	rddreg [dreg:$0x6];
	[sflag:s10] =	ssyncadd.s32 $0xFFFFC000  }
0xc4: {  	[tilespmem:s14], [sflag:$0x1] =	stream.indirect.gather [hbm4b:s4+s13], $0x80, s9, s13, $0xb8;
	[tilespmem:$0x1D000] =	vst v63  }
0xc5: {  	_ =	swait.ge [sflag:s17], $0x4000  }
0xc6: {  	[sflag:s17] =	ssyncset.done $0x0  }
0xc7: {  	s9 =	rddreg [dreg:$0x7];
	[sflag:s17] =	ssyncadd.s32 $0xFFFFC000  }
0xc8: {  	[spmem:s2] =	stream.indirect.scatter.add.f32 [tilespmem:s15], [sflag:$0x3], $0x80, s9, s13, $0xb8;
	[tilespmem:$0x1D000] =	vst v63  }
0xc9: {  	_ =	swait.ge [sflag:s10], $0x4000  }
0xca: {  	[sflag:s10] =	ssyncset.done $0x0  }
0xcb: {  	s9 =	rddreg [dreg:$0x8];
	[sflag:s10] =	ssyncadd.s32 $0xFFFFC000  }
0xcc: {  	[tilespmem:s15], [sflag:$0x2] =	stream.indirect.gather [hbm4b:s4+s13], $0x80, s9, s13, $0xb8;
	[tilespmem:$0x1D000] =	vst v63  }
0xcd: {  	_ =	swait.ge [sflag:s16], $0x4000  }
0xce: {  	[sflag:s16] =	ssyncset.done $0x0  }
0xcf: {  	s9 =	rddreg [dreg:$0x9];
	[sflag:s16] =	ssyncadd.s32 $0xFFFFC000  }
0xd0: {  	[spmem:s2] =	stream.indirect.scatter.add.f32 [tilespmem:s14], [sflag:$0x3], $0x80, s9, s13, $0xb8;
	[tilespmem:$0x1D000] =	vst v63  }
0xd1: {  	_ =	swait.ge [sflag:s10], $0x4000  }
0xd2: {  	[sflag:s10] =	ssyncset.done $0x0  }
0xd3: {  	s9 =	rddreg [dreg:$0xa];
	[sflag:s10] =	ssyncadd.s32 $0xFFFFC000  }
0xd4: {  	[tilespmem:s14], [sflag:$0x1] =	stream.indirect.gather [hbm4b:s4+s13], $0x80, s9, s13, $0xb8;
	[tilespmem:$0x1D000] =	vst v63  }
0xd5: {  	_ =	swait.ge [sflag:s17], $0x4000  }
0xd6: {  	[sflag:s17] =	ssyncset.done $0x0  }
0xd7: {  	s9 =	rddreg [dreg:$0xb];
	[sflag:s17] =	ssyncadd.s32 $0xFFFFC000  }
0xd8: {  	[spmem:s2] =	stream.indirect.scatter.add.f32 [tilespmem:s15], [sflag:$0x3], $0x80, s9, s13, $0xb8;
	[tilespmem:$0x1D000] =	vst v63  }
0xd9: {  	_ =	swait.ge [sflag:s10], $0x4000  }
0xda: {  	[sflag:s10] =	ssyncset.done $0x0  }
0xdb: {  	s9 =	rddreg [dreg:$0xc];
	[sflag:s10] =	ssyncadd.s32 $0xFFFFC000  }
0xdc: {  	[tilespmem:s15], [sflag:$0x2] =	stream.indirect.gather [hbm4b:s4+s13], $0x80, s9, s13, $0xb8;
	[tilespmem:$0x1D000] =	vst v63  }
0xdd: {  	_ =	swait.ge [sflag:s16], $0x4000  }
0xde: {  	[sflag:s16] =	ssyncset.done $0x0  }
0xdf: {  	s9 =	rddreg [dreg:$0xd];
	[sflag:s16] =	ssyncadd.s32 $0xFFFFC000  }
0xe0: {  	[spmem:s2] =	stream.indirect.scatter.add.f32 [tilespmem:s14], [sflag:$0x3], $0x80, s9, s13, $0xb8;
	[tilespmem:$0x1D000] =	vst v63  }
0xe1: {  	_ =	swait.ge [sflag:s10], $0x4000  }
0xe2: {  	[sflag:s10] =	ssyncset.done $0x0  }
0xe3: {  	s9 =	rddreg [dreg:$0xe];
	[sflag:s10] =	ssyncadd.s32 $0xFFFFC000  }
0xe4: {  	[tilespmem:s14], [sflag:$0x1] =	stream.indirect.gather [hbm4b:s4+s13], $0x80, s9, s13, $0xb8;
	[tilespmem:$0x1D000] =	vst v63  }
0xe5: {  	_ =	swait.ge [sflag:s17], $0x4000  }
0xe6: {  	[sflag:s17] =	ssyncset.done $0x0  }
0xe7: {  	s9 =	rddreg [dreg:$0xf];
	[sflag:s17] =	ssyncadd.s32 $0xFFFFC000  }
0xe8: {  	[spmem:s2] =	stream.indirect.scatter.add.f32 [tilespmem:s15], [sflag:$0x3], $0x80, s9, s13, $0xb8;
	[tilespmem:$0x1D000] =	vst v63  }
0xe9: {  	_ =	swait.ge [sflag:s10], $0x4000  }
0xea: {  	[sflag:s10] =	ssyncset.done $0x0  }
0xeb: {  	s9 =	rddreg [dreg:$0x10];
	[sflag:s10] =	ssyncadd.s32 $0xFFFFC000  }
0xec: {  	[tilespmem:s15], [sflag:$0x2] =	stream.indirect.gather [hbm4b:s4+s13], $0x80, s9, s13, $0xb8;
	[tilespmem:$0x1D000] =	vst v63  }
0xed: {  	_ =	swait.ge [sflag:s16], $0x4000  }
0xee: {  	[sflag:s16] =	ssyncset.done $0x0  }
0xef: {  	s9 =	rddreg [dreg:$0x11];
	[sflag:s16] =	ssyncadd.s32 $0xFFFFC000  }
0xf0: {  	[spmem:s2] =	stream.indirect.scatter.add.f32 [tilespmem:s14], [sflag:$0x3], $0x80, s9, s13, $0xb8;
	[tilespmem:$0x1D000] =	vst v63  }
0xf1: {  	_ =	swait.ge [sflag:s10], $0x4000  }
0xf2: {  	[sflag:s10] =	ssyncset.done $0x0  }
0xf3: {  	s9 =	rddreg [dreg:$0x12];
	[sflag:s10] =	ssyncadd.s32 $0xFFFFC000  }
0xf4: {  	[tilespmem:s14], [sflag:$0x1] =	stream.indirect.gather [hbm4b:s4+s13], $0x80, s9, s13, $0xb8;
	[tilespmem:$0x1D000] =	vst v63  }
0xf5: {  	_ =	swait.ge [sflag:s17], $0x4000  }
0xf6: {  	[sflag:s17] =	ssyncset.done $0x0  }
0xf7: {  	[sflag:s17] =	ssyncadd.s32 $0xFFFFC000  }
0xf8: {  	[spmem:s2] =	stream.indirect.scatter.add.f32 [tilespmem:s15], [sflag:$0x3], $0x80, s18, s13, $0xb8;
	[tilespmem:$0x1D000] =	vst v63  }
0xf9: {  	_ =	swait.ge [sflag:s10], $0x4000  }
0xfa: {  	[sflag:s10] =	ssyncset.done $0x0  }
0xfb: {  	[sflag:s10] =	ssyncadd.s32 $0xFFFFC000  }
0xfc: {  	[tilespmem:s15], [sflag:$0x2] =	stream.indirect.gather [hbm4b:s4+s13], $0x80, s19, s13, $0xb8;
	[tilespmem:$0x1D000] =	vst v63  }
0xfd: {  	_ =	swait.ge [sflag:s16], $0x4000  }
0xfe: {  	[sflag:s16] =	ssyncset.done $0x0  }
0xff: {  	[sflag:s16] =	ssyncadd.s32 $0xFFFFC000  }
0x100: {  	[spmem:s2] =	stream.indirect.scatter.add.f32 [tilespmem:s14], [sflag:$0x3], $0x80, s20, s13, $0xb8;
	[tilespmem:$0x1D000] =	vst v63  }
0x101: {  	_ =	swait.ge [sflag:s10], $0x4000  }
0x102: {  	[sflag:s10] =	ssyncset.done $0x0  }
0x103: {  	[sflag:s10] =	ssyncadd.s32 $0xFFFFC000  }
0x104: {  	[tilespmem:s14], [sflag:$0x1] =	stream.indirect.gather [hbm4b:s4+s13], $0x80, s21, s13, $0xb8;
	[tilespmem:$0x1D000] =	vst v63  }
0x105: {  	_ =	swait.ge [sflag:s17], $0x4000  }
0x106: {  	[sflag:s17] =	ssyncset.done $0x0  }
0x107: {  	[sflag:s17] =	ssyncadd.s32 $0xFFFFC000  }
0x108: {  	[spmem:s2] =	stream.indirect.scatter.add.f32 [tilespmem:s15], [sflag:$0x3], $0x80, s22, s13, $0xb8;
	[tilespmem:$0x1D000] =	vst v63  }
0x109: {  	_ =	swait.ge [sflag:s10], $0x4000  }
0x10a: {  	[sflag:s10] =	ssyncset.done $0x0  }
0x10b: {  	[sflag:s10] =	ssyncadd.s32 $0xFFFFC000  }
0x10c: {  	[tilespmem:s15], [sflag:$0x2] =	stream.indirect.gather [hbm4b:s4+s13], $0x80, s23, s13, $0xb8;
	[tilespmem:$0x1D000] =	vst v63  }
0x10d: {  	_ =	swait.ge [sflag:s16], $0x4000  }
0x10e: {  	[sflag:s16] =	ssyncset.done $0x0  }
0x10f: {  	[sflag:s16] =	ssyncadd.s32 $0xFFFFC000  }
0x110: {  	[spmem:s2] =	stream.indirect.scatter.add.f32 [tilespmem:s14], [sflag:$0x3], $0x80, s24, s13, $0xb8;
	[tilespmem:$0x1D000] =	vst v63  }
0x111: {  	_ =	swait.ge [sflag:s10], $0x4000  }
0x112: {  	[sflag:s10] =	ssyncset.done $0x0  }
0x113: {  	[sflag:s10] =	ssyncadd.s32 $0xFFFFC000  }
0x114: {  	[tilespmem:s14], [sflag:$0x1] =	stream.indirect.gather [hbm4b:s4+s13], $0x80, s25, s13, $0xb8;
	[tilespmem:$0x1D000] =	vst v63  }
0x115: {  	_ =	swait.ge [sflag:s17], $0x4000  }
0x116: {  	[sflag:s17] =	ssyncset.done $0x0  }
0x117: {  	[sflag:s17] =	ssyncadd.s32 $0xFFFFC000  }
0x118: {  	[spmem:s2] =	stream.indirect.scatter.add.f32 [tilespmem:s15], [sflag:$0x3], $0x80, s26, s13, $0xb8;
	[tilespmem:$0x1D000] =	vst v63  }
0x119: {  	_ =	swait.ge [sflag:s10], $0x4000  }
0x11a: {  	[sflag:s10] =	ssyncset.done $0x0  }
0x11b: {  	[sflag:s10] =	ssyncadd.s32 $0xFFFFC000  }
0x11c: {  	[tilespmem:s15], [sflag:$0x2] =	stream.indirect.gather [hbm4b:s4+s13], $0x80, s28, s13, $0xb8;
	[tilespmem:$0x1D000] =	vst v63  }
0x11d: {  	_ =	swait.ge [sflag:s16], $0x4000  }
0x11e: {  	[sflag:s16] =	ssyncset.done $0x0  }
0x11f: {  	[sflag:s16] =	ssyncadd.s32 $0xFFFFC000  }
0x120: {  	[spmem:s2] =	stream.indirect.scatter.add.f32 [tilespmem:s14], [sflag:$0x3], $0x80, s29, s13, $0xb8;
	[tilespmem:$0x1D000] =	vst v63  }
0x121: {  	_ =	swait.ge [sflag:s10], $0x4000  }
0x122: {  	[sflag:s10] =	ssyncset.done $0x0  }
0x123: {  	[sflag:s10] =	ssyncadd.s32 $0xFFFFC000  }
0x124: {  	[tilespmem:s14], [sflag:$0x1] =	stream.indirect.gather [hbm4b:s4+s13], $0x80, s30, s13, $0xb8;
	[tilespmem:$0x1D000] =	vst v63  }
0x125: {  	_ =	swait.ge [sflag:s17], $0x4000  }
0x126: {  	[sflag:s17] =	ssyncset.done $0x0  }
0x127: {  	[sflag:s17] =	ssyncadd.s32 $0xFFFFC000  }
0x128: {  	[spmem:s2] =	stream.indirect.scatter.add.f32 [tilespmem:s15], [sflag:$0x3], $0x80, s31, s13, $0xb8;
	[tilespmem:$0x1D000] =	vst v63  }
0x129: {  	_ =	swait.ge [sflag:s10], $0x4000  }
0x12a: {  	[sflag:s10] =	ssyncset.done $0x0  }
0x12b: {  	[sflag:s10] =	ssyncadd.s32 $0xFFFFC000  }
0x12c: {  	[tilespmem:s15], [sflag:$0x2] =	stream.indirect.gather [hbm4b:s4+s13], $0x80, s0, s13, $0xb8;
	[tilespmem:$0x1D000] =	vst v63  }
0x12d: {  	_ =	swait.ge [sflag:s16], $0x4000  }
0x12e: {  	[sflag:s16] =	ssyncset.done $0x0  }
0x12f: {  	[sflag:s16] =	ssyncadd.s32 $0xFFFFC000  }
0x130: {  	[spmem:s2] =	stream.indirect.scatter.add.f32 [tilespmem:s14], [sflag:$0x3], $0x80, s1, s13, $0xb8;
	[tilespmem:$0x1D000] =	vst v63  }
0x131: {  	_ =	swait.ge [sflag:s10], $0x4000  }
0x132: {  	[sflag:s10] =	ssyncset.done $0x0  }
0x133: {  	[sflag:s10] =	ssyncadd.s32 $0xFFFFC000  }
0x134: {  	p0 =	sne.s32 s6, $0x400;
	_ =	swait.ge [sflag:s17], $0x4000  }
.Ltmp0:
0x135: {  	[sflag:s17] =	ssyncset.done $0x0;
	(pc) =	sbr.rel @p0 .LBB2_2-.Ltmp0, $4  }
0x136: {  	[sflag:s17] =	ssyncadd.s32 $0xFFFFC000  }
0x137: {  	[spmem:s2] =	stream.indirect.scatter.add.f32 [tilespmem:s15], [sflag:$0x3], $0x80, s5, s13, $0xb8;
	[tilespmem:$0x1D000] =	vst v63  }
0x138: {  	s7 =	smov.u32 s6;
	s6 =	sadd.s32 $0x100, s6;
	_ =	swait.ge [sflag:s10], $0x4000  }
0x139: {  	s8 =	smov.u32 s7;
	s9 =	rddreg [dreg:$0x4];
	[sflag:s10] =	ssyncset.done $0x0  }
0x13a: {  	[sflag:s10] =	ssyncadd.s32 $0xFFFFC000;
	s6 =	sadd.s32 s8, s9  }
0x13b: {  	[tilespmem:s11], [sflag:$0x3] =	stream.linear.gather [hbm4b:s6+s3], $0x800, $0x38;
	[tilespmem:$0x1D000] =	vst v63  }
0x13c: {  	_ =	swait.ge [sflag:s10], $0x800  }
0x13d: {  	s9 =	rddreg [dreg:$0x3];
	[sflag:s10] =	ssyncset.done $0x0  }
0x13e: {  	s6 =	sadd.s32 s8, s9;
	[sflag:s10] =	ssyncadd.s32 $0xFFFFF800  }
0x13f: {  	[tilespmem:s12], [sflag:$0x3] =	stream.linear.gather [hbm4b:s6+s3], $0x800, $0x38;
	[tilespmem:$0x1D000] =	vst v63  }
0x140: {  	_ =	swait.ge [sflag:s10], $0x800  }
0x141: {  	[sflag:s10] =	ssyncset.done $0x0  }
0x142: {  	[sflag:s10] =	ssyncadd.s32 $0xFFFFF800  }
0x143: {  	[tilespmem:s14], [sflag:$0x1] =	stream.indirect.gather [hbm4b:s4+s13], $0x80, s11, s13, $0xb8;
	[tilespmem:$0x1D000] =	vst v63  }
0x144: {  	s7 =	rddreg [dreg:$0x5]  }
0x145: {  	[tilespmem:s15], [sflag:$0x2] =	stream.indirect.gather [hbm4b:s4+s13], $0x80, s7, s13, $0xb8;
	[tilespmem:$0x1D000] =	vst v63  }
0x146: {  	_ =	swait.ge [sflag:s16], $0x4000  }
0x147: {  	[sflag:s16] =	ssyncset.done $0x0  }
0x148: {  	[sflag:s16] =	ssyncadd.s32 $0xFFFFC000  }
0x149: {  	[spmem:s2] =	stream.indirect.scatter.add.f32 [tilespmem:s14], [sflag:$0x3], $0x80, s12, s13, $0xb8;
	[tilespmem:$0x1D000] =	vst v63  }
0x14a: {  	_ =	swait.ge [sflag:s10], $0x4000  }
0x14b: {  	[sflag:s10] =	ssyncset.done $0x0  }
0x14c: {  	s8 =	rddreg [dreg:$0x6];
	[sflag:s10] =	ssyncadd.s32 $0xFFFFC000  }
0x14d: {  	[tilespmem:s14], [sflag:$0x1] =	stream.indirect.gather [hbm4b:s4+s13], $0x80, s8, s13, $0xb8;
	[tilespmem:$0x1D000] =	vst v63  }
0x14e: {  	_ =	swait.ge [sflag:s17], $0x4000  }
0x14f: {  	[sflag:s17] =	ssyncset.done $0x0  }
0x150: {  	s9 =	rddreg [dreg:$0x7];
	[sflag:s17] =	ssyncadd.s32 $0xFFFFC000  }
0x151: {  	[spmem:s2] =	stream.indirect.scatter.add.f32 [tilespmem:s15], [sflag:$0x3], $0x80, s9, s13, $0xb8;
	[tilespmem:$0x1D000] =	vst v63  }
0x152: {  	_ =	swait.ge [sflag:s10], $0x4000  }
0x153: {  	[sflag:s10] =	ssyncset.done $0x0  }
0x154: {  	s7 =	rddreg [dreg:$0x8];
	[sflag:s10] =	ssyncadd.s32 $0xFFFFC000  }
0x155: {  	[tilespmem:s15], [sflag:$0x2] =	stream.indirect.gather [hbm4b:s4+s13], $0x80, s7, s13, $0xb8;
	[tilespmem:$0x1D000] =	vst v63  }
0x156: {  	_ =	swait.ge [sflag:s16], $0x4000  }
0x157: {  	[sflag:s16] =	ssyncset.done $0x0  }
0x158: {  	s8 =	rddreg [dreg:$0x9];
	[sflag:s16] =	ssyncadd.s32 $0xFFFFC000  }
0x159: {  	[spmem:s2] =	stream.indirect.scatter.add.f32 [tilespmem:s14], [sflag:$0x3], $0x80, s8, s13, $0xb8;
	[tilespmem:$0x1D000] =	vst v63  }
0x15a: {  	_ =	swait.ge [sflag:s10], $0x4000  }
0x15b: {  	[sflag:s10] =	ssyncset.done $0x0  }
0x15c: {  	s9 =	rddreg [dreg:$0xa];
	[sflag:s10] =	ssyncadd.s32 $0xFFFFC000  }
0x15d: {  	[tilespmem:s14], [sflag:$0x1] =	stream.indirect.gather [hbm4b:s4+s13], $0x80, s9, s13, $0xb8;
	[tilespmem:$0x1D000] =	vst v63  }
0x15e: {  	_ =	swait.ge [sflag:s17], $0x4000  }
0x15f: {  	[sflag:s17] =	ssyncset.done $0x0  }
0x160: {  	s7 =	rddreg [dreg:$0xb];
	[sflag:s17] =	ssyncadd.s32 $0xFFFFC000  }
0x161: {  	[spmem:s2] =	stream.indirect.scatter.add.f32 [tilespmem:s15], [sflag:$0x3], $0x80, s7, s13, $0xb8;
	[tilespmem:$0x1D000] =	vst v63  }
0x162: {  	_ =	swait.ge [sflag:s10], $0x4000  }
0x163: {  	[sflag:s10] =	ssyncset.done $0x0  }
0x164: {  	s8 =	rddreg [dreg:$0xc];
	[sflag:s10] =	ssyncadd.s32 $0xFFFFC000  }
0x165: {  	[tilespmem:s15], [sflag:$0x2] =	stream.indirect.gather [hbm4b:s4+s13], $0x80, s8, s13, $0xb8;
	[tilespmem:$0x1D000] =	vst v63  }
0x166: {  	_ =	swait.ge [sflag:s16], $0x4000  }
0x167: {  	[sflag:s16] =	ssyncset.done $0x0  }
0x168: {  	s9 =	rddreg [dreg:$0xd];
	[sflag:s16] =	ssyncadd.s32 $0xFFFFC000  }
0x169: {  	[spmem:s2] =	stream.indirect.scatter.add.f32 [tilespmem:s14], [sflag:$0x3], $0x80, s9, s13, $0xb8;
	[tilespmem:$0x1D000] =	vst v63  }
0x16a: {  	_ =	swait.ge [sflag:s10], $0x4000  }
0x16b: {  	[sflag:s10] =	ssyncset.done $0x0  }
0x16c: {  	s7 =	rddreg [dreg:$0xe];
	[sflag:s10] =	ssyncadd.s32 $0xFFFFC000  }
0x16d: {  	[tilespmem:s14], [sflag:$0x1] =	stream.indirect.gather [hbm4b:s4+s13], $0x80, s7, s13, $0xb8;
	[tilespmem:$0x1D000] =	vst v63  }
0x16e: {  	_ =	swait.ge [sflag:s17], $0x4000  }
0x16f: {  	[sflag:s17] =	ssyncset.done $0x0  }
0x170: {  	s8 =	rddreg [dreg:$0xf];
	[sflag:s17] =	ssyncadd.s32 $0xFFFFC000  }
0x171: {  	[spmem:s2] =	stream.indirect.scatter.add.f32 [tilespmem:s15], [sflag:$0x3], $0x80, s8, s13, $0xb8;
	[tilespmem:$0x1D000] =	vst v63  }
0x172: {  	_ =	swait.ge [sflag:s10], $0x4000  }
0x173: {  	[sflag:s10] =	ssyncset.done $0x0  }
0x174: {  	s9 =	rddreg [dreg:$0x10];
	[sflag:s10] =	ssyncadd.s32 $0xFFFFC000  }
0x175: {  	[tilespmem:s15], [sflag:$0x2] =	stream.indirect.gather [hbm4b:s4+s13], $0x80, s9, s13, $0xb8;
	[tilespmem:$0x1D000] =	vst v63  }
0x176: {  	_ =	swait.ge [sflag:s16], $0x4000  }
0x177: {  	[sflag:s16] =	ssyncset.done $0x0  }
0x178: {  	s7 =	rddreg [dreg:$0x11];
	[sflag:s16] =	ssyncadd.s32 $0xFFFFC000  }
0x179: {  	[spmem:s2] =	stream.indirect.scatter.add.f32 [tilespmem:s14], [sflag:$0x3], $0x80, s7, s13, $0xb8;
	[tilespmem:$0x1D000] =	vst v63  }
0x17a: {  	_ =	swait.ge [sflag:s10], $0x4000  }
0x17b: {  	[sflag:s10] =	ssyncset.done $0x0  }
0x17c: {  	s8 =	rddreg [dreg:$0x12];
	[sflag:s10] =	ssyncadd.s32 $0xFFFFC000  }
0x17d: {  	[tilespmem:s14], [sflag:$0x1] =	stream.indirect.gather [hbm4b:s4+s13], $0x80, s8, s13, $0xb8;
	[tilespmem:$0x1D000] =	vst v63  }
0x17e: {  	_ =	swait.ge [sflag:s17], $0x4000  }
0x17f: {  	[sflag:s17] =	ssyncset.done $0x0  }
0x180: {  	[sflag:s17] =	ssyncadd.s32 $0xFFFFC000  }
0x181: {  	[spmem:s2] =	stream.indirect.scatter.add.f32 [tilespmem:s15], [sflag:$0x3], $0x80, s18, s13, $0xb8;
	[tilespmem:$0x1D000] =	vst v63  }
0x182: {  	_ =	swait.ge [sflag:s10], $0x4000  }
0x183: {  	[sflag:s10] =	ssyncset.done $0x0  }
0x184: {  	[sflag:s10] =	ssyncadd.s32 $0xFFFFC000  }
0x185: {  	[tilespmem:s15], [sflag:$0x2] =	stream.indirect.gather [hbm4b:s4+s13], $0x80, s19, s13, $0xb8;
	[tilespmem:$0x1D000] =	vst v63  }
0x186: {  	_ =	swait.ge [sflag:s16], $0x4000  }
0x187: {  	[sflag:s16] =	ssyncset.done $0x0  }
0x188: {  	[sflag:s16] =	ssyncadd.s32 $0xFFFFC000  }
0x189: {  	[spmem:s2] =	stream.indirect.scatter.add.f32 [tilespmem:s14], [sflag:$0x3], $0x80, s20, s13, $0xb8;
	[tilespmem:$0x1D000] =	vst v63  }
0x18a: {  	_ =	swait.ge [sflag:s10], $0x4000  }
0x18b: {  	[sflag:s10] =	ssyncset.done $0x0  }
0x18c: {  	[sflag:s10] =	ssyncadd.s32 $0xFFFFC000  }
0x18d: {  	[tilespmem:s14], [sflag:$0x1] =	stream.indirect.gather [hbm4b:s4+s13], $0x80, s21, s13, $0xb8;
	[tilespmem:$0x1D000] =	vst v63  }
0x18e: {  	_ =	swait.ge [sflag:s17], $0x4000  }
0x18f: {  	[sflag:s17] =	ssyncset.done $0x0  }
0x190: {  	[sflag:s17] =	ssyncadd.s32 $0xFFFFC000  }
0x191: {  	[spmem:s2] =	stream.indirect.scatter.add.f32 [tilespmem:s15], [sflag:$0x3], $0x80, s22, s13, $0xb8;
	[tilespmem:$0x1D000] =	vst v63  }
0x192: {  	_ =	swait.ge [sflag:s10], $0x4000  }
0x193: {  	[sflag:s10] =	ssyncset.done $0x0  }
0x194: {  	[sflag:s10] =	ssyncadd.s32 $0xFFFFC000  }
0x195: {  	[tilespmem:s15], [sflag:$0x2] =	stream.indirect.gather [hbm4b:s4+s13], $0x80, s23, s13, $0xb8;
	[tilespmem:$0x1D000] =	vst v63  }
0x196: {  	_ =	swait.ge [sflag:s16], $0x4000  }
0x197: {  	[sflag:s16] =	ssyncset.done $0x0  }
0x198: {  	[sflag:s16] =	ssyncadd.s32 $0xFFFFC000  }
0x199: {  	[spmem:s2] =	stream.indirect.scatter.add.f32 [tilespmem:s14], [sflag:$0x3], $0x80, s24, s13, $0xb8;
	[tilespmem:$0x1D000] =	vst v63  }
0x19a: {  	_ =	swait.ge [sflag:s10], $0x4000  }
0x19b: {  	[sflag:s10] =	ssyncset.done $0x0  }
0x19c: {  	[sflag:s10] =	ssyncadd.s32 $0xFFFFC000  }
0x19d: {  	[tilespmem:s14], [sflag:$0x1] =	stream.indirect.gather [hbm4b:s4+s13], $0x80, s25, s13, $0xb8;
	[tilespmem:$0x1D000] =	vst v63  }
0x19e: {  	_ =	swait.ge [sflag:s17], $0x4000  }
0x19f: {  	[sflag:s17] =	ssyncset.done $0x0  }
0x1a0: {  	[sflag:s17] =	ssyncadd.s32 $0xFFFFC000  }
0x1a1: {  	[spmem:s2] =	stream.indirect.scatter.add.f32 [tilespmem:s15], [sflag:$0x3], $0x80, s26, s13, $0xb8;
	[tilespmem:$0x1D000] =	vst v63  }
0x1a2: {  	_ =	swait.ge [sflag:s10], $0x4000  }
0x1a3: {  	[sflag:s10] =	ssyncset.done $0x0  }
0x1a4: {  	[sflag:s10] =	ssyncadd.s32 $0xFFFFC000  }
0x1a5: {  	[tilespmem:s15], [sflag:$0x2] =	stream.indirect.gather [hbm4b:s4+s13], $0x80, s28, s13, $0xb8;
	[tilespmem:$0x1D000] =	vst v63  }
0x1a6: {  	_ =	swait.ge [sflag:s16], $0x4000  }
0x1a7: {  	[sflag:s16] =	ssyncset.done $0x0  }
0x1a8: {  	[sflag:s16] =	ssyncadd.s32 $0xFFFFC000  }
0x1a9: {  	[spmem:s2] =	stream.indirect.scatter.add.f32 [tilespmem:s14], [sflag:$0x3], $0x80, s29, s13, $0xb8;
	[tilespmem:$0x1D000] =	vst v63  }
0x1aa: {  	_ =	swait.ge [sflag:s10], $0x4000  }
0x1ab: {  	[sflag:s10] =	ssyncset.done $0x0  }
0x1ac: {  	[sflag:s10] =	ssyncadd.s32 $0xFFFFC000  }
0x1ad: {  	[tilespmem:s14], [sflag:$0x1] =	stream.indirect.gather [hbm4b:s4+s13], $0x80, s30, s13, $0xb8;
	[tilespmem:$0x1D000] =	vst v63  }
0x1ae: {  	_ =	swait.ge [sflag:s17], $0x4000  }
0x1af: {  	[sflag:s17] =	ssyncset.done $0x0  }
0x1b0: {  	[sflag:s17] =	ssyncadd.s32 $0xFFFFC000  }
0x1b1: {  	[spmem:s2] =	stream.indirect.scatter.add.f32 [tilespmem:s15], [sflag:$0x3], $0x80, s31, s13, $0xb8;
	[tilespmem:$0x1D000] =	vst v63  }
0x1b2: {  	_ =	swait.ge [sflag:s10], $0x4000  }
0x1b3: {  	[sflag:s10] =	ssyncset.done $0x0  }
0x1b4: {  	[sflag:s10] =	ssyncadd.s32 $0xFFFFC000  }
0x1b5: {  	[tilespmem:s15], [sflag:$0x2] =	stream.indirect.gather [hbm4b:s4+s13], $0x80, s0, s13, $0xb8;
	[tilespmem:$0x1D000] =	vst v63  }
0x1b6: {  	_ =	swait.ge [sflag:s16], $0x4000  }
0x1b7: {  	[sflag:s16] =	ssyncset.done $0x0  }
0x1b8: {  	[sflag:s16] =	ssyncadd.s32 $0xFFFFC000  }
0x1b9: {  	[spmem:s2] =	stream.indirect.scatter.add.f32 [tilespmem:s14], [sflag:$0x3], $0x80, s1, s13, $0xb8;
	[tilespmem:$0x1D000] =	vst v63  }
0x1ba: {  	_ =	swait.ge [sflag:s10], $0x4000  }
0x1bb: {  	[sflag:s10] =	ssyncset.done $0x0  }
0x1bc: {  	[sflag:s10] =	ssyncadd.s32 $0xFFFFC000  }
0x1bd: {  	_ =	swait.ge [sflag:s17], $0x4000  }
0x1be: {  	[sflag:s17] =	ssyncset.done $0x0  }
0x1bf: {  	[sflag:s17] =	ssyncadd.s32 $0xFFFFC000  }
0x1c0: {  	[spmem:s2] =	stream.indirect.scatter.add.f32 [tilespmem:s15], [sflag:$0x3], $0x80, s5, s13, $0xb8;
	[tilespmem:$0x1D000] =	vst v63  }
0x1c1: {  	_ =	swait.ge [sflag:s10], $0x4000  }
0x1c2: {  	[sflag:s10] =	ssyncset.done $0x0  }
0x1c3: {  	[sflag:s10] =	ssyncadd.s32 $0xFFFFC000  }
0x1c4: {  	[bflag:$0x0] =	sbarrier.arrive $0xFFFF  }
0x1c5: {  	s7 =	rddreg [dreg:$0x14]  }
0x1c6: {  	s9 =	rddreg [dreg:$0x15]  }
0x1c7: {  	s8 =	rddreg [dreg:$0x17]  }
0x1c8: {  	[hbm:s9], [sflag:s7] =	dma.local [spmem:s8], $0x2800  }
0x1c9: {  	_ =	swait.ge [sflag:s10], $0x2800  }
0x1ca: {  	s6 =	rddreg [dreg:$0x18]  }
0x1cb: {  	s9 =	sadd.s32 $0x1, s6;
	s6 =	rddreg [dreg:$0x16]  }
0x1cc: {  	p0 =	sne.s32 s9, s6  }
.Ltmp1:
0x1cd: {  	_ = 	snop;
	(pc) =	sbr.rel @p0 .LBB2_1-.Ltmp1, $3  }
0x1ce: {  	_ =	sdelay $0x1  }
0x1cf: {  	[sflag:s10] =	ssyncset.done $0x0  }
0x1d0: {  	[sflag:s10] =	ssyncadd.s32 $0xFFFFD800  }
0x1d1: {  	_ =	sfence.sel $0x180000  }
0x1d2: {  	[bflag:$0x0] =	sbarrier.arrive $0xFFFF  }
0x1d3: {  	_ =	strace $0x9000004D  }
0x1d4: {  	s0 =	stileid.u32;
	[bflag:$0x2] =	sbarrier.arrive $0xFFFF  }
0x1d5: {  	p0 =	sne.s32 s0, $0x0;
	s0 =	rddreg [dreg:$0x2]  }
0x1d6: {  	s0 =	sadd.s32 @!p0 $0x100000, s0  }
0x1d7: {  	[sflag:s0] =	ssyncadd.tile.s32 @!p0 $0x1;
	_ =	shalt  }
.Lfunc_end2:
_tile_overlayer_lowered:
.L_overlay_start_2:
0x1d8: {  	(tag) =	ssettag $0x2  }
0x1d9: {  	s0 =	rddreg [dreg:$0x0];
	s2 =	stileid.u32  }
0x1da: {  	s1 =	rddreg [dreg:$0x1];
	p0 =	sne.s32 s2, $0x0  }
0x1db: {  	s3 =	rddreg [dreg:$0x2];
	[bflag:$0x3] =	sbarrier.arrive $0xFFFF;
	s2 =	simm.s32 @!p0 $0x1C03  }
0x1dc: {  	[timem:s3], [sflag:s2] =	dma.local @!p0 [hbm:s0], s1  }
0x1dd: {  	s0 =	simm.s32 @!p0 $0x3  }
0x1de: {  	_ =	swait.ge @!p0 [sflag:s0], s1  }
0x1df: {  	s1 =	ssub.s32 @!p0 $0x0, s1;
	[sflag:s0] =	ssyncset.done @!p0 $0x0  }
0x1e0: {  	[sflag:s0] =	ssyncadd.s32 @!p0 s1  }
0x1e1: {  	[bflag:$0x3] =	sbarrier.arrive $0xFFFF  }
0x1e2: {  	_ =	shalt  }

// kernel: kernel.18.cloned.1.call-start
scs
__scs_entry_jumppad:
0x0: {  	(pc) =	sbr.rel $0x88, $3  }
0x1: {  	(tag) =	ssettag $0x0;
	lr =	simm.s32 $0x1  }
0x2: {  	[smem:$0x3F98] =	sst lr;
	_ =	strace $0xD0000000  }
0x3: {  	_ = 	snop  }
0x4: {  	_ = 	snop  }
0x5: {  	_ = 	snop  }
0x6: {  	_ = 	snop  }
0x7: {  	_ = 	snop  }
__scs_overlays_trampoline_lowered:
0x8: {  	[smem:$0x3FA7] =	sst s0  }
0x9: {  	[smem:$0x3FA8] =	sst s1  }
0xa: {  	[smem:$0x3FA9] =	sst s2  }
0xb: {  	[smem:$0x3FAA] =	sst s3  }
0xc: {  	[smem:$0x3FAB] =	sst s4  }
0xd: {  	[smem:$0x3FAC] =	sst s5  }
0xe: {  	[smem:$0x3FAD] =	sst s6  }
0xf: {  	[smem:$0x3FAE] =	sst s7  }
0x10: {  	[smem:$0x3FAF] =	sst s8  }
0x11: {  	[smem:$0x3FB0] =	sst s9;
	s0 =	simm.s32 @!p0 $0x0  }
0x12: {  	s1 =	sld [smem:$0x3F96];
	s0 =	simm.s32 @p0 $0x1  }
0x13: {  	[smem:$0x3FB1] =	sst s0;
	s0 =	simm.s32 @!p1 $0x0  }
0x14: {  	s2 =	sld [smem:$0x3F95];
	s0 =	simm.s32 @p1 $0x1  }
0x15: {  	[smem:$0x3FB2] =	sst s0;
	s0 =	simm.s32 @!p2 $0x0  }
0x16: {  	s3 =	sld [smem:$0x3FDB];
	s0 =	simm.s32 @p2 $0x1  }
0x17: {  	s4 =	simm.s32 $0x1BF5;
	[smem:$0x3FB4] =	sst s0  }
0x18: {  	s0 =	sld [smem:$0x3F97];
	_ =	swait.ge [sflag:s4], $0x0  }
0x19: {  	s7 =	sld [smem:$0x3F98]  }
0x1a: {  	s8 =	sadd.s32 $0xFFFFE003, lr  }
0x1b: {  	s9 =	sadd.s32 $0xFFFFFEF7, lr;
	s5 =	simm.s32 $0xFFFFFFFF;
	p2 =	slt.u32 s8, $0xFFFFF086  }
0x1c: {  	p1 =	slt.u32 s9, $0xF7A;
	s5 =	simm.s32 @!p2 $0x0  }
0x1d: {  	s5 =	simm.s32 @p1 $0x1;
	p0 =	seq.s32 s7, s2  }
0x1e: {  	s7 =	smul.u32 @!p0 $0xF7A, s2;
	p2 =	seq.s32 @!p0 s5, $0x0  }
0x1f: {  	s9 =	smul.u32 $0xF7A, s1;
	s8 =	simm.s32 @!p0 $0x1BF5;
	p2 =	por !p2, p0  }
0x20: {  	[sflag:s8] =	ssyncset.s32 @!p0 $0xFFFFF086;
	s6 =	sadd.s32 @!p0 s3, s7;
	s7 =	simm.s32 @!p0 $0x108  }
0x21: {  	s3 =	sadd.s32 s3, s9;
	s6 =	sadd.s32 @!p0 $0x88, s6;
	s7 =	simm.s32 @p2 $0x1082  }
0x22: {  	[simem:s7], [sflag:s8] =	dma.local @!p0 [hbm:s6], $0xF7A  }
0x23: {  	s9 =	sor.u32 $0xD0000000, s2;
	s6 =	simm.s32 $0x108;
	_ =	swait.ge @!p0 [sflag:s8], $0x0  }
0x24: {  	s3 =	sadd.s32 $0x88, s3;
	s6 =	simm.s32 @!p1 $0x1082;
	[sflag:s4] =	ssyncset.s32 $0xFFFFF086  }
0x25: {  	[simem:s6], [sflag:s4] =	dma.local [hbm:s3], $0xF7A  }
0x26: {  	[smem:$0x3F98] =	sst s1;
	(tag) =	ssettag s2;
	_ =	strace s9  }
0x27: {  	s1 =	sld [smem:$0x3FA8]  }
0x28: {  	s2 =	sld [smem:$0x3FA9]  }
0x29: {  	s4 =	sld [smem:$0x3FAB]  }
0x2a: {  	p0 =	seq.s32 s5, $0x0;
	s5 =	sld [smem:$0x3FAC]  }
0x2b: {  	s6 =	sld [smem:$0x3FAD]  }
0x2c: {  	s7 =	sld [smem:$0x3FAE]  }
0x2d: {  	s3 =	simm.s32 $0x108;
	s8 =	sld [smem:$0x3FAF]  }
0x2e: {  	s3 =	simm.s32 @!p0 $0x1082;
	s9 =	sld [smem:$0x3FB0]  }
0x2f: {  	lr =	sadd.s32 s0, s3;
	s0 =	sld [smem:$0x3FA7]  }
0x30: {  	s3 =	sld [smem:$0x3FAA]  }
0x31: {  	[smem:$0x3FB3] =	sst s10  }
0x32: {  	s10 =	sld [smem:$0x3FB1];
	_ =	sdelay $0x3  }
0x33: {  	p0 =	seq.s32 s10, $0x1;
	s10 =	sld [smem:$0x3FB3];
	_ =	sdelay $0x3  }
0x34: {  	[smem:$0x3FB3] =	sst s10  }
0x35: {  	s10 =	sld [smem:$0x3FB2];
	_ =	sdelay $0x3  }
0x36: {  	p1 =	seq.s32 s10, $0x1;
	s10 =	sld [smem:$0x3FB3];
	_ =	sdelay $0x3  }
0x37: {  	[smem:$0x3FB3] =	sst s10  }
0x38: {  	s10 =	sld [smem:$0x3FB4]  }
0x39: {  	_ = 	snop;
	(pc) =	sbr.ind lr, $3  }
0x3a: {  	_ = 	snop  }
0x3b: {  	_ = 	snop  }
0x3c: {  	p2 =	seq.s32 s10, $0x1;
	s10 =	sld [smem:$0x3FB3]  }
0x3d: {  	_ =	shalt  }
0x3e: {  	_ =	shalt  }
0x3f: {  	_ =	shalt  }
0x40: {  	_ =	shalt  }
0x41: {  	_ =	shalt  }
0x42: {  	_ =	shalt  }
0x43: {  	_ =	shalt  }
0x44: {  	_ =	shalt  }
0x45: {  	_ =	shalt  }
0x46: {  	_ =	shalt  }
0x47: {  	_ =	shalt  }
0x48: {  	_ =	shalt  }
0x49: {  	_ =	shalt  }
0x4a: {  	_ =	shalt  }
0x4b: {  	_ =	shalt  }
0x4c: {  	_ =	shalt  }
0x4d: {  	_ =	shalt  }
0x4e: {  	_ =	shalt  }
0x4f: {  	_ =	shalt  }
0x50: {  	_ =	shalt  }
0x51: {  	_ =	shalt  }
0x52: {  	_ =	shalt  }
0x53: {  	_ =	shalt  }
0x54: {  	_ =	shalt  }
0x55: {  	_ =	shalt  }
0x56: {  	_ =	shalt  }
0x57: {  	_ =	shalt  }
0x58: {  	_ =	shalt  }
0x59: {  	_ =	shalt  }
0x5a: {  	_ =	shalt  }
0x5b: {  	_ =	shalt  }
0x5c: {  	_ =	shalt  }
0x5d: {  	_ =	shalt  }
0x5e: {  	_ =	shalt  }
0x5f: {  	_ =	shalt  }
0x60: {  	_ =	shalt  }
0x61: {  	_ =	shalt  }
0x62: {  	_ =	shalt  }
0x63: {  	_ =	shalt  }
0x64: {  	_ =	shalt  }
0x65: {  	_ =	shalt  }
0x66: {  	_ =	shalt  }
0x67: {  	_ =	shalt  }
0x68: {  	_ =	shalt  }
0x69: {  	_ =	shalt  }
0x6a: {  	_ =	shalt  }
0x6b: {  	_ =	shalt  }
0x6c: {  	_ =	shalt  }
0x6d: {  	_ =	shalt  }
0x6e: {  	_ =	shalt  }
0x6f: {  	_ =	shalt  }
0x70: {  	_ =	shalt  }
0x71: {  	_ =	shalt  }
0x72: {  	_ =	shalt  }
0x73: {  	_ =	shalt  }
0x74: {  	_ =	shalt  }
0x75: {  	_ =	shalt  }
0x76: {  	_ =	shalt  }
0x77: {  	_ =	shalt  }
0x78: {  	_ =	shalt  }
0x79: {  	_ =	shalt  }
0x7a: {  	_ =	shalt  }
0x7b: {  	_ =	shalt  }
0x7c: {  	_ =	shalt  }
0x7d: {  	_ =	shalt  }
0x7e: {  	_ =	shalt  }
0x7f: {  	_ =	shalt  }
0x80: {  	_ =	shalt  }
0x81: {  	_ =	shalt  }
0x82: {  	_ =	shalt  }
0x83: {  	_ =	shalt  }
0x84: {  	_ =	shalt  }
0x85: {  	_ =	shalt  }
0x86: {  	_ =	shalt  }
0x87: {  	_ =	shalt  }
.Lfunc_end0:
.L_simem_size_0:
called_computation.3_lowered:
.L_overlay_start_0:
0x88: {  	s2 =	sld [smem:$0x3FD9]  }
0x89: {  	s3 =	sld [smem:$0x3FFE];
	_ =	sdelay $0x1  }
0x8a: {  	s1 =	srdreg.scid  }
0x8b: {  	s0 =	sand.u32 $0x1, s1  }
0x8c: {  	s16 =	sshll.u32 s0, $0xA;
	s2 =	sadd.s32 s3, s2  }
0x8d: {  	s2 =	sadd.s32 s2, s16  }
0x8e: {  	[smem:$0x3FBF] =	sst s2  }
0x8f: {  	_ = 	snop  }
0x90: {  	(tm) =	ssettm $0x1  }
0x91: {  	s17 =	sld [smem:$0x3FFB];
	_ =	sdelay $0x3  }
0x92: {  	_ =	strace s17  }
0x93: {  	s2 =	sld [smem:$0x3FFC];
	_ =	sdelay $0x3  }
0x94: {  	_ =	strace s2  }
0x95: {  	s2 =	sld [smem:$0x3FFD];
	_ =	sdelay $0x3  }
0x96: {  	_ =	strace s2  }
0x97: {  	_ =	strace $0x8FFFFFFF  }
0x98: {  	s18 =	sld [smem:$0x3FDB];
	_ =	sdelay $0x1  }
0x99: {  	s19 =	simm.s32 $_scs_section_size  }
0x9a: {  	s4 =	simm.s32 $_size__tile_overlayer_lowered;
	s5 =	simm.s32 $_tile_overlayer_lowered  }
0x9b: {  	s22 =	simm.s32 $0x1BFF;
	s21 =	sshll.u32 s5, $0x1;
	s2 =	sadd.s32 s19, s18  }
0x9c: {  	s6 =	simm.s32 $0x0;
	s20 =	sshll.u32 s4, $0x1;
	s4 =	sadd.s32 s21, s2  }
0x9d: {  	[timem:s6], [sflag:s22] =	dma.local [hbm:s4], s20  }
0x9e: {  	_ =	swait.ge [sflag:s22], s20  }
0x9f: {  	s3 =	ssub.s32 $0x0, s20;
	[sflag:s22] =	ssyncset.done $0x0  }
0xa0: {  	[sflag:s22] =	ssyncadd.s32 s3;
	_ =	sdelay $0x1  }
0xa1: {  	s23 =	simm.s32 $0x1B8B  }
0xa2: {  	_ =	swait.ge [sflag:s23], $0x1  }
0xa3: {  	[sflag:s23] =	ssyncset.done $0x0  }
0xa4: {  	s25 =	simm.s32 $0x1B8E;
	s24 =	sld [smem:$0x3FFE];
	[sflag:s23] =	ssyncadd.s32 $0xFFFFFFFF  }
0xa5: {  	s26 =	simm.s32 $execute0_lowered;
	[smem:$0x3FD2] =	sst s25  }
0xa6: {  	s4 =	sshll.u32 s26, $0x1;
	_ =	strace $0x8000004F;
	[dreg:$0x1] =	wrdreg $0xFFFFFFFF  }
0xa7: {  	s28 =	simm.s32 $_size_execute0_lowered;
	s2 =	sadd.s32 s2, s4;
	[dreg:$0x0] =	wrdreg $0x0  }
0xa8: {  	s4 =	sshll.u32 s28, $0x1;
	[dreg:$0x2] =	wrdreg s2  }
0xa9: {  	[dreg:$0x3] =	wrdreg s4  }
0xaa: {  	[dreg:$0x4] =	wrdreg $0xC0  }
0xab: {  	_ =	task [dreg:s6], $0x5FFFF  }
0xac: {  	[dreg:$0x1] =	wrdreg $0xFFFFFFFF  }
0xad: {  	[dreg:$0x0] =	wrdreg $0x60  }
0xae: {  	[dreg:$0x2] =	wrdreg s24  }
0xaf: {  	[dreg:$0x3] =	wrdreg $0x0  }
0xb0: {  	[dreg:$0x4] =	wrdreg $0x9  }
0xb1: {  	_ =	task.clear_ibuf [dreg:s6], $0x5FFFF;
	_ =	strace $0x9000004F  }
0xb2: {  	s29 =	simm.s32 $0x9;
	_ =	strace $0x80000051  }
0xb3: {  	_ =	swait.ge [sflag:s29], $0x1  }
0xb4: {  	[sflag:s29] =	ssyncadd.s32 $0xFFFFFFFF  }
0xb5: {  	_ =	strace $0x90000051  }
0xb6: {  	_ =	sfence  }
0xb7: {  	s30 =	sld [smem:$0x0];
	_ =	sdelay $0x2  }
0xb8: {  	s31 =	sshll.u32 s1, $0xD;
	s1 =	sshrl.u32 s1, $0x2  }
0xb9: {  	s3 =	sand.u32 $0x4000, s31;
	s1 =	sadd.s32 s1, s30  }
0xba: {  	s0 =	sor.u32 s3, s0;
	s1 =	sshll.u32 s1, $0x11  }
0xbb: {  	s0 =	sor.u32 s1, s0  }
0xbc: {  	s0 =	sadd.s32 $0x8F2B, s0  }
0xbd: {  	[sflag:s0] =	ssyncadd.remote.s32 $0x1  }
0xbe: {  	_ =	sfence.sel $0xFFFF  }
0xbf: {  	[dreg:$0x0] =	wrdreg $0xFFFFFFFF;
	(pc) =	sbr.abs _section_cstart, $3  }
0xc0: {  	[dreg:$0x1] =	wrdreg $0xFFFFFFFF  }
0xc1: {  	_ =	task.clear_ibuf [dreg:s6], $0x2FFFF;
	_ =	strace $0x9FFFFFFF  }
0xc2: {  	(tm) =	ssettm $0x7FFFFFFF  }
0xc3: {  	_ =	shalt  }
tec
execute0_lowered:
.L_overlay_start_1:
0x0: {  	(tag) =	ssettag $0x1  }
0x1: {  	s0 =	rddreg [dreg:$0x0]  }
0x2: {  	s2 =	rddreg [dreg:$0x1];
	s9 =	stileid.u32;
	s3 =	simm.s32 $0x0  }
0x3: {  	s4 =	srdreg.scid;
	s11 =	simm.s32 $0x14080;
	s13 =	simm.s32 $0x14100  }
0x4: {  	s14 =	simm.s32 $0x14880;
	s15 =	simm.s32 $0x14180;
	s17 =	simm.s32 $0x14900  }
0x5: {  	s18 =	simm.s32 $0x14200;
	[smem:$0x7FF] =	sst s3;
	s8 =	sadd.s32 $0x12600, s0  }
0x6: {  	s19 =	simm.s32 $0x14980;
	_ =	strace $0x80000050;
	[dreg:$0x13] =	wrdreg s8  }
0x7: {  	s20 =	simm.s32 $0x14280;
	s21 =	simm.s32 $0x14A00;
	[dreg:$0x5] =	wrdreg s11  }
0x8: {  	s22 =	simm.s32 $0x14300;
	s28 =	simm.s32 $0x14680;
	[dreg:$0x6] =	wrdreg s13  }
0x9: {  	s29 =	simm.s32 $0x14E00;
	s30 =	simm.s32 $0x14700;
	[dreg:$0x7] =	wrdreg s14  }
0xa: {  	s31 =	simm.s32 $0x14E80;
	s1 =	smul.u32 $0x500, s9;
	[dreg:$0x8] =	wrdreg s15  }
0xb: {  	s5 =	sand.u32 $0x1, s4;
	s6 =	smul.u32 $0x2800, s9;
	[dreg:$0x9] =	wrdreg s17  }
0xc: {  	s4 =	sadd.s32 $0x65600, s0;
	s25 =	smul.u32 $0x50000, s9;
	[dreg:$0xa] =	wrdreg s18  }
0xd: {  	s12 =	sshll.u32 s9, $0x6;
	s9 =	simm.s32 $0x0;
	[dreg:$0xb] =	wrdreg s19  }
0xe: {  	s7 =	smul.u32 $0x28000, s5;
	s23 =	ssub.s32 $0x2, s5;
	[dreg:$0xc] =	wrdreg s20  }
0xf: {  	s5 =	smul.u32 $0x5000, s5;
	s11 =	simm.s32 $0x14000;
	[dreg:$0xd] =	wrdreg s21  }
0x10: {  	s13 =	simm.s32 $0x80;
	s14 =	simm.s32 $0x15000;
	[dreg:$0xe] =	wrdreg s22  }
0x11: {  	s15 =	simm.s32 $0x19000;
	s17 =	simm.s32 $0x2;
	s18 =	simm.s32 $0x14B80  }
0x12: {  	s19 =	simm.s32 $0x14480;
	s20 =	simm.s32 $0x14C00;
	s21 =	simm.s32 $0x14500  }
0x13: {  	s22 =	simm.s32 $0x14C80;
	s1 =	sadd.s32 s1, s0;
	s24 =	sshrl.u32 s23, $0x1  }
0x14: {  	s10 =	sshrl.u32 s25, $0x2;
	s25 =	simm.s32 $0x14B00;
	s6 =	sadd.s32 s6, s7  }
0x15: {  	s26 =	sadd.s32 $0x3600, s1;
	s1 =	sadd.s32 s5, s1;
	s5 =	sadd.s32 s10, s2  }
0x16: {  	s7 =	sor.u32 $0x1C03, s12;
	s10 =	simm.s32 $0x3;
	[dreg:$0x11] =	wrdreg s25  }
0x17: {  	s12 =	simm.s32 $0x14800;
	s25 =	simm.s32 $0x14600;
	[dreg:$0x3] =	wrdreg s26  }
0x18: {  	s0 =	sadd.s32 s6, s0;
	s1 =	sadd.s32 $0xC7600, s1;
	[dreg:$0x14] =	wrdreg s7  }
0x19: {  	s6 =	ssub.s32 s23, s24;
	s23 =	simm.s32 $0x14A80;
	[dreg:$0x4] =	wrdreg s1  }
0x1a: {  	s8 =	sshrl.u32 s5, $0x3;
	s24 =	simm.s32 $0x14380;
	[dreg:$0xf] =	wrdreg s23  }
0x1b: {  	s26 =	simm.s32 $0x14400;
	s5 =	simm.s32 $0x14F80;
	[dreg:$0x10] =	wrdreg s24  }
0x1c: {  	s0 =	sadd.s32 $0xD1600, s0;
	s16 =	smax.u32 s6, $0x1;
	[dreg:$0x12] =	wrdreg s26  }
0x1d: {  	s23 =	simm.s32 $0x14580;
	s24 =	simm.s32 $0x14D00;
	[dreg:$0x17] =	wrdreg s8  }
0x1e: {  	s26 =	simm.s32 $0x14D80;
	s1 =	simm.s32 $0x14F00;
	[dreg:$0x15] =	wrdreg s0  }
0x1f: {  	[dreg:$0x16] =	wrdreg s16;
	s16 =	simm.s32 $0x1;
	s0 =	simm.s32 $0x14780  }
.LBB2_1:
0x20: {  	[dreg:$0x18] =	wrdreg s9  }
0x21: {  	s6 =	rddreg [dreg:$0x13]  }
0x22: {  	[spmem:s8], [sflag:s7] =	dma.local [hbm:s6], $0x2800  }
0x23: {  	_ =	swait.ge [sflag:s10], $0x2800  }
0x24: {  	[sflag:s10] =	ssyncset.done $0x0  }
0x25: {  	[sflag:s10] =	ssyncadd.s32 $0xFFFFD800  }
0x26: {  	[bflag:$0x0] =	sbarrier.arrive $0xFFFF  }
0x27: {  	s9 =	rddreg [dreg:$0x4]  }
0x28: {  	s6 =	sadd.s32 $0x0, s9  }
0x29: {  	[tilespmem:s11], [sflag:$0x3] =	stream.linear.gather [hbm4b:s6+s3], $0x800, $0x38;
	[tilespmem:$0x1D000] =	vst v63  }
0x2a: {  	_ =	swait.ge [sflag:s10], $0x800  }
0x2b: {  	s7 =	rddreg [dreg:$0x3];
	[sflag:s10] =	ssyncset.done $0x0  }
0x2c: {  	[sflag:s10] =	ssyncadd.s32 $0xFFFFF800;
	s6 =	sadd.s32 $0x0, s7  }
0x2d: {  	[tilespmem:s12], [sflag:$0x3] =	stream.linear.gather [hbm4b:s6+s3], $0x800, $0x38;
	[tilespmem:$0x1D000] =	vst v63  }
0x2e: {  	_ =	swait.ge [sflag:s10], $0x800  }
0x2f: {  	[sflag:s10] =	ssyncset.done $0x0  }
0x30: {  	[sflag:s10] =	ssyncadd.s32 $0xFFFFF800  }
0x31: {  	[tilespmem:s14], [sflag:$0x1] =	stream.indirect.gather [hbm4b:s4+s13], $0x80, s11, s13, $0xb8;
	[tilespmem:$0x1D000] =	vst v63  }
0x32: {  	s8 =	rddreg [dreg:$0x5]  }
0x33: {  	[tilespmem:s15], [sflag:$0x2] =	stream.indirect.gather [hbm4b:s4+s13], $0x80, s8, s13, $0xb8;
	[tilespmem:$0x1D000] =	vst v63  }
0x34: {  	_ =	swait.ge [sflag:s16], $0x4000  }
0x35: {  	[sflag:s16] =	ssyncset.done $0x0  }
0x36: {  	[sflag:s16] =	ssyncadd.s32 $0xFFFFC000  }
0x37: {  	[spmem:s2] =	stream.indirect.scatter.add.f32 [tilespmem:s14], [sflag:$0x3], $0x80, s12, s13, $0xb8;
	[tilespmem:$0x1D000] =	vst v63  }
0x38: {  	_ =	swait.ge [sflag:s10], $0x4000  }
0x39: {  	[sflag:s10] =	ssyncset.done $0x0  }
0x3a: {  	s9 =	rddreg [dreg:$0x6];
	[sflag:s10] =	ssyncadd.s32 $0xFFFFC000  }
0x3b: {  	[tilespmem:s14], [sflag:$0x1] =	stream.indirect.gather [hbm4b:s4+s13], $0x80, s9, s13, $0xb8;
	[tilespmem:$0x1D000] =	vst v63  }
0x3c: {  	_ =	swait.ge [sflag:s17], $0x4000  }
0x3d: {  	[sflag:s17] =	ssyncset.done $0x0  }
0x3e: {  	s7 =	rddreg [dreg:$0x7];
	[sflag:s17] =	ssyncadd.s32 $0xFFFFC000  }
0x3f: {  	[spmem:s2] =	stream.indirect.scatter.add.f32 [tilespmem:s15], [sflag:$0x3], $0x80, s7, s13, $0xb8;
	[tilespmem:$0x1D000] =	vst v63  }
0x40: {  	_ =	swait.ge [sflag:s10], $0x4000  }
0x41: {  	[sflag:s10] =	ssyncset.done $0x0  }
0x42: {  	s8 =	rddreg [dreg:$0x8];
	[sflag:s10] =	ssyncadd.s32 $0xFFFFC000  }
0x43: {  	[tilespmem:s15], [sflag:$0x2] =	stream.indirect.gather [hbm4b:s4+s13], $0x80, s8, s13, $0xb8;
	[tilespmem:$0x1D000] =	vst v63  }
0x44: {  	_ =	swait.ge [sflag:s16], $0x4000  }
0x45: {  	[sflag:s16] =	ssyncset.done $0x0  }
0x46: {  	s9 =	rddreg [dreg:$0x9];
	[sflag:s16] =	ssyncadd.s32 $0xFFFFC000  }
0x47: {  	[spmem:s2] =	stream.indirect.scatter.add.f32 [tilespmem:s14], [sflag:$0x3], $0x80, s9, s13, $0xb8;
	[tilespmem:$0x1D000] =	vst v63  }
0x48: {  	_ =	swait.ge [sflag:s10], $0x4000  }
0x49: {  	[sflag:s10] =	ssyncset.done $0x0  }
0x4a: {  	s7 =	rddreg [dreg:$0xa];
	[sflag:s10] =	ssyncadd.s32 $0xFFFFC000  }
0x4b: {  	[tilespmem:s14], [sflag:$0x1] =	stream.indirect.gather [hbm4b:s4+s13], $0x80, s7, s13, $0xb8;
	[tilespmem:$0x1D000] =	vst v63  }
0x4c: {  	_ =	swait.ge [sflag:s17], $0x4000  }
0x4d: {  	[sflag:s17] =	ssyncset.done $0x0  }
0x4e: {  	s8 =	rddreg [dreg:$0xb];
	[sflag:s17] =	ssyncadd.s32 $0xFFFFC000  }
0x4f: {  	[spmem:s2] =	stream.indirect.scatter.add.f32 [tilespmem:s15], [sflag:$0x3], $0x80, s8, s13, $0xb8;
	[tilespmem:$0x1D000] =	vst v63  }
0x50: {  	_ =	swait.ge [sflag:s10], $0x4000  }
0x51: {  	[sflag:s10] =	ssyncset.done $0x0  }
0x52: {  	s9 =	rddreg [dreg:$0xc];
	[sflag:s10] =	ssyncadd.s32 $0xFFFFC000  }
0x53: {  	[tilespmem:s15], [sflag:$0x2] =	stream.indirect.gather [hbm4b:s4+s13], $0x80, s9, s13, $0xb8;
	[tilespmem:$0x1D000] =	vst v63  }
0x54: {  	_ =	swait.ge [sflag:s16], $0x4000  }
0x55: {  	[sflag:s16] =	ssyncset.done $0x0  }
0x56: {  	s7 =	rddreg [dreg:$0xd];
	[sflag:s16] =	ssyncadd.s32 $0xFFFFC000  }
0x57: {  	[spmem:s2] =	stream.indirect.scatter.add.f32 [tilespmem:s14], [sflag:$0x3], $0x80, s7, s13, $0xb8;
	[tilespmem:$0x1D000] =	vst v63  }
0x58: {  	_ =	swait.ge [sflag:s10], $0x4000  }
0x59: {  	[sflag:s10] =	ssyncset.done $0x0  }
0x5a: {  	s8 =	rddreg [dreg:$0xe];
	[sflag:s10] =	ssyncadd.s32 $0xFFFFC000  }
0x5b: {  	[tilespmem:s14], [sflag:$0x1] =	stream.indirect.gather [hbm4b:s4+s13], $0x80, s8, s13, $0xb8;
	[tilespmem:$0x1D000] =	vst v63  }
0x5c: {  	_ =	swait.ge [sflag:s17], $0x4000  }
0x5d: {  	[sflag:s17] =	ssyncset.done $0x0  }
0x5e: {  	s9 =	rddreg [dreg:$0xf];
	[sflag:s17] =	ssyncadd.s32 $0xFFFFC000  }
0x5f: {  	[spmem:s2] =	stream.indirect.scatter.add.f32 [tilespmem:s15], [sflag:$0x3], $0x80, s9, s13, $0xb8;
	[tilespmem:$0x1D000] =	vst v63  }
0x60: {  	_ =	swait.ge [sflag:s10], $0x4000  }
0x61: {  	[sflag:s10] =	ssyncset.done $0x0  }
0x62: {  	s7 =	rddreg [dreg:$0x10];
	[sflag:s10] =	ssyncadd.s32 $0xFFFFC000  }
0x63: {  	[tilespmem:s15], [sflag:$0x2] =	stream.indirect.gather [hbm4b:s4+s13], $0x80, s7, s13, $0xb8;
	[tilespmem:$0x1D000] =	vst v63  }
0x64: {  	_ =	swait.ge [sflag:s16], $0x4000  }
0x65: {  	[sflag:s16] =	ssyncset.done $0x0  }
0x66: {  	s8 =	rddreg [dreg:$0x11];
	[sflag:s16] =	ssyncadd.s32 $0xFFFFC000  }
0x67: {  	[spmem:s2] =	stream.indirect.scatter.add.f32 [tilespmem:s14], [sflag:$0x3], $0x80, s8, s13, $0xb8;
	[tilespmem:$0x1D000] =	vst v63  }
0x68: {  	_ =	swait.ge [sflag:s10], $0x4000  }
0x69: {  	[sflag:s10] =	ssyncset.done $0x0  }
0x6a: {  	s9 =	rddreg [dreg:$0x12];
	[sflag:s10] =	ssyncadd.s32 $0xFFFFC000  }
0x6b: {  	[tilespmem:s14], [sflag:$0x1] =	stream.indirect.gather [hbm4b:s4+s13], $0x80, s9, s13, $0xb8;
	[tilespmem:$0x1D000] =	vst v63  }
0x6c: {  	_ =	swait.ge [sflag:s17], $0x4000  }
0x6d: {  	[sflag:s17] =	ssyncset.done $0x0  }
0x6e: {  	[sflag:s17] =	ssyncadd.s32 $0xFFFFC000  }
0x6f: {  	[spmem:s2] =	stream.indirect.scatter.add.f32 [tilespmem:s15], [sflag:$0x3], $0x80, s18, s13, $0xb8;
	[tilespmem:$0x1D000] =	vst v63  }
0x70: {  	_ =	swait.ge [sflag:s10], $0x4000  }
0x71: {  	[sflag:s10] =	ssyncset.done $0x0  }
0x72: {  	[sflag:s10] =	ssyncadd.s32 $0xFFFFC000  }
0x73: {  	[tilespmem:s15], [sflag:$0x2] =	stream.indirect.gather [hbm4b:s4+s13], $0x80, s19, s13, $0xb8;
	[tilespmem:$0x1D000] =	vst v63  }
0x74: {  	_ =	swait.ge [sflag:s16], $0x4000  }
0x75: {  	[sflag:s16] =	ssyncset.done $0x0  }
0x76: {  	[sflag:s16] =	ssyncadd.s32 $0xFFFFC000  }
0x77: {  	[spmem:s2] =	stream.indirect.scatter.add.f32 [tilespmem:s14], [sflag:$0x3], $0x80, s20, s13, $0xb8;
	[tilespmem:$0x1D000] =	vst v63  }
0x78: {  	_ =	swait.ge [sflag:s10], $0x4000  }
0x79: {  	[sflag:s10] =	ssyncset.done $0x0  }
0x7a: {  	[sflag:s10] =	ssyncadd.s32 $0xFFFFC000  }
0x7b: {  	[tilespmem:s14], [sflag:$0x1] =	stream.indirect.gather [hbm4b:s4+s13], $0x80, s21, s13, $0xb8;
	[tilespmem:$0x1D000] =	vst v63  }
0x7c: {  	_ =	swait.ge [sflag:s17], $0x4000  }
0x7d: {  	[sflag:s17] =	ssyncset.done $0x0  }
0x7e: {  	[sflag:s17] =	ssyncadd.s32 $0xFFFFC000  }
0x7f: {  	[spmem:s2] =	stream.indirect.scatter.add.f32 [tilespmem:s15], [sflag:$0x3], $0x80, s22, s13, $0xb8;
	[tilespmem:$0x1D000] =	vst v63  }
0x80: {  	_ =	swait.ge [sflag:s10], $0x4000  }
0x81: {  	[sflag:s10] =	ssyncset.done $0x0  }
0x82: {  	[sflag:s10] =	ssyncadd.s32 $0xFFFFC000  }
0x83: {  	[tilespmem:s15], [sflag:$0x2] =	stream.indirect.gather [hbm4b:s4+s13], $0x80, s23, s13, $0xb8;
	[tilespmem:$0x1D000] =	vst v63  }
0x84: {  	_ =	swait.ge [sflag:s16], $0x4000  }
0x85: {  	[sflag:s16] =	ssyncset.done $0x0  }
0x86: {  	[sflag:s16] =	ssyncadd.s32 $0xFFFFC000  }
0x87: {  	[spmem:s2] =	stream.indirect.scatter.add.f32 [tilespmem:s14], [sflag:$0x3], $0x80, s24, s13, $0xb8;
	[tilespmem:$0x1D000] =	vst v63  }
0x88: {  	_ =	swait.ge [sflag:s10], $0x4000  }
0x89: {  	[sflag:s10] =	ssyncset.done $0x0  }
0x8a: {  	[sflag:s10] =	ssyncadd.s32 $0xFFFFC000  }
0x8b: {  	[tilespmem:s14], [sflag:$0x1] =	stream.indirect.gather [hbm4b:s4+s13], $0x80, s25, s13, $0xb8;
	[tilespmem:$0x1D000] =	vst v63  }
0x8c: {  	_ =	swait.ge [sflag:s17], $0x4000  }
0x8d: {  	[sflag:s17] =	ssyncset.done $0x0  }
0x8e: {  	[sflag:s17] =	ssyncadd.s32 $0xFFFFC000  }
0x8f: {  	[spmem:s2] =	stream.indirect.scatter.add.f32 [tilespmem:s15], [sflag:$0x3], $0x80, s26, s13, $0xb8;
	[tilespmem:$0x1D000] =	vst v63  }
0x90: {  	_ =	swait.ge [sflag:s10], $0x4000  }
0x91: {  	[sflag:s10] =	ssyncset.done $0x0  }
0x92: {  	[sflag:s10] =	ssyncadd.s32 $0xFFFFC000  }
0x93: {  	[tilespmem:s15], [sflag:$0x2] =	stream.indirect.gather [hbm4b:s4+s13], $0x80, s28, s13, $0xb8;
	[tilespmem:$0x1D000] =	vst v63  }
0x94: {  	_ =	swait.ge [sflag:s16], $0x4000  }
0x95: {  	[sflag:s16] =	ssyncset.done $0x0  }
0x96: {  	[sflag:s16] =	ssyncadd.s32 $0xFFFFC000  }
0x97: {  	[spmem:s2] =	stream.indirect.scatter.add.f32 [tilespmem:s14], [sflag:$0x3], $0x80, s29, s13, $0xb8;
	[tilespmem:$0x1D000] =	vst v63  }
0x98: {  	_ =	swait.ge [sflag:s10], $0x4000  }
0x99: {  	[sflag:s10] =	ssyncset.done $0x0  }
0x9a: {  	[sflag:s10] =	ssyncadd.s32 $0xFFFFC000  }
0x9b: {  	[tilespmem:s14], [sflag:$0x1] =	stream.indirect.gather [hbm4b:s4+s13], $0x80, s30, s13, $0xb8;
	[tilespmem:$0x1D000] =	vst v63  }
0x9c: {  	_ =	swait.ge [sflag:s17], $0x4000  }
0x9d: {  	[sflag:s17] =	ssyncset.done $0x0  }
0x9e: {  	[sflag:s17] =	ssyncadd.s32 $0xFFFFC000  }
0x9f: {  	[spmem:s2] =	stream.indirect.scatter.add.f32 [tilespmem:s15], [sflag:$0x3], $0x80, s31, s13, $0xb8;
	[tilespmem:$0x1D000] =	vst v63  }
0xa0: {  	_ =	swait.ge [sflag:s10], $0x4000  }
0xa1: {  	[sflag:s10] =	ssyncset.done $0x0  }
0xa2: {  	[sflag:s10] =	ssyncadd.s32 $0xFFFFC000  }
0xa3: {  	[tilespmem:s15], [sflag:$0x2] =	stream.indirect.gather [hbm4b:s4+s13], $0x80, s0, s13, $0xb8;
	[tilespmem:$0x1D000] =	vst v63  }
0xa4: {  	_ =	swait.ge [sflag:s16], $0x4000  }
0xa5: {  	[sflag:s16] =	ssyncset.done $0x0  }
0xa6: {  	[sflag:s16] =	ssyncadd.s32 $0xFFFFC000  }
0xa7: {  	[spmem:s2] =	stream.indirect.scatter.add.f32 [tilespmem:s14], [sflag:$0x3], $0x80, s1, s13, $0xb8;
	[tilespmem:$0x1D000] =	vst v63  }
0xa8: {  	_ =	swait.ge [sflag:s10], $0x4000  }
0xa9: {  	[sflag:s10] =	ssyncset.done $0x0  }
0xaa: {  	[sflag:s10] =	ssyncadd.s32 $0xFFFFC000  }
0xab: {  	_ =	swait.ge [sflag:s17], $0x4000  }
0xac: {  	[sflag:s17] =	ssyncset.done $0x0  }
0xad: {  	[sflag:s17] =	ssyncadd.s32 $0xFFFFC000  }
0xae: {  	[spmem:s2] =	stream.indirect.scatter.add.f32 [tilespmem:s15], [sflag:$0x3], $0x80, s5, s13, $0xb8;
	[tilespmem:$0x1D000] =	vst v63  }
0xaf: {  	s6 =	simm.s32 $0x200;
	_ =	swait.ge [sflag:s10], $0x4000  }
0xb0: {  	s8 =	simm.s32 $0x100;
	s9 =	rddreg [dreg:$0x4];
	[sflag:s10] =	ssyncset.done $0x0  }
.LBB2_2:
0xb1: {  	[sflag:s10] =	ssyncadd.s32 $0xFFFFC000;
	s9 =	sadd.s32 s8, s9  }
0xb2: {  	[tilespmem:s11], [sflag:$0x3] =	stream.linear.gather [hbm4b:s9+s3], $0x800, $0x38;
	[tilespmem:$0x1D000] =	vst v63  }
0xb3: {  	_ =	swait.ge [sflag:s10], $0x800  }
0xb4: {  	s9 =	rddreg [dreg:$0x3];
	[sflag:s10] =	ssyncset.done $0x0  }
0xb5: {  	[sflag:s10] =	ssyncadd.s32 $0xFFFFF800;
	s9 =	sadd.s32 s8, s9  }
0xb6: {  	[tilespmem:s12], [sflag:$0x3] =	stream.linear.gather [hbm4b:s9+s3], $0x800, $0x38;
	[tilespmem:$0x1D000] =	vst v63  }
0xb7: {  	_ =	swait.ge [sflag:s10], $0x800  }
0xb8: {  	[sflag:s10] =	ssyncset.done $0x0  }
0xb9: {  	[sflag:s10] =	ssyncadd.s32 $0xFFFFF800  }
0xba: {  	[tilespmem:s14], [sflag:$0x1] =	stream.indirect.gather [hbm4b:s4+s13], $0x80, s11, s13, $0xb8;
	[tilespmem:$0x1D000] =	vst v63  }
0xbb: {  	s9 =	rddreg [dreg:$0x5]  }
0xbc: {  	[tilespmem:s15], [sflag:$0x2] =	stream.indirect.gather [hbm4b:s4+s13], $0x80, s9, s13, $0xb8;
	[tilespmem:$0x1D000] =	vst v63  }
0xbd: {  	_ =	swait.ge [sflag:s16], $0x4000  }
0xbe: {  	[sflag:s16] =	ssyncset.done $0x0  }
0xbf: {  	[sflag:s16] =	ssyncadd.s32 $0xFFFFC000  }
0xc0: {  	[spmem:s2] =	stream.indirect.scatter.add.f32 [tilespmem:s14], [sflag:$0x3], $0x80, s12, s13, $0xb8;
	[tilespmem:$0x1D000] =	vst v63  }
0xc1: {  	_ =	swait.ge [sflag:s10], $0x4000  }
0xc2: {  	[sflag:s10] =	ssyncset.done $0x0  }
0xc3: {  	s9 =	rddreg [dreg:$0x6];
	[sflag:s10] =	ssyncadd.s32 $0xFFFFC000  }
0xc4: {  	[tilespmem:s14], [sflag:$0x1] =	stream.indirect.gather [hbm4b:s4+s13], $0x80, s9, s13, $0xb8;
	[tilespmem:$0x1D000] =	vst v63  }
0xc5: {  	_ =	swait.ge [sflag:s17], $0x4000  }
0xc6: {  	[sflag:s17] =	ssyncset.done $0x0  }
0xc7: {  	s9 =	rddreg [dreg:$0x7];
	[sflag:s17] =	ssyncadd.s32 $0xFFFFC000  }
0xc8: {  	[spmem:s2] =	stream.indirect.scatter.add.f32 [tilespmem:s15], [sflag:$0x3], $0x80, s9, s13, $0xb8;
	[tilespmem:$0x1D000] =	vst v63  }
0xc9: {  	_ =	swait.ge [sflag:s10], $0x4000  }
0xca: {  	[sflag:s10] =	ssyncset.done $0x0  }
0xcb: {  	s9 =	rddreg [dreg:$0x8];
	[sflag:s10] =	ssyncadd.s32 $0xFFFFC000  }
0xcc: {  	[tilespmem:s15], [sflag:$0x2] =	stream.indirect.gather [hbm4b:s4+s13], $0x80, s9, s13, $0xb8;
	[tilespmem:$0x1D000] =	vst v63  }
0xcd: {  	_ =	swait.ge [sflag:s16], $0x4000  }
0xce: {  	[sflag:s16] =	ssyncset.done $0x0  }
0xcf: {  	s9 =	rddreg [dreg:$0x9];
	[sflag:s16] =	ssyncadd.s32 $0xFFFFC000  }
0xd0: {  	[spmem:s2] =	stream.indirect.scatter.add.f32 [tilespmem:s14], [sflag:$0x3], $0x80, s9, s13, $0xb8;
	[tilespmem:$0x1D000] =	vst v63  }
0xd1: {  	_ =	swait.ge [sflag:s10], $0x4000  }
0xd2: {  	[sflag:s10] =	ssyncset.done $0x0  }
0xd3: {  	s9 =	rddreg [dreg:$0xa];
	[sflag:s10] =	ssyncadd.s32 $0xFFFFC000  }
0xd4: {  	[tilespmem:s14], [sflag:$0x1] =	stream.indirect.gather [hbm4b:s4+s13], $0x80, s9, s13, $0xb8;
	[tilespmem:$0x1D000] =	vst v63  }
0xd5: {  	_ =	swait.ge [sflag:s17], $0x4000  }
0xd6: {  	[sflag:s17] =	ssyncset.done $0x0  }
0xd7: {  	s9 =	rddreg [dreg:$0xb];
	[sflag:s17] =	ssyncadd.s32 $0xFFFFC000  }
0xd8: {  	[spmem:s2] =	stream.indirect.scatter.add.f32 [tilespmem:s15], [sflag:$0x3], $0x80, s9, s13, $0xb8;
	[tilespmem:$0x1D000] =	vst v63  }
0xd9: {  	_ =	swait.ge [sflag:s10], $0x4000  }
0xda: {  	[sflag:s10] =	ssyncset.done $0x0  }
0xdb: {  	s9 =	rddreg [dreg:$0xc];
	[sflag:s10] =	ssyncadd.s32 $0xFFFFC000  }
0xdc: {  	[tilespmem:s15], [sflag:$0x2] =	stream.indirect.gather [hbm4b:s4+s13], $0x80, s9, s13, $0xb8;
	[tilespmem:$0x1D000] =	vst v63  }
0xdd: {  	_ =	swait.ge [sflag:s16], $0x4000  }
0xde: {  	[sflag:s16] =	ssyncset.done $0x0  }
0xdf: {  	s9 =	rddreg [dreg:$0xd];
	[sflag:s16] =	ssyncadd.s32 $0xFFFFC000  }
0xe0: {  	[spmem:s2] =	stream.indirect.scatter.add.f32 [tilespmem:s14], [sflag:$0x3], $0x80, s9, s13, $0xb8;
	[tilespmem:$0x1D000] =	vst v63  }
0xe1: {  	_ =	swait.ge [sflag:s10], $0x4000  }
0xe2: {  	[sflag:s10] =	ssyncset.done $0x0  }
0xe3: {  	s9 =	rddreg [dreg:$0xe];
	[sflag:s10] =	ssyncadd.s32 $0xFFFFC000  }
0xe4: {  	[tilespmem:s14], [sflag:$0x1] =	stream.indirect.gather [hbm4b:s4+s13], $0x80, s9, s13, $0xb8;
	[tilespmem:$0x1D000] =	vst v63  }
0xe5: {  	_ =	swait.ge [sflag:s17], $0x4000  }
0xe6: {  	[sflag:s17] =	ssyncset.done $0x0  }
0xe7: {  	s9 =	rddreg [dreg:$0xf];
	[sflag:s17] =	ssyncadd.s32 $0xFFFFC000  }
0xe8: {  	[spmem:s2] =	stream.indirect.scatter.add.f32 [tilespmem:s15], [sflag:$0x3], $0x80, s9, s13, $0xb8;
	[tilespmem:$0x1D000] =	vst v63  }
0xe9: {  	_ =	swait.ge [sflag:s10], $0x4000  }
0xea: {  	[sflag:s10] =	ssyncset.done $0x0  }
0xeb: {  	s9 =	rddreg [dreg:$0x10];
	[sflag:s10] =	ssyncadd.s32 $0xFFFFC000  }
0xec: {  	[tilespmem:s15], [sflag:$0x2] =	stream.indirect.gather [hbm4b:s4+s13], $0x80, s9, s13, $0xb8;
	[tilespmem:$0x1D000] =	vst v63  }
0xed: {  	_ =	swait.ge [sflag:s16], $0x4000  }
0xee: {  	[sflag:s16] =	ssyncset.done $0x0  }
0xef: {  	s9 =	rddreg [dreg:$0x11];
	[sflag:s16] =	ssyncadd.s32 $0xFFFFC000  }
0xf0: {  	[spmem:s2] =	stream.indirect.scatter.add.f32 [tilespmem:s14], [sflag:$0x3], $0x80, s9, s13, $0xb8;
	[tilespmem:$0x1D000] =	vst v63  }
0xf1: {  	_ =	swait.ge [sflag:s10], $0x4000  }
0xf2: {  	[sflag:s10] =	ssyncset.done $0x0  }
0xf3: {  	s9 =	rddreg [dreg:$0x12];
	[sflag:s10] =	ssyncadd.s32 $0xFFFFC000  }
0xf4: {  	[tilespmem:s14], [sflag:$0x1] =	stream.indirect.gather [hbm4b:s4+s13], $0x80, s9, s13, $0xb8;
	[tilespmem:$0x1D000] =	vst v63  }
0xf5: {  	_ =	swait.ge [sflag:s17], $0x4000  }
0xf6: {  	[sflag:s17] =	ssyncset.done $0x0  }
0xf7: {  	[sflag:s17] =	ssyncadd.s32 $0xFFFFC000  }
0xf8: {  	[spmem:s2] =	stream.indirect.scatter.add.f32 [tilespmem:s15], [sflag:$0x3], $0x80, s18, s13, $0xb8;
	[tilespmem:$0x1D000] =	vst v63  }
0xf9: {  	_ =	swait.ge [sflag:s10], $0x4000  }
0xfa: {  	[sflag:s10] =	ssyncset.done $0x0  }
0xfb: {  	[sflag:s10] =	ssyncadd.s32 $0xFFFFC000  }
0xfc: {  	[tilespmem:s15], [sflag:$0x2] =	stream.indirect.gather [hbm4b:s4+s13], $0x80, s19, s13, $0xb8;
	[tilespmem:$0x1D000] =	vst v63  }
0xfd: {  	_ =	swait.ge [sflag:s16], $0x4000  }
0xfe: {  	[sflag:s16] =	ssyncset.done $0x0  }
0xff: {  	[sflag:s16] =	ssyncadd.s32 $0xFFFFC000  }
0x100: {  	[spmem:s2] =	stream.indirect.scatter.add.f32 [tilespmem:s14], [sflag:$0x3], $0x80, s20, s13, $0xb8;
	[tilespmem:$0x1D000] =	vst v63  }
0x101: {  	_ =	swait.ge [sflag:s10], $0x4000  }
0x102: {  	[sflag:s10] =	ssyncset.done $0x0  }
0x103: {  	[sflag:s10] =	ssyncadd.s32 $0xFFFFC000  }
0x104: {  	[tilespmem:s14], [sflag:$0x1] =	stream.indirect.gather [hbm4b:s4+s13], $0x80, s21, s13, $0xb8;
	[tilespmem:$0x1D000] =	vst v63  }
0x105: {  	_ =	swait.ge [sflag:s17], $0x4000  }
0x106: {  	[sflag:s17] =	ssyncset.done $0x0  }
0x107: {  	[sflag:s17] =	ssyncadd.s32 $0xFFFFC000  }
0x108: {  	[spmem:s2] =	stream.indirect.scatter.add.f32 [tilespmem:s15], [sflag:$0x3], $0x80, s22, s13, $0xb8;
	[tilespmem:$0x1D000] =	vst v63  }
0x109: {  	_ =	swait.ge [sflag:s10], $0x4000  }
0x10a: {  	[sflag:s10] =	ssyncset.done $0x0  }
0x10b: {  	[sflag:s10] =	ssyncadd.s32 $0xFFFFC000  }
0x10c: {  	[tilespmem:s15], [sflag:$0x2] =	stream.indirect.gather [hbm4b:s4+s13], $0x80, s23, s13, $0xb8;
	[tilespmem:$0x1D000] =	vst v63  }
0x10d: {  	_ =	swait.ge [sflag:s16], $0x4000  }
0x10e: {  	[sflag:s16] =	ssyncset.done $0x0  }
0x10f: {  	[sflag:s16] =	ssyncadd.s32 $0xFFFFC000  }
0x110: {  	[spmem:s2] =	stream.indirect.scatter.add.f32 [tilespmem:s14], [sflag:$0x3], $0x80, s24, s13, $0xb8;
	[tilespmem:$0x1D000] =	vst v63  }
0x111: {  	_ =	swait.ge [sflag:s10], $0x4000  }
0x112: {  	[sflag:s10] =	ssyncset.done $0x0  }
0x113: {  	[sflag:s10] =	ssyncadd.s32 $0xFFFFC000  }
0x114: {  	[tilespmem:s14], [sflag:$0x1] =	stream.indirect.gather [hbm4b:s4+s13], $0x80, s25, s13, $0xb8;
	[tilespmem:$0x1D000] =	vst v63  }
0x115: {  	_ =	swait.ge [sflag:s17], $0x4000  }
0x116: {  	[sflag:s17] =	ssyncset.done $0x0  }
0x117: {  	[sflag:s17] =	ssyncadd.s32 $0xFFFFC000  }
0x118: {  	[spmem:s2] =	stream.indirect.scatter.add.f32 [tilespmem:s15], [sflag:$0x3], $0x80, s26, s13, $0xb8;
	[tilespmem:$0x1D000] =	vst v63  }
0x119: {  	_ =	swait.ge [sflag:s10], $0x4000  }
0x11a: {  	[sflag:s10] =	ssyncset.done $0x0  }
0x11b: {  	[sflag:s10] =	ssyncadd.s32 $0xFFFFC000  }
0x11c: {  	[tilespmem:s15], [sflag:$0x2] =	stream.indirect.gather [hbm4b:s4+s13], $0x80, s28, s13, $0xb8;
	[tilespmem:$0x1D000] =	vst v63  }
0x11d: {  	_ =	swait.ge [sflag:s16], $0x4000  }
0x11e: {  	[sflag:s16] =	ssyncset.done $0x0  }
0x11f: {  	[sflag:s16] =	ssyncadd.s32 $0xFFFFC000  }
0x120: {  	[spmem:s2] =	stream.indirect.scatter.add.f32 [tilespmem:s14], [sflag:$0x3], $0x80, s29, s13, $0xb8;
	[tilespmem:$0x1D000] =	vst v63  }
0x121: {  	_ =	swait.ge [sflag:s10], $0x4000  }
0x122: {  	[sflag:s10] =	ssyncset.done $0x0  }
0x123: {  	[sflag:s10] =	ssyncadd.s32 $0xFFFFC000  }
0x124: {  	[tilespmem:s14], [sflag:$0x1] =	stream.indirect.gather [hbm4b:s4+s13], $0x80, s30, s13, $0xb8;
	[tilespmem:$0x1D000] =	vst v63  }
0x125: {  	_ =	swait.ge [sflag:s17], $0x4000  }
0x126: {  	[sflag:s17] =	ssyncset.done $0x0  }
0x127: {  	[sflag:s17] =	ssyncadd.s32 $0xFFFFC000  }
0x128: {  	[spmem:s2] =	stream.indirect.scatter.add.f32 [tilespmem:s15], [sflag:$0x3], $0x80, s31, s13, $0xb8;
	[tilespmem:$0x1D000] =	vst v63  }
0x129: {  	_ =	swait.ge [sflag:s10], $0x4000  }
0x12a: {  	[sflag:s10] =	ssyncset.done $0x0  }
0x12b: {  	[sflag:s10] =	ssyncadd.s32 $0xFFFFC000  }
0x12c: {  	[tilespmem:s15], [sflag:$0x2] =	stream.indirect.gather [hbm4b:s4+s13], $0x80, s0, s13, $0xb8;
	[tilespmem:$0x1D000] =	vst v63  }
0x12d: {  	_ =	swait.ge [sflag:s16], $0x4000  }
0x12e: {  	[sflag:s16] =	ssyncset.done $0x0  }
0x12f: {  	[sflag:s16] =	ssyncadd.s32 $0xFFFFC000  }
0x130: {  	[spmem:s2] =	stream.indirect.scatter.add.f32 [tilespmem:s14], [sflag:$0x3], $0x80, s1, s13, $0xb8;
	[tilespmem:$0x1D000] =	vst v63  }
0x131: {  	_ =	swait.ge [sflag:s10], $0x4000  }
0x132: {  	[sflag:s10] =	ssyncset.done $0x0  }
0x133: {  	[sflag:s10] =	ssyncadd.s32 $0xFFFFC000  }
0x134: {  	p0 =	sne.s32 s6, $0x400;
	_ =	swait.ge [sflag:s17], $0x4000  }
.Ltmp0:
0x135: {  	[sflag:s17] =	ssyncset.done $0x0;
	(pc) =	sbr.rel @p0 .LBB2_2-.Ltmp0, $4  }
0x136: {  	[sflag:s17] =	ssyncadd.s32 $0xFFFFC000  }
0x137: {  	[spmem:s2] =	stream.indirect.scatter.add.f32 [tilespmem:s15], [sflag:$0x3], $0x80, s5, s13, $0xb8;
	[tilespmem:$0x1D000] =	vst v63  }
0x138: {  	s7 =	smov.u32 s6;
	s6 =	sadd.s32 $0x100, s6;
	_ =	swait.ge [sflag:s10], $0x4000  }
0x139: {  	s8 =	smov.u32 s7;
	s9 =	rddreg [dreg:$0x4];
	[sflag:s10] =	ssyncset.done $0x0  }
0x13a: {  	[sflag:s10] =	ssyncadd.s32 $0xFFFFC000;
	s6 =	sadd.s32 s8, s9  }
0x13b: {  	[tilespmem:s11], [sflag:$0x3] =	stream.linear.gather [hbm4b:s6+s3], $0x800, $0x38;
	[tilespmem:$0x1D000] =	vst v63  }
0x13c: {  	_ =	swait.ge [sflag:s10], $0x800  }
0x13d: {  	s9 =	rddreg [dreg:$0x3];
	[sflag:s10] =	ssyncset.done $0x0  }
0x13e: {  	s6 =	sadd.s32 s8, s9;
	[sflag:s10] =	ssyncadd.s32 $0xFFFFF800  }
0x13f: {  	[tilespmem:s12], [sflag:$0x3] =	stream.linear.gather [hbm4b:s6+s3], $0x800, $0x38;
	[tilespmem:$0x1D000] =	vst v63  }
0x140: {  	_ =	swait.ge [sflag:s10], $0x800  }
0x141: {  	[sflag:s10] =	ssyncset.done $0x0  }
0x142: {  	[sflag:s10] =	ssyncadd.s32 $0xFFFFF800  }
0x143: {  	[tilespmem:s14], [sflag:$0x1] =	stream.indirect.gather [hbm4b:s4+s13], $0x80, s11, s13, $0xb8;
	[tilespmem:$0x1D000] =	vst v63  }
0x144: {  	s7 =	rddreg [dreg:$0x5]  }
0x145: {  	[tilespmem:s15], [sflag:$0x2] =	stream.indirect.gather [hbm4b:s4+s13], $0x80, s7, s13, $0xb8;
	[tilespmem:$0x1D000] =	vst v63  }
0x146: {  	_ =	swait.ge [sflag:s16], $0x4000  }
0x147: {  	[sflag:s16] =	ssyncset.done $0x0  }
0x148: {  	[sflag:s16] =	ssyncadd.s32 $0xFFFFC000  }
0x149: {  	[spmem:s2] =	stream.indirect.scatter.add.f32 [tilespmem:s14], [sflag:$0x3], $0x80, s12, s13, $0xb8;
	[tilespmem:$0x1D000] =	vst v63  }
0x14a: {  	_ =	swait.ge [sflag:s10], $0x4000  }
0x14b: {  	[sflag:s10] =	ssyncset.done $0x0  }
0x14c: {  	s8 =	rddreg [dreg:$0x6];
	[sflag:s10] =	ssyncadd.s32 $0xFFFFC000  }
0x14d: {  	[tilespmem:s14], [sflag:$0x1] =	stream.indirect.gather [hbm4b:s4+s13], $0x80, s8, s13, $0xb8;
	[tilespmem:$0x1D000] =	vst v63  }
0x14e: {  	_ =	swait.ge [sflag:s17], $0x4000  }
0x14f: {  	[sflag:s17] =	ssyncset.done $0x0  }
0x150: {  	s9 =	rddreg [dreg:$0x7];
	[sflag:s17] =	ssyncadd.s32 $0xFFFFC000  }
0x151: {  	[spmem:s2] =	stream.indirect.scatter.add.f32 [tilespmem:s15], [sflag:$0x3], $0x80, s9, s13, $0xb8;
	[tilespmem:$0x1D000] =	vst v63  }
0x152: {  	_ =	swait.ge [sflag:s10], $0x4000  }
0x153: {  	[sflag:s10] =	ssyncset.done $0x0  }
0x154: {  	s7 =	rddreg [dreg:$0x8];
	[sflag:s10] =	ssyncadd.s32 $0xFFFFC000  }
0x155: {  	[tilespmem:s15], [sflag:$0x2] =	stream.indirect.gather [hbm4b:s4+s13], $0x80, s7, s13, $0xb8;
	[tilespmem:$0x1D000] =	vst v63  }
0x156: {  	_ =	swait.ge [sflag:s16], $0x4000  }
0x157: {  	[sflag:s16] =	ssyncset.done $0x0  }
0x158: {  	s8 =	rddreg [dreg:$0x9];
	[sflag:s16] =	ssyncadd.s32 $0xFFFFC000  }
0x159: {  	[spmem:s2] =	stream.indirect.scatter.add.f32 [tilespmem:s14], [sflag:$0x3], $0x80, s8, s13, $0xb8;
	[tilespmem:$0x1D000] =	vst v63  }
0x15a: {  	_ =	swait.ge [sflag:s10], $0x4000  }
0x15b: {  	[sflag:s10] =	ssyncset.done $0x0  }
0x15c: {  	s9 =	rddreg [dreg:$0xa];
	[sflag:s10] =	ssyncadd.s32 $0xFFFFC000  }
0x15d: {  	[tilespmem:s14], [sflag:$0x1] =	stream.indirect.gather [hbm4b:s4+s13], $0x80, s9, s13, $0xb8;
	[tilespmem:$0x1D000] =	vst v63  }
0x15e: {  	_ =	swait.ge [sflag:s17], $0x4000  }
0x15f: {  	[sflag:s17] =	ssyncset.done $0x0  }
0x160: {  	s7 =	rddreg [dreg:$0xb];
	[sflag:s17] =	ssyncadd.s32 $0xFFFFC000  }
0x161: {  	[spmem:s2] =	stream.indirect.scatter.add.f32 [tilespmem:s15], [sflag:$0x3], $0x80, s7, s13, $0xb8;
	[tilespmem:$0x1D000] =	vst v63  }
0x162: {  	_ =	swait.ge [sflag:s10], $0x4000  }
0x163: {  	[sflag:s10] =	ssyncset.done $0x0  }
0x164: {  	s8 =	rddreg [dreg:$0xc];
	[sflag:s10] =	ssyncadd.s32 $0xFFFFC000  }
0x165: {  	[tilespmem:s15], [sflag:$0x2] =	stream.indirect.gather [hbm4b:s4+s13], $0x80, s8, s13, $0xb8;
	[tilespmem:$0x1D000] =	vst v63  }
0x166: {  	_ =	swait.ge [sflag:s16], $0x4000  }
0x167: {  	[sflag:s16] =	ssyncset.done $0x0  }
0x168: {  	s9 =	rddreg [dreg:$0xd];
	[sflag:s16] =	ssyncadd.s32 $0xFFFFC000  }
0x169: {  	[spmem:s2] =	stream.indirect.scatter.add.f32 [tilespmem:s14], [sflag:$0x3], $0x80, s9, s13, $0xb8;
	[tilespmem:$0x1D000] =	vst v63  }
0x16a: {  	_ =	swait.ge [sflag:s10], $0x4000  }
0x16b: {  	[sflag:s10] =	ssyncset.done $0x0  }
0x16c: {  	s7 =	rddreg [dreg:$0xe];
	[sflag:s10] =	ssyncadd.s32 $0xFFFFC000  }
0x16d: {  	[tilespmem:s14], [sflag:$0x1] =	stream.indirect.gather [hbm4b:s4+s13], $0x80, s7, s13, $0xb8;
	[tilespmem:$0x1D000] =	vst v63  }
0x16e: {  	_ =	swait.ge [sflag:s17], $0x4000  }
0x16f: {  	[sflag:s17] =	ssyncset.done $0x0  }
0x170: {  	s8 =	rddreg [dreg:$0xf];
	[sflag:s17] =	ssyncadd.s32 $0xFFFFC000  }
0x171: {  	[spmem:s2] =	stream.indirect.scatter.add.f32 [tilespmem:s15], [sflag:$0x3], $0x80, s8, s13, $0xb8;
	[tilespmem:$0x1D000] =	vst v63  }
0x172: {  	_ =	swait.ge [sflag:s10], $0x4000  }
0x173: {  	[sflag:s10] =	ssyncset.done $0x0  }
0x174: {  	s9 =	rddreg [dreg:$0x10];
	[sflag:s10] =	ssyncadd.s32 $0xFFFFC000  }
0x175: {  	[tilespmem:s15], [sflag:$0x2] =	stream.indirect.gather [hbm4b:s4+s13], $0x80, s9, s13, $0xb8;
	[tilespmem:$0x1D000] =	vst v63  }
0x176: {  	_ =	swait.ge [sflag:s16], $0x4000  }
0x177: {  	[sflag:s16] =	ssyncset.done $0x0  }
0x178: {  	s7 =	rddreg [dreg:$0x11];
	[sflag:s16] =	ssyncadd.s32 $0xFFFFC000  }
0x179: {  	[spmem:s2] =	stream.indirect.scatter.add.f32 [tilespmem:s14], [sflag:$0x3], $0x80, s7, s13, $0xb8;
	[tilespmem:$0x1D000] =	vst v63  }
0x17a: {  	_ =	swait.ge [sflag:s10], $0x4000  }
0x17b: {  	[sflag:s10] =	ssyncset.done $0x0  }
0x17c: {  	s8 =	rddreg [dreg:$0x12];
	[sflag:s10] =	ssyncadd.s32 $0xFFFFC000  }
0x17d: {  	[tilespmem:s14], [sflag:$0x1] =	stream.indirect.gather [hbm4b:s4+s13], $0x80, s8, s13, $0xb8;
	[tilespmem:$0x1D000] =	vst v63  }
0x17e: {  	_ =	swait.ge [sflag:s17], $0x4000  }
0x17f: {  	[sflag:s17] =	ssyncset.done $0x0  }
0x180: {  	[sflag:s17] =	ssyncadd.s32 $0xFFFFC000  }
0x181: {  	[spmem:s2] =	stream.indirect.scatter.add.f32 [tilespmem:s15], [sflag:$0x3], $0x80, s18, s13, $0xb8;
	[tilespmem:$0x1D000] =	vst v63  }
0x182: {  	_ =	swait.ge [sflag:s10], $0x4000  }
0x183: {  	[sflag:s10] =	ssyncset.done $0x0  }
0x184: {  	[sflag:s10] =	ssyncadd.s32 $0xFFFFC000  }
0x185: {  	[tilespmem:s15], [sflag:$0x2] =	stream.indirect.gather [hbm4b:s4+s13], $0x80, s19, s13, $0xb8;
	[tilespmem:$0x1D000] =	vst v63  }
0x186: {  	_ =	swait.ge [sflag:s16], $0x4000  }
0x187: {  	[sflag:s16] =	ssyncset.done $0x0  }
0x188: {  	[sflag:s16] =	ssyncadd.s32 $0xFFFFC000  }
0x189: {  	[spmem:s2] =	stream.indirect.scatter.add.f32 [tilespmem:s14], [sflag:$0x3], $0x80, s20, s13, $0xb8;
	[tilespmem:$0x1D000] =	vst v63  }
0x18a: {  	_ =	swait.ge [sflag:s10], $0x4000  }
0x18b: {  	[sflag:s10] =	ssyncset.done $0x0  }
0x18c: {  	[sflag:s10] =	ssyncadd.s32 $0xFFFFC000  }
0x18d: {  	[tilespmem:s14], [sflag:$0x1] =	stream.indirect.gather [hbm4b:s4+s13], $0x80, s21, s13, $0xb8;
	[tilespmem:$0x1D000] =	vst v63  }
0x18e: {  	_ =	swait.ge [sflag:s17], $0x4000  }
0x18f: {  	[sflag:s17] =	ssyncset.done $0x0  }
0x190: {  	[sflag:s17] =	ssyncadd.s32 $0xFFFFC000  }
0x191: {  	[spmem:s2] =	stream.indirect.scatter.add.f32 [tilespmem:s15], [sflag:$0x3], $0x80, s22, s13, $0xb8;
	[tilespmem:$0x1D000] =	vst v63  }
0x192: {  	_ =	swait.ge [sflag:s10], $0x4000  }
0x193: {  	[sflag:s10] =	ssyncset.done $0x0  }
0x194: {  	[sflag:s10] =	ssyncadd.s32 $0xFFFFC000  }
0x195: {  	[tilespmem:s15], [sflag:$0x2] =	stream.indirect.gather [hbm4b:s4+s13], $0x80, s23, s13, $0xb8;
	[tilespmem:$0x1D000] =	vst v63  }
0x196: {  	_ =	swait.ge [sflag:s16], $0x4000  }
0x197: {  	[sflag:s16] =	ssyncset.done $0x0  }
0x198: {  	[sflag:s16] =	ssyncadd.s32 $0xFFFFC000  }
0x199: {  	[spmem:s2] =	stream.indirect.scatter.add.f32 [tilespmem:s14], [sflag:$0x3], $0x80, s24, s13, $0xb8;
	[tilespmem:$0x1D000] =	vst v63  }
0x19a: {  	_ =	swait.ge [sflag:s10], $0x4000  }
0x19b: {  	[sflag:s10] =	ssyncset.done $0x0  }
0x19c: {  	[sflag:s10] =	ssyncadd.s32 $0xFFFFC000  }
0x19d: {  	[tilespmem:s14], [sflag:$0x1] =	stream.indirect.gather [hbm4b:s4+s13], $0x80, s25, s13, $0xb8;
	[tilespmem:$0x1D000] =	vst v63  }
0x19e: {  	_ =	swait.ge [sflag:s17], $0x4000  }
0x19f: {  	[sflag:s17] =	ssyncset.done $0x0  }
0x1a0: {  	[sflag:s17] =	ssyncadd.s32 $0xFFFFC000  }
0x1a1: {  	[spmem:s2] =	stream.indirect.scatter.add.f32 [tilespmem:s15], [sflag:$0x3], $0x80, s26, s13, $0xb8;
	[tilespmem:$0x1D000] =	vst v63  }
0x1a2: {  	_ =	swait.ge [sflag:s10], $0x4000  }
0x1a3: {  	[sflag:s10] =	ssyncset.done $0x0  }
0x1a4: {  	[sflag:s10] =	ssyncadd.s32 $0xFFFFC000  }
0x1a5: {  	[tilespmem:s15], [sflag:$0x2] =	stream.indirect.gather [hbm4b:s4+s13], $0x80, s28, s13, $0xb8;
	[tilespmem:$0x1D000] =	vst v63  }
0x1a6: {  	_ =	swait.ge [sflag:s16], $0x4000  }
0x1a7: {  	[sflag:s16] =	ssyncset.done $0x0  }
0x1a8: {  	[sflag:s16] =	ssyncadd.s32 $0xFFFFC000  }
0x1a9: {  	[spmem:s2] =	stream.indirect.scatter.add.f32 [tilespmem:s14], [sflag:$0x3], $0x80, s29, s13, $0xb8;
	[tilespmem:$0x1D000] =	vst v63  }
0x1aa: {  	_ =	swait.ge [sflag:s10], $0x4000  }
0x1ab: {  	[sflag:s10] =	ssyncset.done $0x0  }
0x1ac: {  	[sflag:s10] =	ssyncadd.s32 $0xFFFFC000  }
0x1ad: {  	[tilespmem:s14], [sflag:$0x1] =	stream.indirect.gather [hbm4b:s4+s13], $0x80, s30, s13, $0xb8;
	[tilespmem:$0x1D000] =	vst v63  }
0x1ae: {  	_ =	swait.ge [sflag:s17], $0x4000  }
0x1af: {  	[sflag:s17] =	ssyncset.done $0x0  }
0x1b0: {  	[sflag:s17] =	ssyncadd.s32 $0xFFFFC000  }
0x1b1: {  	[spmem:s2] =	stream.indirect.scatter.add.f32 [tilespmem:s15], [sflag:$0x3], $0x80, s31, s13, $0xb8;
	[tilespmem:$0x1D000] =	vst v63  }
0x1b2: {  	_ =	swait.ge [sflag:s10], $0x4000  }
0x1b3: {  	[sflag:s10] =	ssyncset.done $0x0  }
0x1b4: {  	[sflag:s10] =	ssyncadd.s32 $0xFFFFC000  }
0x1b5: {  	[tilespmem:s15], [sflag:$0x2] =	stream.indirect.gather [hbm4b:s4+s13], $0x80, s0, s13, $0xb8;
	[tilespmem:$0x1D000] =	vst v63  }
0x1b6: {  	_ =	swait.ge [sflag:s16], $0x4000  }
0x1b7: {  	[sflag:s16] =	ssyncset.done $0x0  }
0x1b8: {  	[sflag:s16] =	ssyncadd.s32 $0xFFFFC000  }
0x1b9: {  	[spmem:s2] =	stream.indirect.scatter.add.f32 [tilespmem:s14], [sflag:$0x3], $0x80, s1, s13, $0xb8;
	[tilespmem:$0x1D000] =	vst v63  }
0x1ba: {  	_ =	swait.ge [sflag:s10], $0x4000  }
0x1bb: {  	[sflag:s10] =	ssyncset.done $0x0  }
0x1bc: {  	[sflag:s10] =	ssyncadd.s32 $0xFFFFC000  }
0x1bd: {  	_ =	swait.ge [sflag:s17], $0x4000  }
0x1be: {  	[sflag:s17] =	ssyncset.done $0x0  }
0x1bf: {  	[sflag:s17] =	ssyncadd.s32 $0xFFFFC000  }
0x1c0: {  	[spmem:s2] =	stream.indirect.scatter.add.f32 [tilespmem:s15], [sflag:$0x3], $0x80, s5, s13, $0xb8;
	[tilespmem:$0x1D000] =	vst v63  }
0x1c1: {  	_ =	swait.ge [sflag:s10], $0x4000  }
0x1c2: {  	[sflag:s10] =	ssyncset.done $0x0  }
0x1c3: {  	[sflag:s10] =	ssyncadd.s32 $0xFFFFC000  }
0x1c4: {  	[bflag:$0x0] =	sbarrier.arrive $0xFFFF  }
0x1c5: {  	s7 =	rddreg [dreg:$0x14]  }
0x1c6: {  	s9 =	rddreg [dreg:$0x15]  }
0x1c7: {  	s8 =	rddreg [dreg:$0x17]  }
0x1c8: {  	[hbm:s9], [sflag:s7] =	dma.local [spmem:s8], $0x2800  }
0x1c9: {  	_ =	swait.ge [sflag:s10], $0x2800  }
0x1ca: {  	s6 =	rddreg [dreg:$0x18]  }
0x1cb: {  	s9 =	sadd.s32 $0x1, s6;
	s6 =	rddreg [dreg:$0x16]  }
0x1cc: {  	p0 =	sne.s32 s9, s6  }
.Ltmp1:
0x1cd: {  	_ = 	snop;
	(pc) =	sbr.rel @p0 .LBB2_1-.Ltmp1, $3  }
0x1ce: {  	_ =	sdelay $0x1  }
0x1cf: {  	[sflag:s10] =	ssyncset.done $0x0  }
0x1d0: {  	[sflag:s10] =	ssyncadd.s32 $0xFFFFD800  }
0x1d1: {  	_ =	sfence.sel $0x180000  }
0x1d2: {  	[bflag:$0x0] =	sbarrier.arrive $0xFFFF  }
0x1d3: {  	_ =	strace $0x90000050  }
0x1d4: {  	s0 =	stileid.u32;
	[bflag:$0x2] =	sbarrier.arrive $0xFFFF  }
0x1d5: {  	p0 =	sne.s32 s0, $0x0;
	s0 =	rddreg [dreg:$0x2]  }
0x1d6: {  	s0 =	sadd.s32 @!p0 $0x100000, s0  }
0x1d7: {  	[sflag:s0] =	ssyncadd.tile.s32 @!p0 $0x1;
	_ =	shalt  }
.Lfunc_end2:
_tile_overlayer_lowered:
.L_overlay_start_2:
0x1d8: {  	(tag) =	ssettag $0x2  }
0x1d9: {  	s0 =	rddreg [dreg:$0x0];
	s2 =	stileid.u32  }
0x1da: {  	s1 =	rddreg [dreg:$0x1];
	p0 =	sne.s32 s2, $0x0  }
0x1db: {  	s3 =	rddreg [dreg:$0x2];
	[bflag:$0x3] =	sbarrier.arrive $0xFFFF;
	s2 =	simm.s32 @!p0 $0x1C03  }
0x1dc: {  	[timem:s3], [sflag:s2] =	dma.local @!p0 [hbm:s0], s1  }
0x1dd: {  	s0 =	simm.s32 @!p0 $0x3  }
0x1de: {  	_ =	swait.ge @!p0 [sflag:s0], s1  }
0x1df: {  	s1 =	ssub.s32 @!p0 $0x0, s1;
	[sflag:s0] =	ssyncset.done @!p0 $0x0  }
0x1e0: {  	[sflag:s0] =	ssyncadd.s32 @!p0 s1  }
0x1e1: {  	[bflag:$0x3] =	sbarrier.arrive $0xFFFF  }
0x1e2: {  	_ =	shalt  }

// kernel: kernel.9.cloned.1.call-start
scs
__scs_entry_jumppad:
0x0: {  	(pc) =	sbr.rel $0x88, $3  }
0x1: {  	(tag) =	ssettag $0x0;
	lr =	simm.s32 $0x1  }
0x2: {  	[smem:$0x3F98] =	sst lr;
	_ =	strace $0xD0000000  }
0x3: {  	_ = 	snop  }
0x4: {  	_ = 	snop  }
0x5: {  	_ = 	snop  }
0x6: {  	_ = 	snop  }
0x7: {  	_ = 	snop  }
__scs_overlays_trampoline_lowered:
0x8: {  	[smem:$0x3FA7] =	sst s0  }
0x9: {  	[smem:$0x3FA8] =	sst s1  }
0xa: {  	[smem:$0x3FA9] =	sst s2  }
0xb: {  	[smem:$0x3FAA] =	sst s3  }
0xc: {  	[smem:$0x3FAB] =	sst s4  }
0xd: {  	[smem:$0x3FAC] =	sst s5  }
0xe: {  	[smem:$0x3FAD] =	sst s6  }
0xf: {  	[smem:$0x3FAE] =	sst s7  }
0x10: {  	[smem:$0x3FAF] =	sst s8  }
0x11: {  	[smem:$0x3FB0] =	sst s9;
	s0 =	simm.s32 @!p0 $0x0  }
0x12: {  	s1 =	sld [smem:$0x3F96];
	s0 =	simm.s32 @p0 $0x1  }
0x13: {  	[smem:$0x3FB1] =	sst s0;
	s0 =	simm.s32 @!p1 $0x0  }
0x14: {  	s2 =	sld [smem:$0x3F95];
	s0 =	simm.s32 @p1 $0x1  }
0x15: {  	[smem:$0x3FB2] =	sst s0;
	s0 =	simm.s32 @!p2 $0x0  }
0x16: {  	s3 =	sld [smem:$0x3FDB];
	s0 =	simm.s32 @p2 $0x1  }
0x17: {  	s4 =	simm.s32 $0x1BF5;
	[smem:$0x3FB4] =	sst s0  }
0x18: {  	s0 =	sld [smem:$0x3F97];
	_ =	swait.ge [sflag:s4], $0x0  }
0x19: {  	s7 =	sld [smem:$0x3F98]  }
0x1a: {  	s8 =	sadd.s32 $0xFFFFE003, lr  }
0x1b: {  	s9 =	sadd.s32 $0xFFFFFEF7, lr;
	s5 =	simm.s32 $0xFFFFFFFF;
	p2 =	slt.u32 s8, $0xFFFFF086  }
0x1c: {  	p1 =	slt.u32 s9, $0xF7A;
	s5 =	simm.s32 @!p2 $0x0  }
0x1d: {  	s5 =	simm.s32 @p1 $0x1;
	p0 =	seq.s32 s7, s2  }
0x1e: {  	s7 =	smul.u32 @!p0 $0xF7A, s2;
	p2 =	seq.s32 @!p0 s5, $0x0  }
0x1f: {  	s9 =	smul.u32 $0xF7A, s1;
	s8 =	simm.s32 @!p0 $0x1BF5;
	p2 =	por !p2, p0  }
0x20: {  	[sflag:s8] =	ssyncset.s32 @!p0 $0xFFFFF086;
	s6 =	sadd.s32 @!p0 s3, s7;
	s7 =	simm.s32 @!p0 $0x108  }
0x21: {  	s3 =	sadd.s32 s3, s9;
	s6 =	sadd.s32 @!p0 $0x88, s6;
	s7 =	simm.s32 @p2 $0x1082  }
0x22: {  	[simem:s7], [sflag:s8] =	dma.local @!p0 [hbm:s6], $0xF7A  }
0x23: {  	s9 =	sor.u32 $0xD0000000, s2;
	s6 =	simm.s32 $0x108;
	_ =	swait.ge @!p0 [sflag:s8], $0x0  }
0x24: {  	s3 =	sadd.s32 $0x88, s3;
	s6 =	simm.s32 @!p1 $0x1082;
	[sflag:s4] =	ssyncset.s32 $0xFFFFF086  }
0x25: {  	[simem:s6], [sflag:s4] =	dma.local [hbm:s3], $0xF7A  }
0x26: {  	[smem:$0x3F98] =	sst s1;
	(tag) =	ssettag s2;
	_ =	strace s9  }
0x27: {  	s1 =	sld [smem:$0x3FA8]  }
0x28: {  	s2 =	sld [smem:$0x3FA9]  }
0x29: {  	s4 =	sld [smem:$0x3FAB]  }
0x2a: {  	p0 =	seq.s32 s5, $0x0;
	s5 =	sld [smem:$0x3FAC]  }
0x2b: {  	s6 =	sld [smem:$0x3FAD]  }
0x2c: {  	s7 =	sld [smem:$0x3FAE]  }
0x2d: {  	s3 =	simm.s32 $0x108;
	s8 =	sld [smem:$0x3FAF]  }
0x2e: {  	s3 =	simm.s32 @!p0 $0x1082;
	s9 =	sld [smem:$0x3FB0]  }
0x2f: {  	lr =	sadd.s32 s0, s3;
	s0 =	sld [smem:$0x3FA7]  }
0x30: {  	s3 =	sld [smem:$0x3FAA]  }
0x31: {  	[smem:$0x3FB3] =	sst s10  }
0x32: {  	s10 =	sld [smem:$0x3FB1];
	_ =	sdelay $0x3  }
0x33: {  	p0 =	seq.s32 s10, $0x1;
	s10 =	sld [smem:$0x3FB3];
	_ =	sdelay $0x3  }
0x34: {  	[smem:$0x3FB3] =	sst s10  }
0x35: {  	s10 =	sld [smem:$0x3FB2];
	_ =	sdelay $0x3  }
0x36: {  	p1 =	seq.s32 s10, $0x1;
	s10 =	sld [smem:$0x3FB3];
	_ =	sdelay $0x3  }
0x37: {  	[smem:$0x3FB3] =	sst s10  }
0x38: {  	s10 =	sld [smem:$0x3FB4]  }
0x39: {  	_ = 	snop;
	(pc) =	sbr.ind lr, $3  }
0x3a: {  	_ = 	snop  }
0x3b: {  	_ = 	snop  }
0x3c: {  	p2 =	seq.s32 s10, $0x1;
	s10 =	sld [smem:$0x3FB3]  }
0x3d: {  	_ =	shalt  }
0x3e: {  	_ =	shalt  }
0x3f: {  	_ =	shalt  }
0x40: {  	_ =	shalt  }
0x41: {  	_ =	shalt  }
0x42: {  	_ =	shalt  }
0x43: {  	_ =	shalt  }
0x44: {  	_ =	shalt  }
0x45: {  	_ =	shalt  }
0x46: {  	_ =	shalt  }
0x47: {  	_ =	shalt  }
0x48: {  	_ =	shalt  }
0x49: {  	_ =	shalt  }
0x4a: {  	_ =	shalt  }
0x4b: {  	_ =	shalt  }
0x4c: {  	_ =	shalt  }
0x4d: {  	_ =	shalt  }
0x4e: {  	_ =	shalt  }
0x4f: {  	_ =	shalt  }
0x50: {  	_ =	shalt  }
0x51: {  	_ =	shalt  }
0x52: {  	_ =	shalt  }
0x53: {  	_ =	shalt  }
0x54: {  	_ =	shalt  }
0x55: {  	_ =	shalt  }
0x56: {  	_ =	shalt  }
0x57: {  	_ =	shalt  }
0x58: {  	_ =	shalt  }
0x59: {  	_ =	shalt  }
0x5a: {  	_ =	shalt  }
0x5b: {  	_ =	shalt  }
0x5c: {  	_ =	shalt  }
0x5d: {  	_ =	shalt  }
0x5e: {  	_ =	shalt  }
0x5f: {  	_ =	shalt  }
0x60: {  	_ =	shalt  }
0x61: {  	_ =	shalt  }
0x62: {  	_ =	shalt  }
0x63: {  	_ =	shalt  }
0x64: {  	_ =	shalt  }
0x65: {  	_ =	shalt  }
0x66: {  	_ =	shalt  }
0x67: {  	_ =	shalt  }
0x68: {  	_ =	shalt  }
0x69: {  	_ =	shalt  }
0x6a: {  	_ =	shalt  }
0x6b: {  	_ =	shalt  }
0x6c: {  	_ =	shalt  }
0x6d: {  	_ =	shalt  }
0x6e: {  	_ =	shalt  }
0x6f: {  	_ =	shalt  }
0x70: {  	_ =	shalt  }
0x71: {  	_ =	shalt  }
0x72: {  	_ =	shalt  }
0x73: {  	_ =	shalt  }
0x74: {  	_ =	shalt  }
0x75: {  	_ =	shalt  }
0x76: {  	_ =	shalt  }
0x77: {  	_ =	shalt  }
0x78: {  	_ =	shalt  }
0x79: {  	_ =	shalt  }
0x7a: {  	_ =	shalt  }
0x7b: {  	_ =	shalt  }
0x7c: {  	_ =	shalt  }
0x7d: {  	_ =	shalt  }
0x7e: {  	_ =	shalt  }
0x7f: {  	_ =	shalt  }
0x80: {  	_ =	shalt  }
0x81: {  	_ =	shalt  }
0x82: {  	_ =	shalt  }
0x83: {  	_ =	shalt  }
0x84: {  	_ =	shalt  }
0x85: {  	_ =	shalt  }
0x86: {  	_ =	shalt  }
0x87: {  	_ =	shalt  }
.Lfunc_end0:
.L_simem_size_0:
called_computation_lowered:
.L_overlay_start_0:
0x88: {  	s2 =	sld [smem:$0x3FD9]  }
0x89: {  	s3 =	sld [smem:$0x3FFE];
	_ =	sdelay $0x1  }
0x8a: {  	s1 =	srdreg.scid  }
0x8b: {  	s0 =	sand.u32 $0x1, s1  }
0x8c: {  	s16 =	sshll.u32 s0, $0xA;
	s2 =	sadd.s32 s3, s2  }
0x8d: {  	s2 =	sadd.s32 s2, s16  }
0x8e: {  	[smem:$0x3FBF] =	sst s2  }
0x8f: {  	_ = 	snop  }
0x90: {  	(tm) =	ssettm $0x1  }
0x91: {  	s17 =	sld [smem:$0x3FFB];
	_ =	sdelay $0x3  }
0x92: {  	_ =	strace s17  }
0x93: {  	s2 =	sld [smem:$0x3FFC];
	_ =	sdelay $0x3  }
0x94: {  	_ =	strace s2  }
0x95: {  	s2 =	sld [smem:$0x3FFD];
	_ =	sdelay $0x3  }
0x96: {  	_ =	strace s2  }
0x97: {  	_ =	strace $0x8FFFFFFF  }
0x98: {  	s18 =	sld [smem:$0x3FDB];
	_ =	sdelay $0x1  }
0x99: {  	s19 =	simm.s32 $_scs_section_size  }
0x9a: {  	s4 =	simm.s32 $_size__tile_overlayer_lowered;
	s5 =	simm.s32 $_tile_overlayer_lowered  }
0x9b: {  	s22 =	simm.s32 $0x1BFF;
	s21 =	sshll.u32 s5, $0x1;
	s2 =	sadd.s32 s19, s18  }
0x9c: {  	s6 =	simm.s32 $0x0;
	s20 =	sshll.u32 s4, $0x1;
	s4 =	sadd.s32 s21, s2  }
0x9d: {  	[timem:s6], [sflag:s22] =	dma.local [hbm:s4], s20  }
0x9e: {  	_ =	swait.ge [sflag:s22], s20  }
0x9f: {  	s3 =	ssub.s32 $0x0, s20;
	[sflag:s22] =	ssyncset.done $0x0  }
0xa0: {  	[sflag:s22] =	ssyncadd.s32 s3;
	_ =	sdelay $0x1  }
0xa1: {  	s23 =	simm.s32 $0x1B8B  }
0xa2: {  	_ =	swait.ge [sflag:s23], $0x1  }
0xa3: {  	[sflag:s23] =	ssyncset.done $0x0  }
0xa4: {  	s25 =	simm.s32 $0x1B8E;
	s24 =	sld [smem:$0x3FFE];
	[sflag:s23] =	ssyncadd.s32 $0xFFFFFFFF  }
0xa5: {  	s26 =	simm.s32 $execute0_lowered;
	[smem:$0x3FD2] =	sst s25  }
0xa6: {  	s4 =	sshll.u32 s26, $0x1;
	_ =	strace $0x80000046;
	[dreg:$0x1] =	wrdreg $0xFFFFFFFF  }
0xa7: {  	s28 =	simm.s32 $_size_execute0_lowered;
	s2 =	sadd.s32 s2, s4;
	[dreg:$0x0] =	wrdreg $0x0  }
0xa8: {  	s4 =	sshll.u32 s28, $0x1;
	[dreg:$0x2] =	wrdreg s2  }
0xa9: {  	[dreg:$0x3] =	wrdreg s4  }
0xaa: {  	[dreg:$0x4] =	wrdreg $0xC0  }
0xab: {  	_ =	task [dreg:s6], $0x5FFFF  }
0xac: {  	[dreg:$0x1] =	wrdreg $0xFFFFFFFF  }
0xad: {  	[dreg:$0x0] =	wrdreg $0x60  }
0xae: {  	[dreg:$0x2] =	wrdreg s24  }
0xaf: {  	[dreg:$0x3] =	wrdreg $0x0  }
0xb0: {  	[dreg:$0x4] =	wrdreg $0x9  }
0xb1: {  	_ =	task.clear_ibuf [dreg:s6], $0x5FFFF;
	_ =	strace $0x90000046  }
0xb2: {  	s29 =	simm.s32 $0x9;
	_ =	strace $0x80000048  }
0xb3: {  	_ =	swait.ge [sflag:s29], $0x1  }
0xb4: {  	[sflag:s29] =	ssyncadd.s32 $0xFFFFFFFF  }
0xb5: {  	_ =	strace $0x90000048  }
0xb6: {  	_ =	sfence  }
0xb7: {  	s30 =	sld [smem:$0x0];
	_ =	sdelay $0x2  }
0xb8: {  	s31 =	sshll.u32 s1, $0xD;
	s1 =	sshrl.u32 s1, $0x2  }
0xb9: {  	s3 =	sand.u32 $0x4000, s31;
	s1 =	sadd.s32 s1, s30  }
0xba: {  	s0 =	sor.u32 s3, s0;
	s1 =	sshll.u32 s1, $0x11  }
0xbb: {  	s0 =	sor.u32 s1, s0  }
0xbc: {  	s0 =	sadd.s32 $0x8F2B, s0  }
0xbd: {  	[sflag:s0] =	ssyncadd.remote.s32 $0x1  }
0xbe: {  	_ =	sfence.sel $0xFFFF  }
0xbf: {  	[dreg:$0x0] =	wrdreg $0xFFFFFFFF;
	(pc) =	sbr.abs _section_cstart, $3  }
0xc0: {  	[dreg:$0x1] =	wrdreg $0xFFFFFFFF  }
0xc1: {  	_ =	task.clear_ibuf [dreg:s6], $0x2FFFF;
	_ =	strace $0x9FFFFFFF  }
0xc2: {  	(tm) =	ssettm $0x7FFFFFFF  }
0xc3: {  	_ =	shalt  }
tec
execute0_lowered:
.L_overlay_start_1:
0x0: {  	(tag) =	ssettag $0x1  }
0x1: {  	s6 =	rddreg [dreg:$0x0]  }
0x2: {  	s2 =	rddreg [dreg:$0x1]  }
0x3: {  	s0 =	srdreg.scid;
	s1 =	rddreg [dreg:$0x2]  }
0x4: {  	s3 =	simm.s32 $0x0;
	s12 =	simm.s32 $0x16800;
	s5 =	sand.u32 $0x1, s0  }
0x5: {  	s13 =	simm.s32 $0x14000;
	s0 =	stileid.u32;
	s4 =	smul.u32 $0x5000, s5  }
0x6: {  	s14 =	simm.s32 $0x80;
	s15 =	simm.s32 $0x1;
	s7 =	smul.u32 $0x500, s0  }
0x7: {  	s16 =	simm.s32 $0x0;
	[smem:$0x7FF] =	sst s3;
	s8 =	smul.u32 $0x2800, s0  }
0x8: {  	s9 =	smul.u32 $0x28000, s5;
	_ =	strace $0x80000047;
	s28 =	ssub.s32 $0x2, s5  }
0x9: {  	s10 =	smul.u32 $0x50000, s0;
	s5 =	sadd.s32 $0x12600, s6;
	s31 =	sshll.u32 s0, $0x6  }
0xa: {  	s29 =	sshrl.u32 s28, $0x1;
	s7 =	sadd.s32 s7, s4;
	s4 =	sadd.s32 $0x14E00, s6  }
0xb: {  	s8 =	sadd.s32 s8, s9;
	s9 =	ssub.s32 s28, s29;
	s30 =	sshrl.u32 s10, $0x2  }
0xc: {  	s7 =	sadd.s32 s7, s6;
	s8 =	sadd.s32 s8, s6;
	s11 =	sadd.s32 s30, s2  }
0xd: {  	s6 =	sor.u32 $0x1C02, s31;
	s9 =	smax.u32 s9, $0x1;
	s7 =	sadd.s32 $0x8600, s7  }
0xe: {  	s8 =	sadd.s32 $0x15600, s8;
	s10 =	sshrl.u32 s11, $0x3;
	s11 =	simm.s32 $0x2  }
.LBB2_1:
0xf: {  	[spmem:s10], [sflag:s6] =	dma.local [hbm:s5], $0x2800  }
0x10: {  	_ =	swait.ge [sflag:s11], $0x2800  }
0x11: {  	[sflag:s11] =	ssyncset.done $0x0  }
0x12: {  	[sflag:s11] =	ssyncadd.s32 $0xFFFFD800  }
0x13: {  	[tilespmem:s12], [sflag:$0x2] =	stream.linear.gather [hbm4b:s4+s3], $0x4000, $0x38;
	[tilespmem:$0x1A800] =	vst v63  }
0x14: {  	_ =	swait.ge [sflag:s11], $0x4000  }
0x15: {  	[sflag:s11] =	ssyncset.done $0x0  }
0x16: {  	[sflag:s11] =	ssyncadd.s32 $0xFFFFC000  }
0x17: {  	[tilespmem:s13], [sflag:$0x2] =	stream.linear.gather [hbm4b:s7+s3], $0x2800, $0x38;
	[tilespmem:$0x1A800] =	vst v63  }
0x18: {  	_ =	swait.ge [sflag:s11], $0x2800  }
0x19: {  	[sflag:s11] =	ssyncset.done $0x0  }
0x1a: {  	[sflag:s11] =	ssyncadd.s32 $0xFFFFD800  }
0x1b: {  	s17 =	simm.s32 $0x14000;
	[bflag:$0x0] =	sbarrier.arrive $0xFFFF  }
0x1c: {  	[spmem:s2] =	stream.indirect.scatter.add.f32 [tilespmem:s12], [sflag:$0x1], $0x80, s17, s14, $0xb8;
	[tilespmem:$0x1A800] =	vst v63  }
0x1d: {  	s24 =	simm.s32 $0x14080  }
0x1e: {  	[spmem:s2] =	stream.indirect.scatter.add.f32 [tilespmem:s12], [sflag:$0x1], $0x80, s24, s14, $0xb8;
	[tilespmem:$0x1A800] =	vst v63  }
0x1f: {  	s25 =	simm.s32 $0x14100  }
0x20: {  	[spmem:s2] =	stream.indirect.scatter.add.f32 [tilespmem:s12], [sflag:$0x1], $0x80, s25, s14, $0xb8;
	[tilespmem:$0x1A800] =	vst v63  }
0x21: {  	s26 =	simm.s32 $0x14180  }
0x22: {  	[spmem:s2] =	stream.indirect.scatter.add.f32 [tilespmem:s12], [sflag:$0x1], $0x80, s26, s14, $0xb8;
	[tilespmem:$0x1A800] =	vst v63  }
0x23: {  	s28 =	simm.s32 $0x14200  }
0x24: {  	[spmem:s2] =	stream.indirect.scatter.add.f32 [tilespmem:s12], [sflag:$0x1], $0x80, s28, s14, $0xb8;
	[tilespmem:$0x1A800] =	vst v63  }
0x25: {  	s29 =	simm.s32 $0x14280  }
0x26: {  	[spmem:s2] =	stream.indirect.scatter.add.f32 [tilespmem:s12], [sflag:$0x1], $0x80, s29, s14, $0xb8;
	[tilespmem:$0x1A800] =	vst v63  }
0x27: {  	s30 =	simm.s32 $0x14300  }
0x28: {  	[spmem:s2] =	stream.indirect.scatter.add.f32 [tilespmem:s12], [sflag:$0x1], $0x80, s30, s14, $0xb8;
	[tilespmem:$0x1A800] =	vst v63  }
0x29: {  	s31 =	simm.s32 $0x14380  }
0x2a: {  	[spmem:s2] =	stream.indirect.scatter.add.f32 [tilespmem:s12], [sflag:$0x1], $0x80, s31, s14, $0xb8;
	[tilespmem:$0x1A800] =	vst v63  }
0x2b: {  	_ =	swait.ge [sflag:s15], $0x4000  }
0x2c: {  	[sflag:s15] =	ssyncset.done $0x0  }
0x2d: {  	[sflag:s15] =	ssyncadd.s32 $0xFFFFC000  }
0x2e: {  	_ =	swait.ge [sflag:s15], $0x4000  }
0x2f: {  	[sflag:s15] =	ssyncset.done $0x0  }
0x30: {  	[sflag:s15] =	ssyncadd.s32 $0xFFFFC000  }
0x31: {  	_ =	swait.ge [sflag:s15], $0x4000  }
0x32: {  	[sflag:s15] =	ssyncset.done $0x0  }
0x33: {  	[sflag:s15] =	ssyncadd.s32 $0xFFFFC000  }
0x34: {  	_ =	swait.ge [sflag:s15], $0x4000  }
0x35: {  	[sflag:s15] =	ssyncset.done $0x0  }
0x36: {  	[sflag:s15] =	ssyncadd.s32 $0xFFFFC000  }
0x37: {  	_ =	swait.ge [sflag:s15], $0x4000  }
0x38: {  	[sflag:s15] =	ssyncset.done $0x0  }
0x39: {  	[sflag:s15] =	ssyncadd.s32 $0xFFFFC000  }
0x3a: {  	_ =	swait.ge [sflag:s15], $0x4000  }
0x3b: {  	[sflag:s15] =	ssyncset.done $0x0  }
0x3c: {  	[sflag:s15] =	ssyncadd.s32 $0xFFFFC000  }
0x3d: {  	_ =	swait.ge [sflag:s15], $0x4000  }
0x3e: {  	[sflag:s15] =	ssyncset.done $0x0  }
0x3f: {  	[sflag:s15] =	ssyncadd.s32 $0xFFFFC000  }
0x40: {  	_ =	swait.ge [sflag:s15], $0x4000  }
0x41: {  	s20 =	simm.s32 $0x2000;
	s19 =	simm.s32 $0x400;
	[sflag:s15] =	ssyncset.done $0x0  }
.LBB2_2:
0x42: {  	s21 =	sadd.s32 $0x14000, s19  }
0x43: {  	[sflag:s15] =	ssyncadd.s32 $0xFFFFC000;
	s18 =	smov.u32 s20;
	s17 =	sadd.s32 $0x1000, s20  }
0x44: {  	[spmem:s2] =	stream.indirect.scatter.add.f32 [tilespmem:s12], [sflag:$0x1], $0x80, s21, s14, $0xb8;
	[tilespmem:$0x1A800] =	vst v63  }
0x45: {  	p0 =	sne.s32 s20, $0x9000;
	s20 =	sadd.s32 $0x14080, s19  }
0x46: {  	[spmem:s2] =	stream.indirect.scatter.add.f32 [tilespmem:s12], [sflag:$0x1], $0x80, s20, s14, $0xb8;
	[tilespmem:$0x1A800] =	vst v63  }
0x47: {  	s20 =	sadd.s32 $0x14100, s19  }
0x48: {  	[spmem:s2] =	stream.indirect.scatter.add.f32 [tilespmem:s12], [sflag:$0x1], $0x80, s20, s14, $0xb8;
	[tilespmem:$0x1A800] =	vst v63  }
0x49: {  	s20 =	sadd.s32 $0x14180, s19  }
0x4a: {  	[spmem:s2] =	stream.indirect.scatter.add.f32 [tilespmem:s12], [sflag:$0x1], $0x80, s20, s14, $0xb8;
	[tilespmem:$0x1A800] =	vst v63  }
0x4b: {  	s20 =	sadd.s32 $0x14200, s19  }
0x4c: {  	[spmem:s2] =	stream.indirect.scatter.add.f32 [tilespmem:s12], [sflag:$0x1], $0x80, s20, s14, $0xb8;
	[tilespmem:$0x1A800] =	vst v63  }
0x4d: {  	s20 =	sadd.s32 $0x14280, s19  }
0x4e: {  	[spmem:s2] =	stream.indirect.scatter.add.f32 [tilespmem:s12], [sflag:$0x1], $0x80, s20, s14, $0xb8;
	[tilespmem:$0x1A800] =	vst v63  }
0x4f: {  	s20 =	sadd.s32 $0x14300, s19  }
0x50: {  	[spmem:s2] =	stream.indirect.scatter.add.f32 [tilespmem:s12], [sflag:$0x1], $0x80, s20, s14, $0xb8;
	[tilespmem:$0x1A800] =	vst v63  }
0x51: {  	s19 =	sadd.s32 $0x14380, s19  }
0x52: {  	[spmem:s2] =	stream.indirect.scatter.add.f32 [tilespmem:s12], [sflag:$0x1], $0x80, s19, s14, $0xb8;
	[tilespmem:$0x1A800] =	vst v63  }
0x53: {  	_ =	swait.ge [sflag:s15], $0x4000  }
0x54: {  	[sflag:s15] =	ssyncset.done $0x0  }
0x55: {  	[sflag:s15] =	ssyncadd.s32 $0xFFFFC000  }
0x56: {  	_ =	swait.ge [sflag:s15], $0x4000  }
0x57: {  	[sflag:s15] =	ssyncset.done $0x0  }
0x58: {  	[sflag:s15] =	ssyncadd.s32 $0xFFFFC000  }
0x59: {  	_ =	swait.ge [sflag:s15], $0x4000  }
0x5a: {  	[sflag:s15] =	ssyncset.done $0x0  }
0x5b: {  	[sflag:s15] =	ssyncadd.s32 $0xFFFFC000  }
0x5c: {  	_ =	swait.ge [sflag:s15], $0x4000  }
0x5d: {  	[sflag:s15] =	ssyncset.done $0x0  }
0x5e: {  	[sflag:s15] =	ssyncadd.s32 $0xFFFFC000  }
0x5f: {  	_ =	swait.ge [sflag:s15], $0x4000  }
0x60: {  	[sflag:s15] =	ssyncset.done $0x0  }
0x61: {  	[sflag:s15] =	ssyncadd.s32 $0xFFFFC000  }
0x62: {  	_ =	swait.ge [sflag:s15], $0x4000  }
0x63: {  	[sflag:s15] =	ssyncset.done $0x0  }
0x64: {  	[sflag:s15] =	ssyncadd.s32 $0xFFFFC000  }
.Ltmp0:
0x65: {  	_ =	swait.ge [sflag:s15], $0x4000;
	(pc) =	sbr.rel @p0 .LBB2_2-.Ltmp0, $4  }
0x66: {  	[sflag:s15] =	ssyncset.done $0x0  }
0x67: {  	[sflag:s15] =	ssyncadd.s32 $0xFFFFC000  }
0x68: {  	_ =	swait.ge [sflag:s15], $0x4000  }
0x69: {  	s20 =	smov.u32 s17;
	s19 =	sshra.s32 s18, $0x2;
	[sflag:s15] =	ssyncset.done $0x0  }
0x6a: {  	s17 =	sadd.s32 $0x14000, s19;
	[sflag:s15] =	ssyncadd.s32 $0xFFFFC000  }
0x6b: {  	[spmem:s2] =	stream.indirect.scatter.add.f32 [tilespmem:s12], [sflag:$0x1], $0x80, s17, s14, $0xb8;
	[tilespmem:$0x1A800] =	vst v63  }
0x6c: {  	s24 =	sadd.s32 $0x14080, s19  }
0x6d: {  	[spmem:s2] =	stream.indirect.scatter.add.f32 [tilespmem:s12], [sflag:$0x1], $0x80, s24, s14, $0xb8;
	[tilespmem:$0x1A800] =	vst v63  }
0x6e: {  	s25 =	sadd.s32 $0x14100, s19  }
0x6f: {  	[spmem:s2] =	stream.indirect.scatter.add.f32 [tilespmem:s12], [sflag:$0x1], $0x80, s25, s14, $0xb8;
	[tilespmem:$0x1A800] =	vst v63  }
0x70: {  	s26 =	sadd.s32 $0x14180, s19  }
0x71: {  	[spmem:s2] =	stream.indirect.scatter.add.f32 [tilespmem:s12], [sflag:$0x1], $0x80, s26, s14, $0xb8;
	[tilespmem:$0x1A800] =	vst v63  }
0x72: {  	s28 =	sadd.s32 $0x14200, s19  }
0x73: {  	[spmem:s2] =	stream.indirect.scatter.add.f32 [tilespmem:s12], [sflag:$0x1], $0x80, s28, s14, $0xb8;
	[tilespmem:$0x1A800] =	vst v63  }
0x74: {  	s29 =	sadd.s32 $0x14280, s19  }
0x75: {  	[spmem:s2] =	stream.indirect.scatter.add.f32 [tilespmem:s12], [sflag:$0x1], $0x80, s29, s14, $0xb8;
	[tilespmem:$0x1A800] =	vst v63  }
0x76: {  	s30 =	sadd.s32 $0x14300, s19  }
0x77: {  	[spmem:s2] =	stream.indirect.scatter.add.f32 [tilespmem:s12], [sflag:$0x1], $0x80, s30, s14, $0xb8;
	[tilespmem:$0x1A800] =	vst v63  }
0x78: {  	s31 =	sadd.s32 $0x14380, s19  }
0x79: {  	[spmem:s2] =	stream.indirect.scatter.add.f32 [tilespmem:s12], [sflag:$0x1], $0x80, s31, s14, $0xb8;
	[tilespmem:$0x1A800] =	vst v63  }
0x7a: {  	_ =	swait.ge [sflag:s15], $0x4000  }
0x7b: {  	[sflag:s15] =	ssyncset.done $0x0  }
0x7c: {  	[sflag:s15] =	ssyncadd.s32 $0xFFFFC000  }
0x7d: {  	_ =	swait.ge [sflag:s15], $0x4000  }
0x7e: {  	[sflag:s15] =	ssyncset.done $0x0  }
0x7f: {  	[sflag:s15] =	ssyncadd.s32 $0xFFFFC000  }
0x80: {  	_ =	swait.ge [sflag:s15], $0x4000  }
0x81: {  	[sflag:s15] =	ssyncset.done $0x0  }
0x82: {  	[sflag:s15] =	ssyncadd.s32 $0xFFFFC000  }
0x83: {  	_ =	swait.ge [sflag:s15], $0x4000  }
0x84: {  	[sflag:s15] =	ssyncset.done $0x0  }
0x85: {  	[sflag:s15] =	ssyncadd.s32 $0xFFFFC000  }
0x86: {  	_ =	swait.ge [sflag:s15], $0x4000  }
0x87: {  	[sflag:s15] =	ssyncset.done $0x0  }
0x88: {  	[sflag:s15] =	ssyncadd.s32 $0xFFFFC000  }
0x89: {  	_ =	swait.ge [sflag:s15], $0x4000  }
0x8a: {  	[sflag:s15] =	ssyncset.done $0x0  }
0x8b: {  	[sflag:s15] =	ssyncadd.s32 $0xFFFFC000  }
0x8c: {  	_ =	swait.ge [sflag:s15], $0x4000  }
0x8d: {  	[sflag:s15] =	ssyncset.done $0x0  }
0x8e: {  	[sflag:s15] =	ssyncadd.s32 $0xFFFFC000  }
0x8f: {  	_ =	swait.ge [sflag:s15], $0x4000  }
0x90: {  	s16 =	sadd.s32 $0x1, s16;
	[sflag:s15] =	ssyncset.done $0x0  }
0x91: {  	p0 =	sne.s32 s16, s9;
	[sflag:s15] =	ssyncadd.s32 $0xFFFFC000  }
.Ltmp1:
0x92: {  	[bflag:$0x0] =	sbarrier.arrive $0xFFFF;
	(pc) =	sbr.rel @p0 .LBB2_1-.Ltmp1, $4  }
0x93: {  	[hbm:s8], [sflag:s6] =	dma.local [spmem:s10], $0x2800  }
0x94: {  	_ =	swait.ge [sflag:s11], $0x2800  }
0x95: {  	[sflag:s11] =	ssyncset.done $0x0  }
0x96: {  	[sflag:s11] =	ssyncadd.s32 $0xFFFFD800  }
0x97: {  	_ =	sfence.sel $0x180000  }
0x98: {  	[bflag:$0x0] =	sbarrier.arrive $0xFFFF  }
0x99: {  	p0 =	sne.s32 s0, $0x0;
	_ =	strace $0x90000047  }
0x9a: {  	s0 =	sadd.s32 @!p0 $0x100000, s1;
	[bflag:$0x2] =	sbarrier.arrive $0xFFFF  }
0x9b: {  	[sflag:s0] =	ssyncadd.tile.s32 @!p0 $0x1;
	_ =	shalt  }
.Lfunc_end2:
_tile_overlayer_lowered:
.L_overlay_start_2:
0x9c: {  	(tag) =	ssettag $0x2  }
0x9d: {  	s0 =	rddreg [dreg:$0x0];
	s2 =	stileid.u32  }
0x9e: {  	s1 =	rddreg [dreg:$0x1];
	p0 =	sne.s32 s2, $0x0  }
0x9f: {  	s3 =	rddreg [dreg:$0x2];
	[bflag:$0x3] =	sbarrier.arrive $0xFFFF;
	s2 =	simm.s32 @!p0 $0x1C02  }
0xa0: {  	[timem:s3], [sflag:s2] =	dma.local @!p0 [hbm:s0], s1  }
0xa1: {  	s0 =	simm.s32 @!p0 $0x2  }
0xa2: {  	_ =	swait.ge @!p0 [sflag:s0], s1  }
0xa3: {  	s1 =	ssub.s32 @!p0 $0x0, s1;
	[sflag:s0] =	ssyncset.done @!p0 $0x0  }
0xa4: {  	[sflag:s0] =	ssyncadd.s32 @!p0 s1  }
0xa5: {  	[bflag:$0x3] =	sbarrier.arrive $0xFFFF  }
0xa6: {  	_ =	shalt  }

</sc_bundles>
